<compile_context>
chip_gen: v7x
topology: tpu7x:2x2x1
jax: 0.10.2.dev20260603
libtpu: 0.0.44.dev20260713+nightly
codegen_flags: <defaults>
</compile_context>

<pallas_src>
import jax
import jax.numpy as jnp
from jax import lax
from jax.experimental import pallas as pl
from jax.experimental.pallas import tpu as pltpu
from jax.experimental.pallas import tpu_sc as plsc

NC = 2
NS = 16
NW = NC * NS
L = 16
DBLK = 8


def _tec_body(data_hbm, ts_hbm, pe_hbm, out_hbm, pe_c, ts_v,
              data_v0, data_v1, sem_in0, sem_in1, sem_ts0, sem_ts1,
              sem_out0, sem_out1, sem_pe):
    hist, d, batch = data_hbm.shape
    v = pe_hbm.shape[0] // d
    ngrp = d // DBLK
    nq = NW // ngrp
    bq = batch // nq
    wid = lax.axis_index("s") * NC + lax.axis_index("c")
    g = wid // nq
    q = wid % nq
    dbase = g * DBLK
    bbase = q * bq
    sem_in = (sem_in0, sem_in1)
    sem_ts = (sem_ts0, sem_ts1)
    sem_out = (sem_out0, sem_out1)
    data_v = (data_v0, data_v1)

    def in_desc(h, b):
        return pltpu.make_async_copy(
            data_hbm.at[h, pl.ds(dbase, DBLK), pl.ds(bbase, bq)],
            data_v[b], sem_in[b])

    def ts_desc(h, b):
        return pltpu.make_async_copy(
            ts_hbm.at[pl.ds(h * batch + bbase, bq)],
            ts_v.at[pl.ds(b * bq, bq)], sem_ts[b])

    def fire_in(h, b):
        in_desc(h, b).start()
        ts_desc(h, b).start()

    def out_desc(h, b):
        return pltpu.make_async_copy(
            data_v[b],
            out_hbm.at[h, pl.ds(dbase, DBLK), pl.ds(bbase, bq)], sem_out[b])

    def fire_work(h, b):
        ts_desc(h, b).wait()
        in_desc(h, b).wait()

        @plsc.parallel_loop(0, bq // L, 1, unroll=4)
        def add_body(i):
            s16 = pl.ds(i * L, L)
            t = ts_v[pl.ds(b * bq + i * L, L)]
            iv = ((t.astype(jnp.float32) + 0.5) * 0.01).astype(jnp.int32)
            for dl in range(DBLK):
                rows = plsc.load_gather(pe_c, [iv + (dl * v)])
                data_v[b][dl, s16] = data_v[b][dl, s16] + rows
        out_desc(h, b).start()

    for dl in range(DBLK):
        pltpu.async_copy(
            pe_hbm.at[pl.ds((dbase + dl) * v, v)],
            pe_c.at[pl.ds(dl * v, v)], sem_pe).wait()

    fire_in(0, 0)
    fire_in(1, 1)
    fire_work(0, 0)

    def pair_body(p, _):
        h0 = p * 2
        out_desc(h0, 0).wait()
        fire_in(h0 + 2, 0)
        fire_work(h0 + 1, 1)
        out_desc(h0 + 1, 1).wait()
        fire_in(h0 + 3, 1)
        fire_work(h0 + 2, 0)
        return 0

    lax.fori_loop(0, hist // 2 - 1, pair_body, 0)

    hl = hist - 2
    out_desc(hl, 0).wait()
    fire_work(hl + 1, 1)
    out_desc(hl + 1, 1).wait()


@jax.jit
def kernel(data, time_stamps, pe):
    b, h, d = data.shape
    v = pe.shape[0]
    data_t = jnp.transpose(data, (1, 2, 0))
    ts_flat = jnp.transpose(time_stamps, (1, 0)).reshape(h * b)
    pe_flat = jnp.transpose(pe, (1, 0)).reshape(d * v)

    mesh = plsc.VectorSubcoreMesh(
        core_axis_name="c", subcore_axis_name="s", num_cores=NC,
        num_subcores=NS)
    bq = b // (NW // (d // DBLK))
    out_t = pl.kernel(
        _tec_body,
        out_type=jax.ShapeDtypeStruct((h, d, b), jnp.float32),
        mesh=mesh,
        scratch_types=[
            pltpu.VMEM((DBLK * v,), jnp.float32),
            pltpu.VMEM((2 * bq,), jnp.int32),
            pltpu.VMEM((DBLK, bq), jnp.float32),
            pltpu.VMEM((DBLK, bq), jnp.float32),
            pltpu.SemaphoreType.DMA,
            pltpu.SemaphoreType.DMA,
            pltpu.SemaphoreType.DMA,
            pltpu.SemaphoreType.DMA,
            pltpu.SemaphoreType.DMA,
            pltpu.SemaphoreType.DMA,
            pltpu.SemaphoreType.DMA,
        ],
        compiler_params=pltpu.CompilerParams(needs_layout_passes=False),
    )(data_t, ts_flat, pe_flat)
    return jnp.transpose(out_t, (2, 0, 1))

# --- scband reference (transcript-rebuilt; emitter-appended) ---
"""Pipeline reference for scband-time-encoder-7258494730611 (READ-ONLY COPY).

The authoritative reference and input builder live on the scoring server;
editing this copy changes nothing except your own understanding.
"""

import jax, jax.numpy as jnp
import numpy as np
import math

D_MODEL = 64
MAX_LEN = 5000
BATCH = 4096
HIST = 200

def _build_pe():
    position = np.arange(MAX_LEN, dtype=np.float64)[:, None]
    div_term = np.exp(np.arange(0, D_MODEL, 2, dtype=np.float64) * (-math.log(10000.0) / D_MODEL))
    pe = np.zeros((MAX_LEN, D_MODEL), dtype=np.float32)
    pe[:, 0::2] = np.sin(position * div_term).astype(np.float32)
    pe[:, 1::2] = np.cos(position * div_term).astype(np.float32)
    return jnp.asarray(pe)

def setup_inputs(seed: int = 0) -> dict:
    key = jax.random.key(seed)
    k1, k2 = jax.random.split(key)
    data = jax.random.normal(k1, (BATCH, HIST, D_MODEL), dtype=jnp.float32)
    time_stamps = jax.random.randint(k2, (BATCH, HIST), 0, 500000, dtype=jnp.int32)
    pe = _build_pe()
    return {"data": data, "time_stamps": time_stamps, "pe": pe}

def reference(data, time_stamps, pe):
    # time_stamps = torch.div(time_stamps, 100); .long() -> truncation; values are non-negative so floor_div matches
    idx = (time_stamps // 100).astype(jnp.int32)
    # data = data + self.pe[time_stamps]
    out = data + jnp.take(pe, idx, axis=0)
    return out

if __name__ == "__main__":
    import jax
    _d = setup_inputs()
    print(jax.jit(kernel)(*tuple(_d.values())))

</pallas_src>

<mosaic_0001>
#map = affine_map<(d0, d1) -> (0, 0, 0)>
#map1 = affine_map<(d0, d1) -> (0)>
module attributes {stable_mosaic.version = 14 : i64} {
  func.func @_tec_body(%arg0: i32, %arg1: i32, %arg2: memref<200x64x4096xf32, #tpu.memory_space<hbm>>, %arg3: memref<819200xi32, #tpu.memory_space<hbm>>, %arg4: memref<320000xf32, #tpu.memory_space<hbm>>, %arg5: memref<200x64x4096xf32, #tpu.memory_space<hbm>>, %arg6: memref<40000xf32, #tpu.memory_space<vmem>>, %arg7: memref<2048xi32, #tpu.memory_space<vmem>>, %arg8: memref<8x1024xf32, #tpu.memory_space<vmem>>, %arg9: memref<8x1024xf32, #tpu.memory_space<vmem>>, %arg10: memref<!tpu.dma_semaphore, #tpu.memory_space<semaphore_mem>>, %arg11: memref<!tpu.dma_semaphore, #tpu.memory_space<semaphore_mem>>, %arg12: memref<!tpu.dma_semaphore, #tpu.memory_space<semaphore_mem>>, %arg13: memref<!tpu.dma_semaphore, #tpu.memory_space<semaphore_mem>>, %arg14: memref<!tpu.dma_semaphore, #tpu.memory_space<semaphore_mem>>, %arg15: memref<!tpu.dma_semaphore, #tpu.memory_space<semaphore_mem>>, %arg16: memref<!tpu.dma_semaphore, #tpu.memory_space<semaphore_mem>>) attributes {dimension_semantics = [#tpu.dimension_semantics<core_parallel>, #tpu.dimension_semantics<subcore_parallel>], iteration_bounds = array<i64: 2, 16>, scalar_prefetch = 0 : i64, scratch_operands = 11 : i64, tpu.core_type = #tpu.core_type<sc_vector_subcore>, window_params = [{transform_indices = #map}, {transform_indices = #map1}, {transform_indices = #map1}, {transform_indices = #map}]} {
    %mul3A = arith.constant 2 : i32
    %mul3A_0 = arith.muli %arg1, %mul3A : i32
    %add3A = arith.addi %mul3A_0, %arg0 : i32
    %jit3A = arith.constant 4 : i32
    %div3A = arith.divsi %add3A, %jit3A : i32
    %sign3A = arith.constant 0 : i32
    %sign3A_1 = arith.cmpi sgt, %add3A, %sign3A : i32
    %sign3A_2 = arith.extui %sign3A_1 : i1 to i32
    %sign3A_3 = arith.constant 0 : i32
    %sign3A_4 = arith.cmpi slt, %add3A, %sign3A_3 : i32
    %sign3A_5 = arith.extui %sign3A_4 : i1 to i32
    %sign3A_6 = arith.subi %sign3A_2, %sign3A_5 : i32
    %sign3A_7 = arith.constant 0 : i32
    %sign3A_8 = arith.cmpi sgt, %jit3A, %sign3A_7 : i32
    %sign3A_9 = arith.extui %sign3A_8 : i1 to i32
    %sign3A_10 = arith.constant 0 : i32
    %sign3A_11 = arith.cmpi slt, %jit3A, %sign3A_10 : i32
    %sign3A_12 = arith.extui %sign3A_11 : i1 to i32
    %sign3A_13 = arith.subi %sign3A_9, %sign3A_12 : i32
    %ne3A = arith.cmpi ne, %sign3A_6, %sign3A_13 : i32
    %rem3A = arith.remsi %add3A, %jit3A : i32
    %ne3A_14 = arith.constant 0 : i32
    %ne3A_15 = arith.cmpi ne, %rem3A, %ne3A_14 : i32
    %and3A = arith.andi %ne3A, %ne3A_15 : i1
    %sub3A = arith.constant 1 : i32
    %sub3A_16 = arith.subi %div3A, %sub3A : i32
    %select_n3A = arith.select %and3A, %sub3A_16, %div3A : i32
    %jit3A_17 = arith.constant 4 : i32
    %eq3A = arith.constant 0 : i32
    %eq3A_18 = arith.cmpi eq, %jit3A_17, %eq3A : i32
    %jit3A_19 = arith.constant 1 : i32
    %select_n3A_20 = arith.select %eq3A_18, %jit3A_19, %jit3A_17 : i32
    %rem3A_21 = arith.remsi %add3A, %select_n3A_20 : i32
    %ne3A_22 = arith.constant 0 : i32
    %ne3A_23 = arith.cmpi ne, %rem3A_21, %ne3A_22 : i32
    %lt3A = arith.constant 0 : i32
    %lt3A_24 = arith.cmpi slt, %rem3A_21, %lt3A : i32
    %lt3A_25 = arith.constant 0 : i32
    %lt3A_26 = arith.cmpi slt, %select_n3A_20, %lt3A_25 : i32
    %ne3A_27 = arith.xori %lt3A_24, %lt3A_26 : i1
    %and3A_28 = arith.andi %ne3A_27, %ne3A_23 : i1
    %add3A_29 = arith.addi %rem3A_21, %select_n3A_20 : i32
    %select_n3A_30 = arith.select %and3A_28, %add3A_29, %rem3A_21 : i32
    %mul3A_31 = arith.constant 8 : i32
    %mul3A_32 = arith.muli %select_n3A, %mul3A_31 : i32
    %mul3A_33 = arith.constant 1024 : i32
    %mul3A_34 = arith.muli %select_n3A_30, %mul3A_33 : i32
    %add3A_35 = arith.constant 0 : i32
    %add3A_36 = arith.addi %mul3A_32, %add3A_35 : i32
    %mul3A_37 = arith.constant 5000 : i32
    %mul3A_38 = arith.muli %add3A_36, %mul3A_37 : i32
    %dma_start3A = arith.constant 0 : i32
    %dma_start3A_39 = tpu.memref_slice %arg6[%dma_start3A] : memref<40000xf32, #tpu.memory_space<vmem>> -> memref<5000xf32, #tpu.memory_space<vmem>>
    %dma_start3A_40 = tpu.memref_slice %arg4[%mul3A_38] : memref<320000xf32, #tpu.memory_space<hbm>> -> memref<5000xf32, #tpu.memory_space<hbm>>
    %dma_start3A_41 = arith.constant 0 : i32
    %dma_start3A_42 = tpu.memref_slice %arg6[%dma_start3A_41] : memref<40000xf32, #tpu.memory_space<vmem>> -> memref<5000xf32, #tpu.memory_space<vmem>>
    %dma_start3A_43 = tpu.memref_slice %arg4[%mul3A_38] : memref<320000xf32, #tpu.memory_space<hbm>> -> memref<5000xf32, #tpu.memory_space<hbm>>
    tpu.enqueue_dma source(%dma_start3A_43 : memref<5000xf32, #tpu.memory_space<hbm>>) target(%dma_start3A_42 : memref<5000xf32, #tpu.memory_space<vmem>>) target_semaphore(%arg16 : memref<!tpu.dma_semaphore, #tpu.memory_space<semaphore_mem>>)
    %dma_wait3A = arith.constant 0 : i32
    %dma_wait3A_44 = tpu.memref_slice %arg6[%dma_wait3A] : memref<40000xf32, #tpu.memory_space<vmem>> -> memref<5000xf32, #tpu.memory_space<vmem>>
    %dma_wait3A_45 = tpu.memref_slice %arg4[%mul3A_38] : memref<320000xf32, #tpu.memory_space<hbm>> -> memref<5000xf32, #tpu.memory_space<hbm>>
    %dma_wait3A_46 = arith.constant 0 : i32
    %dma_wait3A_47 = tpu.memref_slice %arg6[%dma_wait3A_46] : memref<40000xf32, #tpu.memory_space<vmem>> -> memref<5000xf32, #tpu.memory_space<vmem>>
    %dma_wait3A_48 = tpu.memref_slice %arg4[%mul3A_38] : memref<320000xf32, #tpu.memory_space<hbm>> -> memref<5000xf32, #tpu.memory_space<hbm>>
    tpu.wait_dma2 semaphore(%arg16 : memref<!tpu.dma_semaphore, #tpu.memory_space<semaphore_mem>>) src(%dma_wait3A_48 : memref<5000xf32, #tpu.memory_space<hbm>>) dst(%dma_wait3A_47 : memref<5000xf32, #tpu.memory_space<vmem>>)
    %add3A_49 = arith.constant 1 : i32
    %add3A_50 = arith.addi %mul3A_32, %add3A_49 : i32
    %mul3A_51 = arith.constant 5000 : i32
    %mul3A_52 = arith.muli %add3A_50, %mul3A_51 : i32
    %dma_start3A_53 = arith.constant 5000 : i32
    %dma_start3A_54 = tpu.memref_slice %arg6[%dma_start3A_53] : memref<40000xf32, #tpu.memory_space<vmem>> -> memref<5000xf32, #tpu.memory_space<vmem>>
    %dma_start3A_55 = tpu.memref_slice %arg4[%mul3A_52] : memref<320000xf32, #tpu.memory_space<hbm>> -> memref<5000xf32, #tpu.memory_space<hbm>>
    %dma_start3A_56 = arith.constant 5000 : i32
    %dma_start3A_57 = tpu.memref_slice %arg6[%dma_start3A_56] : memref<40000xf32, #tpu.memory_space<vmem>> -> memref<5000xf32, #tpu.memory_space<vmem>>
    %dma_start3A_58 = tpu.memref_slice %arg4[%mul3A_52] : memref<320000xf32, #tpu.memory_space<hbm>> -> memref<5000xf32, #tpu.memory_space<hbm>>
    tpu.enqueue_dma source(%dma_start3A_58 : memref<5000xf32, #tpu.memory_space<hbm>>) target(%dma_start3A_57 : memref<5000xf32, #tpu.memory_space<vmem>>) target_semaphore(%arg16 : memref<!tpu.dma_semaphore, #tpu.memory_space<semaphore_mem>>)
    %dma_wait3A_59 = arith.constant 5000 : i32
    %dma_wait3A_60 = tpu.memref_slice %arg6[%dma_wait3A_59] : memref<40000xf32, #tpu.memory_space<vmem>> -> memref<5000xf32, #tpu.memory_space<vmem>>
    %dma_wait3A_61 = tpu.memref_slice %arg4[%mul3A_52] : memref<320000xf32, #tpu.memory_space<hbm>> -> memref<5000xf32, #tpu.memory_space<hbm>>
    %dma_wait3A_62 = arith.constant 5000 : i32
    %dma_wait3A_63 = tpu.memref_slice %arg6[%dma_wait3A_62] : memref<40000xf32, #tpu.memory_space<vmem>> -> memref<5000xf32, #tpu.memory_space<vmem>>
    %dma_wait3A_64 = tpu.memref_slice %arg4[%mul3A_52] : memref<320000xf32, #tpu.memory_space<hbm>> -> memref<5000xf32, #tpu.memory_space<hbm>>
    tpu.wait_dma2 semaphore(%arg16 : memref<!tpu.dma_semaphore, #tpu.memory_space<semaphore_mem>>) src(%dma_wait3A_64 : memref<5000xf32, #tpu.memory_space<hbm>>) dst(%dma_wait3A_63 : memref<5000xf32, #tpu.memory_space<vmem>>)
    %add3A_65 = arith.constant 2 : i32
    %add3A_66 = arith.addi %mul3A_32, %add3A_65 : i32
    %mul3A_67 = arith.constant 5000 : i32
    %mul3A_68 = arith.muli %add3A_66, %mul3A_67 : i32
    %dma_start3A_69 = arith.constant 10000 : i32
    %dma_start3A_70 = tpu.memref_slice %arg6[%dma_start3A_69] : memref<40000xf32, #tpu.memory_space<vmem>> -> memref<5000xf32, #tpu.memory_space<vmem>>
    %dma_start3A_71 = tpu.memref_slice %arg4[%mul3A_68] : memref<320000xf32, #tpu.memory_space<hbm>> -> memref<5000xf32, #tpu.memory_space<hbm>>
    %dma_start3A_72 = arith.constant 10000 : i32
    %dma_start3A_73 = tpu.memref_slice %arg6[%dma_start3A_72] : memref<40000xf32, #tpu.memory_space<vmem>> -> memref<5000xf32, #tpu.memory_space<vmem>>
    %dma_start3A_74 = tpu.memref_slice %arg4[%mul3A_68] : memref<320000xf32, #tpu.memory_space<hbm>> -> memref<5000xf32, #tpu.memory_space<hbm>>
    tpu.enqueue_dma source(%dma_start3A_74 : memref<5000xf32, #tpu.memory_space<hbm>>) target(%dma_start3A_73 : memref<5000xf32, #tpu.memory_space<vmem>>) target_semaphore(%arg16 : memref<!tpu.dma_semaphore, #tpu.memory_space<semaphore_mem>>)
    %dma_wait3A_75 = arith.constant 10000 : i32
    %dma_wait3A_76 = tpu.memref_slice %arg6[%dma_wait3A_75] : memref<40000xf32, #tpu.memory_space<vmem>> -> memref<5000xf32, #tpu.memory_space<vmem>>
    %dma_wait3A_77 = tpu.memref_slice %arg4[%mul3A_68] : memref<320000xf32, #tpu.memory_space<hbm>> -> memref<5000xf32, #tpu.memory_space<hbm>>
    %dma_wait3A_78 = arith.constant 10000 : i32
    %dma_wait3A_79 = tpu.memref_slice %arg6[%dma_wait3A_78] : memref<40000xf32, #tpu.memory_space<vmem>> -> memref<5000xf32, #tpu.memory_space<vmem>>
    %dma_wait3A_80 = tpu.memref_slice %arg4[%mul3A_68] : memref<320000xf32, #tpu.memory_space<hbm>> -> memref<5000xf32, #tpu.memory_space<hbm>>
    tpu.wait_dma2 semaphore(%arg16 : memref<!tpu.dma_semaphore, #tpu.memory_space<semaphore_mem>>) src(%dma_wait3A_80 : memref<5000xf32, #tpu.memory_space<hbm>>) dst(%dma_wait3A_79 : memref<5000xf32, #tpu.memory_space<vmem>>)
    %add3A_81 = arith.constant 3 : i32
    %add3A_82 = arith.addi %mul3A_32, %add3A_81 : i32
    %mul3A_83 = arith.constant 5000 : i32
    %mul3A_84 = arith.muli %add3A_82, %mul3A_83 : i32
    %dma_start3A_85 = arith.constant 15000 : i32
    %dma_start3A_86 = tpu.memref_slice %arg6[%dma_start3A_85] : memref<40000xf32, #tpu.memory_space<vmem>> -> memref<5000xf32, #tpu.memory_space<vmem>>
    %dma_start3A_87 = tpu.memref_slice %arg4[%mul3A_84] : memref<320000xf32, #tpu.memory_space<hbm>> -> memref<5000xf32, #tpu.memory_space<hbm>>
    %dma_start3A_88 = arith.constant 15000 : i32
    %dma_start3A_89 = tpu.memref_slice %arg6[%dma_start3A_88] : memref<40000xf32, #tpu.memory_space<vmem>> -> memref<5000xf32, #tpu.memory_space<vmem>>
    %dma_start3A_90 = tpu.memref_slice %arg4[%mul3A_84] : memref<320000xf32, #tpu.memory_space<hbm>> -> memref<5000xf32, #tpu.memory_space<hbm>>
    tpu.enqueue_dma source(%dma_start3A_90 : memref<5000xf32, #tpu.memory_space<hbm>>) target(%dma_start3A_89 : memref<5000xf32, #tpu.memory_space<vmem>>) target_semaphore(%arg16 : memref<!tpu.dma_semaphore, #tpu.memory_space<semaphore_mem>>)
    %dma_wait3A_91 = arith.constant 15000 : i32
    %dma_wait3A_92 = tpu.memref_slice %arg6[%dma_wait3A_91] : memref<40000xf32, #tpu.memory_space<vmem>> -> memref<5000xf32, #tpu.memory_space<vmem>>
    %dma_wait3A_93 = tpu.memref_slice %arg4[%mul3A_84] : memref<320000xf32, #tpu.memory_space<hbm>> -> memref<5000xf32, #tpu.memory_space<hbm>>
    %dma_wait3A_94 = arith.constant 15000 : i32
    %dma_wait3A_95 = tpu.memref_slice %arg6[%dma_wait3A_94] : memref<40000xf32, #tpu.memory_space<vmem>> -> memref<5000xf32, #tpu.memory_space<vmem>>
    %dma_wait3A_96 = tpu.memref_slice %arg4[%mul3A_84] : memref<320000xf32, #tpu.memory_space<hbm>> -> memref<5000xf32, #tpu.memory_space<hbm>>
    tpu.wait_dma2 semaphore(%arg16 : memref<!tpu.dma_semaphore, #tpu.memory_space<semaphore_mem>>) src(%dma_wait3A_96 : memref<5000xf32, #tpu.memory_space<hbm>>) dst(%dma_wait3A_95 : memref<5000xf32, #tpu.memory_space<vmem>>)
    %add3A_97 = arith.constant 4 : i32
    %add3A_98 = arith.addi %mul3A_32, %add3A_97 : i32
    %mul3A_99 = arith.constant 5000 : i32
    %mul3A_100 = arith.muli %add3A_98, %mul3A_99 : i32
    %dma_start3A_101 = arith.constant 20000 : i32
    %dma_start3A_102 = tpu.memref_slice %arg6[%dma_start3A_101] : memref<40000xf32, #tpu.memory_space<vmem>> -> memref<5000xf32, #tpu.memory_space<vmem>>
    %dma_start3A_103 = tpu.memref_slice %arg4[%mul3A_100] : memref<320000xf32, #tpu.memory_space<hbm>> -> memref<5000xf32, #tpu.memory_space<hbm>>
    %dma_start3A_104 = arith.constant 20000 : i32
    %dma_start3A_105 = tpu.memref_slice %arg6[%dma_start3A_104] : memref<40000xf32, #tpu.memory_space<vmem>> -> memref<5000xf32, #tpu.memory_space<vmem>>
    %dma_start3A_106 = tpu.memref_slice %arg4[%mul3A_100] : memref<320000xf32, #tpu.memory_space<hbm>> -> memref<5000xf32, #tpu.memory_space<hbm>>
    tpu.enqueue_dma source(%dma_start3A_106 : memref<5000xf32, #tpu.memory_space<hbm>>) target(%dma_start3A_105 : memref<5000xf32, #tpu.memory_space<vmem>>) target_semaphore(%arg16 : memref<!tpu.dma_semaphore, #tpu.memory_space<semaphore_mem>>)
    %dma_wait3A_107 = arith.constant 20000 : i32
    %dma_wait3A_108 = tpu.memref_slice %arg6[%dma_wait3A_107] : memref<40000xf32, #tpu.memory_space<vmem>> -> memref<5000xf32, #tpu.memory_space<vmem>>
    %dma_wait3A_109 = tpu.memref_slice %arg4[%mul3A_100] : memref<320000xf32, #tpu.memory_space<hbm>> -> memref<5000xf32, #tpu.memory_space<hbm>>
    %dma_wait3A_110 = arith.constant 20000 : i32
    %dma_wait3A_111 = tpu.memref_slice %arg6[%dma_wait3A_110] : memref<40000xf32, #tpu.memory_space<vmem>> -> memref<5000xf32, #tpu.memory_space<vmem>>
    %dma_wait3A_112 = tpu.memref_slice %arg4[%mul3A_100] : memref<320000xf32, #tpu.memory_space<hbm>> -> memref<5000xf32, #tpu.memory_space<hbm>>
    tpu.wait_dma2 semaphore(%arg16 : memref<!tpu.dma_semaphore, #tpu.memory_space<semaphore_mem>>) src(%dma_wait3A_112 : memref<5000xf32, #tpu.memory_space<hbm>>) dst(%dma_wait3A_111 : memref<5000xf32, #tpu.memory_space<vmem>>)
    %add3A_113 = arith.constant 5 : i32
    %add3A_114 = arith.addi %mul3A_32, %add3A_113 : i32
    %mul3A_115 = arith.constant 5000 : i32
    %mul3A_116 = arith.muli %add3A_114, %mul3A_115 : i32
    %dma_start3A_117 = arith.constant 25000 : i32
    %dma_start3A_118 = tpu.memref_slice %arg6[%dma_start3A_117] : memref<40000xf32, #tpu.memory_space<vmem>> -> memref<5000xf32, #tpu.memory_space<vmem>>
    %dma_start3A_119 = tpu.memref_slice %arg4[%mul3A_116] : memref<320000xf32, #tpu.memory_space<hbm>> -> memref<5000xf32, #tpu.memory_space<hbm>>
    %dma_start3A_120 = arith.constant 25000 : i32
    %dma_start3A_121 = tpu.memref_slice %arg6[%dma_start3A_120] : memref<40000xf32, #tpu.memory_space<vmem>> -> memref<5000xf32, #tpu.memory_space<vmem>>
    %dma_start3A_122 = tpu.memref_slice %arg4[%mul3A_116] : memref<320000xf32, #tpu.memory_space<hbm>> -> memref<5000xf32, #tpu.memory_space<hbm>>
    tpu.enqueue_dma source(%dma_start3A_122 : memref<5000xf32, #tpu.memory_space<hbm>>) target(%dma_start3A_121 : memref<5000xf32, #tpu.memory_space<vmem>>) target_semaphore(%arg16 : memref<!tpu.dma_semaphore, #tpu.memory_space<semaphore_mem>>)
    %dma_wait3A_123 = arith.constant 25000 : i32
    %dma_wait3A_124 = tpu.memref_slice %arg6[%dma_wait3A_123] : memref<40000xf32, #tpu.memory_space<vmem>> -> memref<5000xf32, #tpu.memory_space<vmem>>
    %dma_wait3A_125 = tpu.memref_slice %arg4[%mul3A_116] : memref<320000xf32, #tpu.memory_space<hbm>> -> memref<5000xf32, #tpu.memory_space<hbm>>
    %dma_wait3A_126 = arith.constant 25000 : i32
    %dma_wait3A_127 = tpu.memref_slice %arg6[%dma_wait3A_126] : memref<40000xf32, #tpu.memory_space<vmem>> -> memref<5000xf32, #tpu.memory_space<vmem>>
    %dma_wait3A_128 = tpu.memref_slice %arg4[%mul3A_116] : memref<320000xf32, #tpu.memory_space<hbm>> -> memref<5000xf32, #tpu.memory_space<hbm>>
    tpu.wait_dma2 semaphore(%arg16 : memref<!tpu.dma_semaphore, #tpu.memory_space<semaphore_mem>>) src(%dma_wait3A_128 : memref<5000xf32, #tpu.memory_space<hbm>>) dst(%dma_wait3A_127 : memref<5000xf32, #tpu.memory_space<vmem>>)
    %add3A_129 = arith.constant 6 : i32
    %add3A_130 = arith.addi %mul3A_32, %add3A_129 : i32
    %mul3A_131 = arith.constant 5000 : i32
    %mul3A_132 = arith.muli %add3A_130, %mul3A_131 : i32
    %dma_start3A_133 = arith.constant 30000 : i32
    %dma_start3A_134 = tpu.memref_slice %arg6[%dma_start3A_133] : memref<40000xf32, #tpu.memory_space<vmem>> -> memref<5000xf32, #tpu.memory_space<vmem>>
    %dma_start3A_135 = tpu.memref_slice %arg4[%mul3A_132] : memref<320000xf32, #tpu.memory_space<hbm>> -> memref<5000xf32, #tpu.memory_space<hbm>>
    %dma_start3A_136 = arith.constant 30000 : i32
    %dma_start3A_137 = tpu.memref_slice %arg6[%dma_start3A_136] : memref<40000xf32, #tpu.memory_space<vmem>> -> memref<5000xf32, #tpu.memory_space<vmem>>
    %dma_start3A_138 = tpu.memref_slice %arg4[%mul3A_132] : memref<320000xf32, #tpu.memory_space<hbm>> -> memref<5000xf32, #tpu.memory_space<hbm>>
    tpu.enqueue_dma source(%dma_start3A_138 : memref<5000xf32, #tpu.memory_space<hbm>>) target(%dma_start3A_137 : memref<5000xf32, #tpu.memory_space<vmem>>) target_semaphore(%arg16 : memref<!tpu.dma_semaphore, #tpu.memory_space<semaphore_mem>>)
    %dma_wait3A_139 = arith.constant 30000 : i32
    %dma_wait3A_140 = tpu.memref_slice %arg6[%dma_wait3A_139] : memref<40000xf32, #tpu.memory_space<vmem>> -> memref<5000xf32, #tpu.memory_space<vmem>>
    %dma_wait3A_141 = tpu.memref_slice %arg4[%mul3A_132] : memref<320000xf32, #tpu.memory_space<hbm>> -> memref<5000xf32, #tpu.memory_space<hbm>>
    %dma_wait3A_142 = arith.constant 30000 : i32
    %dma_wait3A_143 = tpu.memref_slice %arg6[%dma_wait3A_142] : memref<40000xf32, #tpu.memory_space<vmem>> -> memref<5000xf32, #tpu.memory_space<vmem>>
    %dma_wait3A_144 = tpu.memref_slice %arg4[%mul3A_132] : memref<320000xf32, #tpu.memory_space<hbm>> -> memref<5000xf32, #tpu.memory_space<hbm>>
    tpu.wait_dma2 semaphore(%arg16 : memref<!tpu.dma_semaphore, #tpu.memory_space<semaphore_mem>>) src(%dma_wait3A_144 : memref<5000xf32, #tpu.memory_space<hbm>>) dst(%dma_wait3A_143 : memref<5000xf32, #tpu.memory_space<vmem>>)
    %add3A_145 = arith.constant 7 : i32
    %add3A_146 = arith.addi %mul3A_32, %add3A_145 : i32
    %mul3A_147 = arith.constant 5000 : i32
    %mul3A_148 = arith.muli %add3A_146, %mul3A_147 : i32
    %dma_start3A_149 = arith.constant 35000 : i32
    %dma_start3A_150 = tpu.memref_slice %arg6[%dma_start3A_149] : memref<40000xf32, #tpu.memory_space<vmem>> -> memref<5000xf32, #tpu.memory_space<vmem>>
    %dma_start3A_151 = tpu.memref_slice %arg4[%mul3A_148] : memref<320000xf32, #tpu.memory_space<hbm>> -> memref<5000xf32, #tpu.memory_space<hbm>>
    %dma_start3A_152 = arith.constant 35000 : i32
    %dma_start3A_153 = tpu.memref_slice %arg6[%dma_start3A_152] : memref<40000xf32, #tpu.memory_space<vmem>> -> memref<5000xf32, #tpu.memory_space<vmem>>
    %dma_start3A_154 = tpu.memref_slice %arg4[%mul3A_148] : memref<320000xf32, #tpu.memory_space<hbm>> -> memref<5000xf32, #tpu.memory_space<hbm>>
    tpu.enqueue_dma source(%dma_start3A_154 : memref<5000xf32, #tpu.memory_space<hbm>>) target(%dma_start3A_153 : memref<5000xf32, #tpu.memory_space<vmem>>) target_semaphore(%arg16 : memref<!tpu.dma_semaphore, #tpu.memory_space<semaphore_mem>>)
    %dma_wait3A_155 = arith.constant 35000 : i32
    %dma_wait3A_156 = tpu.memref_slice %arg6[%dma_wait3A_155] : memref<40000xf32, #tpu.memory_space<vmem>> -> memref<5000xf32, #tpu.memory_space<vmem>>
    %dma_wait3A_157 = tpu.memref_slice %arg4[%mul3A_148] : memref<320000xf32, #tpu.memory_space<hbm>> -> memref<5000xf32, #tpu.memory_space<hbm>>
    %dma_wait3A_158 = arith.constant 35000 : i32
    %dma_wait3A_159 = tpu.memref_slice %arg6[%dma_wait3A_158] : memref<40000xf32, #tpu.memory_space<vmem>> -> memref<5000xf32, #tpu.memory_space<vmem>>
    %dma_wait3A_160 = tpu.memref_slice %arg4[%mul3A_148] : memref<320000xf32, #tpu.memory_space<hbm>> -> memref<5000xf32, #tpu.memory_space<hbm>>
    tpu.wait_dma2 semaphore(%arg16 : memref<!tpu.dma_semaphore, #tpu.memory_space<semaphore_mem>>) src(%dma_wait3A_160 : memref<5000xf32, #tpu.memory_space<hbm>>) dst(%dma_wait3A_159 : memref<5000xf32, #tpu.memory_space<vmem>>)
    %dma_start3A_161 = arith.constant 0 : i32
    %dma_start3A_162 = tpu.memref_slice %arg2[%dma_start3A_161, %mul3A_32, %mul3A_34] : memref<200x64x4096xf32, #tpu.memory_space<hbm>> -> memref<1x8x1024xf32, #tpu.memory_space<hbm>>
    %dma_start3A_163 = tpu.memref_squeeze %dma_start3A_162 : memref<1x8x1024xf32, #tpu.memory_space<hbm>> -> memref<8x1024xf32, #tpu.memory_space<hbm>>
    %dma_start3A_164 = tpu.memref_slice %arg2[%dma_start3A_161, %mul3A_32, %mul3A_34] : memref<200x64x4096xf32, #tpu.memory_space<hbm>> -> memref<1x8x1024xf32, #tpu.memory_space<hbm>>
    %dma_start3A_165 = tpu.memref_squeeze %dma_start3A_164 : memref<1x8x1024xf32, #tpu.memory_space<hbm>> -> memref<8x1024xf32, #tpu.memory_space<hbm>>
    tpu.enqueue_dma source(%dma_start3A_165 : memref<8x1024xf32, #tpu.memory_space<hbm>>) target(%arg8 : memref<8x1024xf32, #tpu.memory_space<vmem>>) target_semaphore(%arg10 : memref<!tpu.dma_semaphore, #tpu.memory_space<semaphore_mem>>)
    %add3A_166 = arith.constant 0 : i32
    %add3A_167 = arith.addi %add3A_166, %mul3A_34 : i32
    %dma_start3A_168 = arith.constant 0 : i32
    %dma_start3A_169 = tpu.memref_slice %arg7[%dma_start3A_168] : memref<2048xi32, #tpu.memory_space<vmem>> -> memref<1024xi32, #tpu.memory_space<vmem>>
    %dma_start3A_170 = tpu.memref_slice %arg3[%add3A_167] : memref<819200xi32, #tpu.memory_space<hbm>> -> memref<1024xi32, #tpu.memory_space<hbm>>
    %dma_start3A_171 = arith.constant 0 : i32
    %dma_start3A_172 = tpu.memref_slice %arg7[%dma_start3A_171] : memref<2048xi32, #tpu.memory_space<vmem>> -> memref<1024xi32, #tpu.memory_space<vmem>>
    %dma_start3A_173 = tpu.memref_slice %arg3[%add3A_167] : memref<819200xi32, #tpu.memory_space<hbm>> -> memref<1024xi32, #tpu.memory_space<hbm>>
    tpu.enqueue_dma source(%dma_start3A_173 : memref<1024xi32, #tpu.memory_space<hbm>>) target(%dma_start3A_172 : memref<1024xi32, #tpu.memory_space<vmem>>) target_semaphore(%arg12 : memref<!tpu.dma_semaphore, #tpu.memory_space<semaphore_mem>>)
    %dma_start3A_174 = arith.constant 1 : i32
    %dma_start3A_175 = tpu.memref_slice %arg2[%dma_start3A_174, %mul3A_32, %mul3A_34] : memref<200x64x4096xf32, #tpu.memory_space<hbm>> -> memref<1x8x1024xf32, #tpu.memory_space<hbm>>
    %dma_start3A_176 = tpu.memref_squeeze %dma_start3A_175 : memref<1x8x1024xf32, #tpu.memory_space<hbm>> -> memref<8x1024xf32, #tpu.memory_space<hbm>>
    %dma_start3A_177 = tpu.memref_slice %arg2[%dma_start3A_174, %mul3A_32, %mul3A_34] : memref<200x64x4096xf32, #tpu.memory_space<hbm>> -> memref<1x8x1024xf32, #tpu.memory_space<hbm>>
    %dma_start3A_178 = tpu.memref_squeeze %dma_start3A_177 : memref<1x8x1024xf32, #tpu.memory_space<hbm>> -> memref<8x1024xf32, #tpu.memory_space<hbm>>
    tpu.enqueue_dma source(%dma_start3A_178 : memref<8x1024xf32, #tpu.memory_space<hbm>>) target(%arg9 : memref<8x1024xf32, #tpu.memory_space<vmem>>) target_semaphore(%arg11 : memref<!tpu.dma_semaphore, #tpu.memory_space<semaphore_mem>>)
    %add3A_179 = arith.constant 4096 : i32
    %add3A_180 = arith.addi %add3A_179, %mul3A_34 : i32
    %dma_start3A_181 = arith.constant 1024 : i32
    %dma_start3A_182 = tpu.memref_slice %arg7[%dma_start3A_181] : memref<2048xi32, #tpu.memory_space<vmem>> -> memref<1024xi32, #tpu.memory_space<vmem>>
    %dma_start3A_183 = tpu.memref_slice %arg3[%add3A_180] : memref<819200xi32, #tpu.memory_space<hbm>> -> memref<1024xi32, #tpu.memory_space<hbm>>
    %dma_start3A_184 = arith.constant 1024 : i32
    %dma_start3A_185 = tpu.memref_slice %arg7[%dma_start3A_184] : memref<2048xi32, #tpu.memory_space<vmem>> -> memref<1024xi32, #tpu.memory_space<vmem>>
    %dma_start3A_186 = tpu.memref_slice %arg3[%add3A_180] : memref<819200xi32, #tpu.memory_space<hbm>> -> memref<1024xi32, #tpu.memory_space<hbm>>
    tpu.enqueue_dma source(%dma_start3A_186 : memref<1024xi32, #tpu.memory_space<hbm>>) target(%dma_start3A_185 : memref<1024xi32, #tpu.memory_space<vmem>>) target_semaphore(%arg13 : memref<!tpu.dma_semaphore, #tpu.memory_space<semaphore_mem>>)
    %add3A_187 = arith.constant 0 : i32
    %add3A_188 = arith.addi %add3A_187, %mul3A_34 : i32
    %dma_wait3A_189 = arith.constant 0 : i32
    %dma_wait3A_190 = tpu.memref_slice %arg7[%dma_wait3A_189] : memref<2048xi32, #tpu.memory_space<vmem>> -> memref<1024xi32, #tpu.memory_space<vmem>>
    %dma_wait3A_191 = tpu.memref_slice %arg3[%add3A_188] : memref<819200xi32, #tpu.memory_space<hbm>> -> memref<1024xi32, #tpu.memory_space<hbm>>
    %dma_wait3A_192 = arith.constant 0 : i32
    %dma_wait3A_193 = tpu.memref_slice %arg7[%dma_wait3A_192] : memref<2048xi32, #tpu.memory_space<vmem>> -> memref<1024xi32, #tpu.memory_space<vmem>>
    %dma_wait3A_194 = tpu.memref_slice %arg3[%add3A_188] : memref<819200xi32, #tpu.memory_space<hbm>> -> memref<1024xi32, #tpu.memory_space<hbm>>
    tpu.wait_dma2 semaphore(%arg12 : memref<!tpu.dma_semaphore, #tpu.memory_space<semaphore_mem>>) src(%dma_wait3A_194 : memref<1024xi32, #tpu.memory_space<hbm>>) dst(%dma_wait3A_193 : memref<1024xi32, #tpu.memory_space<vmem>>)
    %dma_wait3A_195 = arith.constant 0 : i32
    %dma_wait3A_196 = tpu.memref_slice %arg2[%dma_wait3A_195, %mul3A_32, %mul3A_34] : memref<200x64x4096xf32, #tpu.memory_space<hbm>> -> memref<1x8x1024xf32, #tpu.memory_space<hbm>>
    %dma_wait3A_197 = tpu.memref_squeeze %dma_wait3A_196 : memref<1x8x1024xf32, #tpu.memory_space<hbm>> -> memref<8x1024xf32, #tpu.memory_space<hbm>>
    %dma_wait3A_198 = tpu.memref_slice %arg2[%dma_wait3A_195, %mul3A_32, %mul3A_34] : memref<200x64x4096xf32, #tpu.memory_space<hbm>> -> memref<1x8x1024xf32, #tpu.memory_space<hbm>>
    %dma_wait3A_199 = tpu.memref_squeeze %dma_wait3A_198 : memref<1x8x1024xf32, #tpu.memory_space<hbm>> -> memref<8x1024xf32, #tpu.memory_space<hbm>>
    tpu.wait_dma2 semaphore(%arg10 : memref<!tpu.dma_semaphore, #tpu.memory_space<semaphore_mem>>) src(%dma_wait3A_199 : memref<8x1024xf32, #tpu.memory_space<hbm>>) dst(%arg8 : memref<8x1024xf32, #tpu.memory_space<vmem>>)
    %parallel_loop3A = arith.constant 0 : i32
    %parallel_loop3A_200 = arith.constant 64 : i32
    %parallel_loop3A_201 = arith.constant 1 : i32
    scf.for %parallel_loop3A_244 = %parallel_loop3A to %parallel_loop3A_200 step %parallel_loop3A_201  : i32 {
      %parallel_loop3A_245 = arith.constant 16 : i32
      %parallel_loop3A_246 = arith.muli %parallel_loop3A_244, %parallel_loop3A_245 : i32
      %parallel_loop3A_247 = arith.constant 16 : i32
      %parallel_loop3A_248 = arith.muli %parallel_loop3A_244, %parallel_loop3A_247 : i32
      %parallel_loop3A_249 = arith.constant 0 : i32
      %parallel_loop3A_250 = arith.addi %parallel_loop3A_249, %parallel_loop3A_248 : i32
      %parallel_loop3A_251 = arith.index_cast %parallel_loop3A_250 : i32 to index
      %parallel_loop3A_252 = tpu.vector_load %arg7[%parallel_loop3A_251] {strides = array<i32>} : memref<2048xi32, #tpu.memory_space<vmem>>, vector<16xi32>,
      %parallel_loop3A_253 = arith.sitofp %parallel_loop3A_252 : vector<16xi32> to vector<16xf32>
      %parallel_loop3A_254 = arith.constant 5.000000e-01 : f32
      %parallel_loop3A_255 = vector.broadcast %parallel_loop3A_254 : f32 to vector<16xf32>
      %parallel_loop3A_256 = arith.addf %parallel_loop3A_253, %parallel_loop3A_255 : vector<16xf32>
      %parallel_loop3A_257 = arith.constant 0.00999999977 : f32
      %parallel_loop3A_258 = vector.broadcast %parallel_loop3A_257 : f32 to vector<16xf32>
      %parallel_loop3A_259 = arith.mulf %parallel_loop3A_256, %parallel_loop3A_258 : vector<16xf32>
      %parallel_loop3A_260 = arith.fptosi %parallel_loop3A_259 : vector<16xf32> to vector<16xi32>
      %parallel_loop3A_261 = arith.constant 0 : i32
      %parallel_loop3A_262 = vector.broadcast %parallel_loop3A_261 : i32 to vector<16xi32>
      %parallel_loop3A_263 = arith.addi %parallel_loop3A_260, %parallel_loop3A_262 : vector<16xi32>
      %parallel_loop3A_264 = tpu.vector_load_idx %arg6[%parallel_loop3A_263] : memref<40000xf32, #tpu.memory_space<vmem>>[vector<16xi32>], vector<16xf32>,
      %parallel_loop3A_265 = arith.constant 0 : i32
      %parallel_loop3A_266 = arith.index_cast %parallel_loop3A_265 : i32 to index
      %parallel_loop3A_267 = arith.index_cast %parallel_loop3A_246 : i32 to index
      %parallel_loop3A_268 = tpu.vector_load %arg8[%parallel_loop3A_266, %parallel_loop3A_267] {strides = array<i32>} : memref<8x1024xf32, #tpu.memory_space<vmem>>, vector<16xf32>,
      %parallel_loop3A_269 = arith.addf %parallel_loop3A_268, %parallel_loop3A_264 : vector<16xf32>
      %parallel_loop3A_270 = arith.constant 0 : i32
      %parallel_loop3A_271 = arith.index_cast %parallel_loop3A_270 : i32 to index
      %parallel_loop3A_272 = arith.index_cast %parallel_loop3A_246 : i32 to index
      %parallel_loop3A_273 = tpu.vector_load %arg8[%parallel_loop3A_271, %parallel_loop3A_272] {strides = array<i32>} : memref<8x1024xf32, #tpu.memory_space<vmem>>, vector<16xf32>,
      tpu.vector_store %arg8[%parallel_loop3A_271, %parallel_loop3A_272], %parallel_loop3A_269 {strides = array<i32>} : memref<8x1024xf32, #tpu.memory_space<vmem>>, vector<16xf32>,
      %parallel_loop3A_274 = arith.constant 5000 : i32
      %parallel_loop3A_275 = vector.broadcast %parallel_loop3A_274 : i32 to vector<16xi32>
      %parallel_loop3A_276 = arith.addi %parallel_loop3A_260, %parallel_loop3A_275 : vector<16xi32>
      %parallel_loop3A_277 = tpu.vector_load_idx %arg6[%parallel_loop3A_276] : memref<40000xf32, #tpu.memory_space<vmem>>[vector<16xi32>], vector<16xf32>,
      %parallel_loop3A_278 = arith.constant 1 : i32
      %parallel_loop3A_279 = arith.index_cast %parallel_loop3A_278 : i32 to index
      %parallel_loop3A_280 = arith.index_cast %parallel_loop3A_246 : i32 to index
      %parallel_loop3A_281 = tpu.vector_load %arg8[%parallel_loop3A_279, %parallel_loop3A_280] {strides = array<i32>} : memref<8x1024xf32, #tpu.memory_space<vmem>>, vector<16xf32>,
      %parallel_loop3A_282 = arith.addf %parallel_loop3A_281, %parallel_loop3A_277 : vector<16xf32>
      %parallel_loop3A_283 = arith.constant 1 : i32
      %parallel_loop3A_284 = arith.index_cast %parallel_loop3A_283 : i32 to index
      %parallel_loop3A_285 = arith.index_cast %parallel_loop3A_246 : i32 to index
      %parallel_loop3A_286 = tpu.vector_load %arg8[%parallel_loop3A_284, %parallel_loop3A_285] {strides = array<i32>} : memref<8x1024xf32, #tpu.memory_space<vmem>>, vector<16xf32>,
      tpu.vector_store %arg8[%parallel_loop3A_284, %parallel_loop3A_285], %parallel_loop3A_282 {strides = array<i32>} : memref<8x1024xf32, #tpu.memory_space<vmem>>, vector<16xf32>,
      %parallel_loop3A_287 = arith.constant 10000 : i32
      %parallel_loop3A_288 = vector.broadcast %parallel_loop3A_287 : i32 to vector<16xi32>
      %parallel_loop3A_289 = arith.addi %parallel_loop3A_260, %parallel_loop3A_288 : vector<16xi32>
      %parallel_loop3A_290 = tpu.vector_load_idx %arg6[%parallel_loop3A_289] : memref<40000xf32, #tpu.memory_space<vmem>>[vector<16xi32>], vector<16xf32>,
      %parallel_loop3A_291 = arith.constant 2 : i32
      %parallel_loop3A_292 = arith.index_cast %parallel_loop3A_291 : i32 to index
      %parallel_loop3A_293 = arith.index_cast %parallel_loop3A_246 : i32 to index
      %parallel_loop3A_294 = tpu.vector_load %arg8[%parallel_loop3A_292, %parallel_loop3A_293] {strides = array<i32>} : memref<8x1024xf32, #tpu.memory_space<vmem>>, vector<16xf32>,
      %parallel_loop3A_295 = arith.addf %parallel_loop3A_294, %parallel_loop3A_290 : vector<16xf32>
      %parallel_loop3A_296 = arith.constant 2 : i32
      %parallel_loop3A_297 = arith.index_cast %parallel_loop3A_296 : i32 to index
      %parallel_loop3A_298 = arith.index_cast %parallel_loop3A_246 : i32 to index
      %parallel_loop3A_299 = tpu.vector_load %arg8[%parallel_loop3A_297, %parallel_loop3A_298] {strides = array<i32>} : memref<8x1024xf32, #tpu.memory_space<vmem>>, vector<16xf32>,
      tpu.vector_store %arg8[%parallel_loop3A_297, %parallel_loop3A_298], %parallel_loop3A_295 {strides = array<i32>} : memref<8x1024xf32, #tpu.memory_space<vmem>>, vector<16xf32>,
      %parallel_loop3A_300 = arith.constant 15000 : i32
      %parallel_loop3A_301 = vector.broadcast %parallel_loop3A_300 : i32 to vector<16xi32>
      %parallel_loop3A_302 = arith.addi %parallel_loop3A_260, %parallel_loop3A_301 : vector<16xi32>
      %parallel_loop3A_303 = tpu.vector_load_idx %arg6[%parallel_loop3A_302] : memref<40000xf32, #tpu.memory_space<vmem>>[vector<16xi32>], vector<16xf32>,
      %parallel_loop3A_304 = arith.constant 3 : i32
      %parallel_loop3A_305 = arith.index_cast %parallel_loop3A_304 : i32 to index
      %parallel_loop3A_306 = arith.index_cast %parallel_loop3A_246 : i32 to index
      %parallel_loop3A_307 = tpu.vector_load %arg8[%parallel_loop3A_305, %parallel_loop3A_306] {strides = array<i32>} : memref<8x1024xf32, #tpu.memory_space<vmem>>, vector<16xf32>,
      %parallel_loop3A_308 = arith.addf %parallel_loop3A_307, %parallel_loop3A_303 : vector<16xf32>
      %parallel_loop3A_309 = arith.constant 3 : i32
      %parallel_loop3A_310 = arith.index_cast %parallel_loop3A_309 : i32 to index
      %parallel_loop3A_311 = arith.index_cast %parallel_loop3A_246 : i32 to index
      %parallel_loop3A_312 = tpu.vector_load %arg8[%parallel_loop3A_310, %parallel_loop3A_311] {strides = array<i32>} : memref<8x1024xf32, #tpu.memory_space<vmem>>, vector<16xf32>,
      tpu.vector_store %arg8[%parallel_loop3A_310, %parallel_loop3A_311], %parallel_loop3A_308 {strides = array<i32>} : memref<8x1024xf32, #tpu.memory_space<vmem>>, vector<16xf32>,
      %parallel_loop3A_313 = arith.constant 20000 : i32
      %parallel_loop3A_314 = vector.broadcast %parallel_loop3A_313 : i32 to vector<16xi32>
      %parallel_loop3A_315 = arith.addi %parallel_loop3A_260, %parallel_loop3A_314 : vector<16xi32>
      %parallel_loop3A_316 = tpu.vector_load_idx %arg6[%parallel_loop3A_315] : memref<40000xf32, #tpu.memory_space<vmem>>[vector<16xi32>], vector<16xf32>,
      %parallel_loop3A_317 = arith.constant 4 : i32
      %parallel_loop3A_318 = arith.index_cast %parallel_loop3A_317 : i32 to index
      %parallel_loop3A_319 = arith.index_cast %parallel_loop3A_246 : i32 to index
      %parallel_loop3A_320 = tpu.vector_load %arg8[%parallel_loop3A_318, %parallel_loop3A_319] {strides = array<i32>} : memref<8x1024xf32, #tpu.memory_space<vmem>>, vector<16xf32>,
      %parallel_loop3A_321 = arith.addf %parallel_loop3A_320, %parallel_loop3A_316 : vector<16xf32>
      %parallel_loop3A_322 = arith.constant 4 : i32
      %parallel_loop3A_323 = arith.index_cast %parallel_loop3A_322 : i32 to index
      %parallel_loop3A_324 = arith.index_cast %parallel_loop3A_246 : i32 to index
      %parallel_loop3A_325 = tpu.vector_load %arg8[%parallel_loop3A_323, %parallel_loop3A_324] {strides = array<i32>} : memref<8x1024xf32, #tpu.memory_space<vmem>>, vector<16xf32>,
      tpu.vector_store %arg8[%parallel_loop3A_323, %parallel_loop3A_324], %parallel_loop3A_321 {strides = array<i32>} : memref<8x1024xf32, #tpu.memory_space<vmem>>, vector<16xf32>,
      %parallel_loop3A_326 = arith.constant 25000 : i32
      %parallel_loop3A_327 = vector.broadcast %parallel_loop3A_326 : i32 to vector<16xi32>
      %parallel_loop3A_328 = arith.addi %parallel_loop3A_260, %parallel_loop3A_327 : vector<16xi32>
      %parallel_loop3A_329 = tpu.vector_load_idx %arg6[%parallel_loop3A_328] : memref<40000xf32, #tpu.memory_space<vmem>>[vector<16xi32>], vector<16xf32>,
      %parallel_loop3A_330 = arith.constant 5 : i32
      %parallel_loop3A_331 = arith.index_cast %parallel_loop3A_330 : i32 to index
      %parallel_loop3A_332 = arith.index_cast %parallel_loop3A_246 : i32 to index
      %parallel_loop3A_333 = tpu.vector_load %arg8[%parallel_loop3A_331, %parallel_loop3A_332] {strides = array<i32>} : memref<8x1024xf32, #tpu.memory_space<vmem>>, vector<16xf32>,
      %parallel_loop3A_334 = arith.addf %parallel_loop3A_333, %parallel_loop3A_329 : vector<16xf32>
      %parallel_loop3A_335 = arith.constant 5 : i32
      %parallel_loop3A_336 = arith.index_cast %parallel_loop3A_335 : i32 to index
      %parallel_loop3A_337 = arith.index_cast %parallel_loop3A_246 : i32 to index
      %parallel_loop3A_338 = tpu.vector_load %arg8[%parallel_loop3A_336, %parallel_loop3A_337] {strides = array<i32>} : memref<8x1024xf32, #tpu.memory_space<vmem>>, vector<16xf32>,
      tpu.vector_store %arg8[%parallel_loop3A_336, %parallel_loop3A_337], %parallel_loop3A_334 {strides = array<i32>} : memref<8x1024xf32, #tpu.memory_space<vmem>>, vector<16xf32>,
      %parallel_loop3A_339 = arith.constant 30000 : i32
      %parallel_loop3A_340 = vector.broadcast %parallel_loop3A_339 : i32 to vector<16xi32>
      %parallel_loop3A_341 = arith.addi %parallel_loop3A_260, %parallel_loop3A_340 : vector<16xi32>
      %parallel_loop3A_342 = tpu.vector_load_idx %arg6[%parallel_loop3A_341] : memref<40000xf32, #tpu.memory_space<vmem>>[vector<16xi32>], vector<16xf32>,
      %parallel_loop3A_343 = arith.constant 6 : i32
      %parallel_loop3A_344 = arith.index_cast %parallel_loop3A_343 : i32 to index
      %parallel_loop3A_345 = arith.index_cast %parallel_loop3A_246 : i32 to index
      %parallel_loop3A_346 = tpu.vector_load %arg8[%parallel_loop3A_344, %parallel_loop3A_345] {strides = array<i32>} : memref<8x1024xf32, #tpu.memory_space<vmem>>, vector<16xf32>,
      %parallel_loop3A_347 = arith.addf %parallel_loop3A_346, %parallel_loop3A_342 : vector<16xf32>
      %parallel_loop3A_348 = arith.constant 6 : i32
      %parallel_loop3A_349 = arith.index_cast %parallel_loop3A_348 : i32 to index
      %parallel_loop3A_350 = arith.index_cast %parallel_loop3A_246 : i32 to index
      %parallel_loop3A_351 = tpu.vector_load %arg8[%parallel_loop3A_349, %parallel_loop3A_350] {strides = array<i32>} : memref<8x1024xf32, #tpu.memory_space<vmem>>, vector<16xf32>,
      tpu.vector_store %arg8[%parallel_loop3A_349, %parallel_loop3A_350], %parallel_loop3A_347 {strides = array<i32>} : memref<8x1024xf32, #tpu.memory_space<vmem>>, vector<16xf32>,
      %parallel_loop3A_352 = arith.constant 35000 : i32
      %parallel_loop3A_353 = vector.broadcast %parallel_loop3A_352 : i32 to vector<16xi32>
      %parallel_loop3A_354 = arith.addi %parallel_loop3A_260, %parallel_loop3A_353 : vector<16xi32>
      %parallel_loop3A_355 = tpu.vector_load_idx %arg6[%parallel_loop3A_354] : memref<40000xf32, #tpu.memory_space<vmem>>[vector<16xi32>], vector<16xf32>,
      %parallel_loop3A_356 = arith.constant 7 : i32
      %parallel_loop3A_357 = arith.index_cast %parallel_loop3A_356 : i32 to index
      %parallel_loop3A_358 = arith.index_cast %parallel_loop3A_246 : i32 to index
      %parallel_loop3A_359 = tpu.vector_load %arg8[%parallel_loop3A_357, %parallel_loop3A_358] {strides = array<i32>} : memref<8x1024xf32, #tpu.memory_space<vmem>>, vector<16xf32>,
      %parallel_loop3A_360 = arith.addf %parallel_loop3A_359, %parallel_loop3A_355 : vector<16xf32>
      %parallel_loop3A_361 = arith.constant 7 : i32
      %parallel_loop3A_362 = arith.index_cast %parallel_loop3A_361 : i32 to index
      %parallel_loop3A_363 = arith.index_cast %parallel_loop3A_246 : i32 to index
      %parallel_loop3A_364 = tpu.vector_load %arg8[%parallel_loop3A_362, %parallel_loop3A_363] {strides = array<i32>} : memref<8x1024xf32, #tpu.memory_space<vmem>>, vector<16xf32>,
      tpu.vector_store %arg8[%parallel_loop3A_362, %parallel_loop3A_363], %parallel_loop3A_360 {strides = array<i32>} : memref<8x1024xf32, #tpu.memory_space<vmem>>, vector<16xf32>,
    } {sc.loop_unroll_factor = 4 : i64, sc.parallel_access}
    %dma_start3A_202 = arith.constant 0 : i32
    %dma_start3A_203 = tpu.memref_slice %arg5[%dma_start3A_202, %mul3A_32, %mul3A_34] : memref<200x64x4096xf32, #tpu.memory_space<hbm>> -> memref<1x8x1024xf32, #tpu.memory_space<hbm>>
    %dma_start3A_204 = tpu.memref_squeeze %dma_start3A_203 : memref<1x8x1024xf32, #tpu.memory_space<hbm>> -> memref<8x1024xf32, #tpu.memory_space<hbm>>
    %dma_start3A_205 = tpu.memref_slice %arg5[%dma_start3A_202, %mul3A_32, %mul3A_34] : memref<200x64x4096xf32, #tpu.memory_space<hbm>> -> memref<1x8x1024xf32, #tpu.memory_space<hbm>>
    %dma_start3A_206 = tpu.memref_squeeze %dma_start3A_205 : memref<1x8x1024xf32, #tpu.memory_space<hbm>> -> memref<8x1024xf32, #tpu.memory_space<hbm>>
    tpu.enqueue_dma source(%arg8 : memref<8x1024xf32, #tpu.memory_space<vmem>>) target(%dma_start3A_206 : memref<8x1024xf32, #tpu.memory_space<hbm>>) target_semaphore(%arg14 : memref<!tpu.dma_semaphore, #tpu.memory_space<semaphore_mem>>)
    %scan3A = arith.constant 0 : i32
    %scan3A_207 = arith.constant 0 : i32
    %scan3A_208 = arith.constant 99 : i32
    %scan3A_209 = arith.addi %scan3A_207, %scan3A_208 : i32
    %scan3A_210 = arith.constant 1 : i32
    %scan3A_211 = scf.for %scan3A_244 = %scan3A_207 to %scan3A_209 step %scan3A_210 iter_args(%scan3A_245 = %scan3A) -> (i32)  : i32 {
      %mul3A_246 = arith.constant 2 : i32
      %mul3A_247 = arith.muli %scan3A_244, %mul3A_246 : i32
      %dma_wait3A_248 = tpu.memref_slice %arg5[%mul3A_247, %mul3A_32, %mul3A_34] : memref<200x64x4096xf32, #tpu.memory_space<hbm>> -> memref<1x8x1024xf32, #tpu.memory_space<hbm>>
      %dma_wait3A_249 = tpu.memref_squeeze %dma_wait3A_248 : memref<1x8x1024xf32, #tpu.memory_space<hbm>> -> memref<8x1024xf32, #tpu.memory_space<hbm>>
      %dma_wait3A_250 = tpu.memref_slice %arg5[%mul3A_247, %mul3A_32, %mul3A_34] : memref<200x64x4096xf32, #tpu.memory_space<hbm>> -> memref<1x8x1024xf32, #tpu.memory_space<hbm>>
      %dma_wait3A_251 = tpu.memref_squeeze %dma_wait3A_250 : memref<1x8x1024xf32, #tpu.memory_space<hbm>> -> memref<8x1024xf32, #tpu.memory_space<hbm>>
      tpu.wait_dma2 semaphore(%arg14 : memref<!tpu.dma_semaphore, #tpu.memory_space<semaphore_mem>>) src(%arg8 : memref<8x1024xf32, #tpu.memory_space<vmem>>) dst(%dma_wait3A_251 : memref<8x1024xf32, #tpu.memory_space<hbm>>)
      %add3A_252 = arith.constant 2 : i32
      %add3A_253 = arith.addi %mul3A_247, %add3A_252 : i32
      %dma_start3A_254 = tpu.memref_slice %arg2[%add3A_253, %mul3A_32, %mul3A_34] : memref<200x64x4096xf32, #tpu.memory_space<hbm>> -> memref<1x8x1024xf32, #tpu.memory_space<hbm>>
      %dma_start3A_255 = tpu.memref_squeeze %dma_start3A_254 : memref<1x8x1024xf32, #tpu.memory_space<hbm>> -> memref<8x1024xf32, #tpu.memory_space<hbm>>
      %dma_start3A_256 = tpu.memref_slice %arg2[%add3A_253, %mul3A_32, %mul3A_34] : memref<200x64x4096xf32, #tpu.memory_space<hbm>> -> memref<1x8x1024xf32, #tpu.memory_space<hbm>>
      %dma_start3A_257 = tpu.memref_squeeze %dma_start3A_256 : memref<1x8x1024xf32, #tpu.memory_space<hbm>> -> memref<8x1024xf32, #tpu.memory_space<hbm>>
      tpu.enqueue_dma source(%dma_start3A_257 : memref<8x1024xf32, #tpu.memory_space<hbm>>) target(%arg8 : memref<8x1024xf32, #tpu.memory_space<vmem>>) target_semaphore(%arg10 : memref<!tpu.dma_semaphore, #tpu.memory_space<semaphore_mem>>)
      %mul3A_258 = arith.constant 4096 : i32
      %mul3A_259 = arith.muli %add3A_253, %mul3A_258 : i32
      %add3A_260 = arith.addi %mul3A_259, %mul3A_34 : i32
      %dma_start3A_261 = arith.constant 0 : i32
      %dma_start3A_262 = tpu.memref_slice %arg7[%dma_start3A_261] : memref<2048xi32, #tpu.memory_space<vmem>> -> memref<1024xi32, #tpu.memory_space<vmem>>
      %dma_start3A_263 = tpu.memref_slice %arg3[%add3A_260] : memref<819200xi32, #tpu.memory_space<hbm>> -> memref<1024xi32, #tpu.memory_space<hbm>>
      %dma_start3A_264 = arith.constant 0 : i32
      %dma_start3A_265 = tpu.memref_slice %arg7[%dma_start3A_264] : memref<2048xi32, #tpu.memory_space<vmem>> -> memref<1024xi32, #tpu.memory_space<vmem>>
      %dma_start3A_266 = tpu.memref_slice %arg3[%add3A_260] : memref<819200xi32, #tpu.memory_space<hbm>> -> memref<1024xi32, #tpu.memory_space<hbm>>
      tpu.enqueue_dma source(%dma_start3A_266 : memref<1024xi32, #tpu.memory_space<hbm>>) target(%dma_start3A_265 : memref<1024xi32, #tpu.memory_space<vmem>>) target_semaphore(%arg12 : memref<!tpu.dma_semaphore, #tpu.memory_space<semaphore_mem>>)
      %add3A_267 = arith.constant 1 : i32
      %add3A_268 = arith.addi %mul3A_247, %add3A_267 : i32
      %mul3A_269 = arith.constant 4096 : i32
      %mul3A_270 = arith.muli %add3A_268, %mul3A_269 : i32
      %add3A_271 = arith.addi %mul3A_270, %mul3A_34 : i32
      %dma_wait3A_272 = arith.constant 1024 : i32
      %dma_wait3A_273 = tpu.memref_slice %arg7[%dma_wait3A_272] : memref<2048xi32, #tpu.memory_space<vmem>> -> memref<1024xi32, #tpu.memory_space<vmem>>
      %dma_wait3A_274 = tpu.memref_slice %arg3[%add3A_271] : memref<819200xi32, #tpu.memory_space<hbm>> -> memref<1024xi32, #tpu.memory_space<hbm>>
      %dma_wait3A_275 = arith.constant 1024 : i32
      %dma_wait3A_276 = tpu.memref_slice %arg7[%dma_wait3A_275] : memref<2048xi32, #tpu.memory_space<vmem>> -> memref<1024xi32, #tpu.memory_space<vmem>>
      %dma_wait3A_277 = tpu.memref_slice %arg3[%add3A_271] : memref<819200xi32, #tpu.memory_space<hbm>> -> memref<1024xi32, #tpu.memory_space<hbm>>
      tpu.wait_dma2 semaphore(%arg13 : memref<!tpu.dma_semaphore, #tpu.memory_space<semaphore_mem>>) src(%dma_wait3A_277 : memref<1024xi32, #tpu.memory_space<hbm>>) dst(%dma_wait3A_276 : memref<1024xi32, #tpu.memory_space<vmem>>)
      %dma_wait3A_278 = tpu.memref_slice %arg2[%add3A_268, %mul3A_32, %mul3A_34] : memref<200x64x4096xf32, #tpu.memory_space<hbm>> -> memref<1x8x1024xf32, #tpu.memory_space<hbm>>
      %dma_wait3A_279 = tpu.memref_squeeze %dma_wait3A_278 : memref<1x8x1024xf32, #tpu.memory_space<hbm>> -> memref<8x1024xf32, #tpu.memory_space<hbm>>
      %dma_wait3A_280 = tpu.memref_slice %arg2[%add3A_268, %mul3A_32, %mul3A_34] : memref<200x64x4096xf32, #tpu.memory_space<hbm>> -> memref<1x8x1024xf32, #tpu.memory_space<hbm>>
      %dma_wait3A_281 = tpu.memref_squeeze %dma_wait3A_280 : memref<1x8x1024xf32, #tpu.memory_space<hbm>> -> memref<8x1024xf32, #tpu.memory_space<hbm>>
      tpu.wait_dma2 semaphore(%arg11 : memref<!tpu.dma_semaphore, #tpu.memory_space<semaphore_mem>>) src(%dma_wait3A_281 : memref<8x1024xf32, #tpu.memory_space<hbm>>) dst(%arg9 : memref<8x1024xf32, #tpu.memory_space<vmem>>)
      %parallel_loop3A_282 = arith.constant 0 : i32
      %parallel_loop3A_283 = arith.constant 64 : i32
      %parallel_loop3A_284 = arith.constant 1 : i32
      scf.for %parallel_loop3A_333 = %parallel_loop3A_282 to %parallel_loop3A_283 step %parallel_loop3A_284  : i32 {
        %parallel_loop3A_334 = arith.constant 16 : i32
        %parallel_loop3A_335 = arith.muli %parallel_loop3A_333, %parallel_loop3A_334 : i32
        %parallel_loop3A_336 = arith.constant 16 : i32
        %parallel_loop3A_337 = arith.muli %parallel_loop3A_333, %parallel_loop3A_336 : i32
        %parallel_loop3A_338 = arith.constant 1024 : i32
        %parallel_loop3A_339 = arith.addi %parallel_loop3A_338, %parallel_loop3A_337 : i32
        %parallel_loop3A_340 = arith.index_cast %parallel_loop3A_339 : i32 to index
        %parallel_loop3A_341 = tpu.vector_load %arg7[%parallel_loop3A_340] {strides = array<i32>} : memref<2048xi32, #tpu.memory_space<vmem>>, vector<16xi32>,
        %parallel_loop3A_342 = arith.sitofp %parallel_loop3A_341 : vector<16xi32> to vector<16xf32>
        %parallel_loop3A_343 = arith.constant 5.000000e-01 : f32
        %parallel_loop3A_344 = vector.broadcast %parallel_loop3A_343 : f32 to vector<16xf32>
        %parallel_loop3A_345 = arith.addf %parallel_loop3A_342, %parallel_loop3A_344 : vector<16xf32>
        %parallel_loop3A_346 = arith.constant 0.00999999977 : f32
        %parallel_loop3A_347 = vector.broadcast %parallel_loop3A_346 : f32 to vector<16xf32>
        %parallel_loop3A_348 = arith.mulf %parallel_loop3A_345, %parallel_loop3A_347 : vector<16xf32>
        %parallel_loop3A_349 = arith.fptosi %parallel_loop3A_348 : vector<16xf32> to vector<16xi32>
        %parallel_loop3A_350 = arith.constant 0 : i32
        %parallel_loop3A_351 = vector.broadcast %parallel_loop3A_350 : i32 to vector<16xi32>
        %parallel_loop3A_352 = arith.addi %parallel_loop3A_349, %parallel_loop3A_351 : vector<16xi32>
        %parallel_loop3A_353 = tpu.vector_load_idx %arg6[%parallel_loop3A_352] : memref<40000xf32, #tpu.memory_space<vmem>>[vector<16xi32>], vector<16xf32>,
        %parallel_loop3A_354 = arith.constant 0 : i32
        %parallel_loop3A_355 = arith.index_cast %parallel_loop3A_354 : i32 to index
        %parallel_loop3A_356 = arith.index_cast %parallel_loop3A_335 : i32 to index
        %parallel_loop3A_357 = tpu.vector_load %arg9[%parallel_loop3A_355, %parallel_loop3A_356] {strides = array<i32>} : memref<8x1024xf32, #tpu.memory_space<vmem>>, vector<16xf32>,
        %parallel_loop3A_358 = arith.addf %parallel_loop3A_357, %parallel_loop3A_353 : vector<16xf32>
        %parallel_loop3A_359 = arith.constant 0 : i32
        %parallel_loop3A_360 = arith.index_cast %parallel_loop3A_359 : i32 to index
        %parallel_loop3A_361 = arith.index_cast %parallel_loop3A_335 : i32 to index
        %parallel_loop3A_362 = tpu.vector_load %arg9[%parallel_loop3A_360, %parallel_loop3A_361] {strides = array<i32>} : memref<8x1024xf32, #tpu.memory_space<vmem>>, vector<16xf32>,
        tpu.vector_store %arg9[%parallel_loop3A_360, %parallel_loop3A_361], %parallel_loop3A_358 {strides = array<i32>} : memref<8x1024xf32, #tpu.memory_space<vmem>>, vector<16xf32>,
        %parallel_loop3A_363 = arith.constant 5000 : i32
        %parallel_loop3A_364 = vector.broadcast %parallel_loop3A_363 : i32 to vector<16xi32>
        %parallel_loop3A_365 = arith.addi %parallel_loop3A_349, %parallel_loop3A_364 : vector<16xi32>
        %parallel_loop3A_366 = tpu.vector_load_idx %arg6[%parallel_loop3A_365] : memref<40000xf32, #tpu.memory_space<vmem>>[vector<16xi32>], vector<16xf32>,
        %parallel_loop3A_367 = arith.constant 1 : i32
        %parallel_loop3A_368 = arith.index_cast %parallel_loop3A_367 : i32 to index
        %parallel_loop3A_369 = arith.index_cast %parallel_loop3A_335 : i32 to index
        %parallel_loop3A_370 = tpu.vector_load %arg9[%parallel_loop3A_368, %parallel_loop3A_369] {strides = array<i32>} : memref<8x1024xf32, #tpu.memory_space<vmem>>, vector<16xf32>,
        %parallel_loop3A_371 = arith.addf %parallel_loop3A_370, %parallel_loop3A_366 : vector<16xf32>
        %parallel_loop3A_372 = arith.constant 1 : i32
        %parallel_loop3A_373 = arith.index_cast %parallel_loop3A_372 : i32 to index
        %parallel_loop3A_374 = arith.index_cast %parallel_loop3A_335 : i32 to index
        %parallel_loop3A_375 = tpu.vector_load %arg9[%parallel_loop3A_373, %parallel_loop3A_374] {strides = array<i32>} : memref<8x1024xf32, #tpu.memory_space<vmem>>, vector<16xf32>,
        tpu.vector_store %arg9[%parallel_loop3A_373, %parallel_loop3A_374], %parallel_loop3A_371 {strides = array<i32>} : memref<8x1024xf32, #tpu.memory_space<vmem>>, vector<16xf32>,
        %parallel_loop3A_376 = arith.constant 10000 : i32
        %parallel_loop3A_377 = vector.broadcast %parallel_loop3A_376 : i32 to vector<16xi32>
        %parallel_loop3A_378 = arith.addi %parallel_loop3A_349, %parallel_loop3A_377 : vector<16xi32>
        %parallel_loop3A_379 = tpu.vector_load_idx %arg6[%parallel_loop3A_378] : memref<40000xf32, #tpu.memory_space<vmem>>[vector<16xi32>], vector<16xf32>,
        %parallel_loop3A_380 = arith.constant 2 : i32
        %parallel_loop3A_381 = arith.index_cast %parallel_loop3A_380 : i32 to index
        %parallel_loop3A_382 = arith.index_cast %parallel_loop3A_335 : i32 to index
        %parallel_loop3A_383 = tpu.vector_load %arg9[%parallel_loop3A_381, %parallel_loop3A_382] {strides = array<i32>} : memref<8x1024xf32, #tpu.memory_space<vmem>>, vector<16xf32>,
        %parallel_loop3A_384 = arith.addf %parallel_loop3A_383, %parallel_loop3A_379 : vector<16xf32>
        %parallel_loop3A_385 = arith.constant 2 : i32
        %parallel_loop3A_386 = arith.index_cast %parallel_loop3A_385 : i32 to index
        %parallel_loop3A_387 = arith.index_cast %parallel_loop3A_335 : i32 to index
        %parallel_loop3A_388 = tpu.vector_load %arg9[%parallel_loop3A_386, %parallel_loop3A_387] {strides = array<i32>} : memref<8x1024xf32, #tpu.memory_space<vmem>>, vector<16xf32>,
        tpu.vector_store %arg9[%parallel_loop3A_386, %parallel_loop3A_387], %parallel_loop3A_384 {strides = array<i32>} : memref<8x1024xf32, #tpu.memory_space<vmem>>, vector<16xf32>,
        %parallel_loop3A_389 = arith.constant 15000 : i32
        %parallel_loop3A_390 = vector.broadcast %parallel_loop3A_389 : i32 to vector<16xi32>
        %parallel_loop3A_391 = arith.addi %parallel_loop3A_349, %parallel_loop3A_390 : vector<16xi32>
        %parallel_loop3A_392 = tpu.vector_load_idx %arg6[%parallel_loop3A_391] : memref<40000xf32, #tpu.memory_space<vmem>>[vector<16xi32>], vector<16xf32>,
        %parallel_loop3A_393 = arith.constant 3 : i32
        %parallel_loop3A_394 = arith.index_cast %parallel_loop3A_393 : i32 to index
        %parallel_loop3A_395 = arith.index_cast %parallel_loop3A_335 : i32 to index
        %parallel_loop3A_396 = tpu.vector_load %arg9[%parallel_loop3A_394, %parallel_loop3A_395] {strides = array<i32>} : memref<8x1024xf32, #tpu.memory_space<vmem>>, vector<16xf32>,
        %parallel_loop3A_397 = arith.addf %parallel_loop3A_396, %parallel_loop3A_392 : vector<16xf32>
        %parallel_loop3A_398 = arith.constant 3 : i32
        %parallel_loop3A_399 = arith.index_cast %parallel_loop3A_398 : i32 to index
        %parallel_loop3A_400 = arith.index_cast %parallel_loop3A_335 : i32 to index
        %parallel_loop3A_401 = tpu.vector_load %arg9[%parallel_loop3A_399, %parallel_loop3A_400] {strides = array<i32>} : memref<8x1024xf32, #tpu.memory_space<vmem>>, vector<16xf32>,
        tpu.vector_store %arg9[%parallel_loop3A_399, %parallel_loop3A_400], %parallel_loop3A_397 {strides = array<i32>} : memref<8x1024xf32, #tpu.memory_space<vmem>>, vector<16xf32>,
        %parallel_loop3A_402 = arith.constant 20000 : i32
        %parallel_loop3A_403 = vector.broadcast %parallel_loop3A_402 : i32 to vector<16xi32>
        %parallel_loop3A_404 = arith.addi %parallel_loop3A_349, %parallel_loop3A_403 : vector<16xi32>
        %parallel_loop3A_405 = tpu.vector_load_idx %arg6[%parallel_loop3A_404] : memref<40000xf32, #tpu.memory_space<vmem>>[vector<16xi32>], vector<16xf32>,
        %parallel_loop3A_406 = arith.constant 4 : i32
        %parallel_loop3A_407 = arith.index_cast %parallel_loop3A_406 : i32 to index
        %parallel_loop3A_408 = arith.index_cast %parallel_loop3A_335 : i32 to index
        %parallel_loop3A_409 = tpu.vector_load %arg9[%parallel_loop3A_407, %parallel_loop3A_408] {strides = array<i32>} : memref<8x1024xf32, #tpu.memory_space<vmem>>, vector<16xf32>,
        %parallel_loop3A_410 = arith.addf %parallel_loop3A_409, %parallel_loop3A_405 : vector<16xf32>
        %parallel_loop3A_411 = arith.constant 4 : i32
        %parallel_loop3A_412 = arith.index_cast %parallel_loop3A_411 : i32 to index
        %parallel_loop3A_413 = arith.index_cast %parallel_loop3A_335 : i32 to index
        %parallel_loop3A_414 = tpu.vector_load %arg9[%parallel_loop3A_412, %parallel_loop3A_413] {strides = array<i32>} : memref<8x1024xf32, #tpu.memory_space<vmem>>, vector<16xf32>,
        tpu.vector_store %arg9[%parallel_loop3A_412, %parallel_loop3A_413], %parallel_loop3A_410 {strides = array<i32>} : memref<8x1024xf32, #tpu.memory_space<vmem>>, vector<16xf32>,
        %parallel_loop3A_415 = arith.constant 25000 : i32
        %parallel_loop3A_416 = vector.broadcast %parallel_loop3A_415 : i32 to vector<16xi32>
        %parallel_loop3A_417 = arith.addi %parallel_loop3A_349, %parallel_loop3A_416 : vector<16xi32>
        %parallel_loop3A_418 = tpu.vector_load_idx %arg6[%parallel_loop3A_417] : memref<40000xf32, #tpu.memory_space<vmem>>[vector<16xi32>], vector<16xf32>,
        %parallel_loop3A_419 = arith.constant 5 : i32
        %parallel_loop3A_420 = arith.index_cast %parallel_loop3A_419 : i32 to index
        %parallel_loop3A_421 = arith.index_cast %parallel_loop3A_335 : i32 to index
        %parallel_loop3A_422 = tpu.vector_load %arg9[%parallel_loop3A_420, %parallel_loop3A_421] {strides = array<i32>} : memref<8x1024xf32, #tpu.memory_space<vmem>>, vector<16xf32>,
        %parallel_loop3A_423 = arith.addf %parallel_loop3A_422, %parallel_loop3A_418 : vector<16xf32>
        %parallel_loop3A_424 = arith.constant 5 : i32
        %parallel_loop3A_425 = arith.index_cast %parallel_loop3A_424 : i32 to index
        %parallel_loop3A_426 = arith.index_cast %parallel_loop3A_335 : i32 to index
        %parallel_loop3A_427 = tpu.vector_load %arg9[%parallel_loop3A_425, %parallel_loop3A_426] {strides = array<i32>} : memref<8x1024xf32, #tpu.memory_space<vmem>>, vector<16xf32>,
        tpu.vector_store %arg9[%parallel_loop3A_425, %parallel_loop3A_426], %parallel_loop3A_423 {strides = array<i32>} : memref<8x1024xf32, #tpu.memory_space<vmem>>, vector<16xf32>,
        %parallel_loop3A_428 = arith.constant 30000 : i32
        %parallel_loop3A_429 = vector.broadcast %parallel_loop3A_428 : i32 to vector<16xi32>
        %parallel_loop3A_430 = arith.addi %parallel_loop3A_349, %parallel_loop3A_429 : vector<16xi32>
        %parallel_loop3A_431 = tpu.vector_load_idx %arg6[%parallel_loop3A_430] : memref<40000xf32, #tpu.memory_space<vmem>>[vector<16xi32>], vector<16xf32>,
        %parallel_loop3A_432 = arith.constant 6 : i32
        %parallel_loop3A_433 = arith.index_cast %parallel_loop3A_432 : i32 to index
        %parallel_loop3A_434 = arith.index_cast %parallel_loop3A_335 : i32 to index
        %parallel_loop3A_435 = tpu.vector_load %arg9[%parallel_loop3A_433, %parallel_loop3A_434] {strides = array<i32>} : memref<8x1024xf32, #tpu.memory_space<vmem>>, vector<16xf32>,
        %parallel_loop3A_436 = arith.addf %parallel_loop3A_435, %parallel_loop3A_431 : vector<16xf32>
        %parallel_loop3A_437 = arith.constant 6 : i32
        %parallel_loop3A_438 = arith.index_cast %parallel_loop3A_437 : i32 to index
        %parallel_loop3A_439 = arith.index_cast %parallel_loop3A_335 : i32 to index
        %parallel_loop3A_440 = tpu.vector_load %arg9[%parallel_loop3A_438, %parallel_loop3A_439] {strides = array<i32>} : memref<8x1024xf32, #tpu.memory_space<vmem>>, vector<16xf32>,
        tpu.vector_store %arg9[%parallel_loop3A_438, %parallel_loop3A_439], %parallel_loop3A_436 {strides = array<i32>} : memref<8x1024xf32, #tpu.memory_space<vmem>>, vector<16xf32>,
        %parallel_loop3A_441 = arith.constant 35000 : i32
        %parallel_loop3A_442 = vector.broadcast %parallel_loop3A_441 : i32 to vector<16xi32>
        %parallel_loop3A_443 = arith.addi %parallel_loop3A_349, %parallel_loop3A_442 : vector<16xi32>
        %parallel_loop3A_444 = tpu.vector_load_idx %arg6[%parallel_loop3A_443] : memref<40000xf32, #tpu.memory_space<vmem>>[vector<16xi32>], vector<16xf32>,
        %parallel_loop3A_445 = arith.constant 7 : i32
        %parallel_loop3A_446 = arith.index_cast %parallel_loop3A_445 : i32 to index
        %parallel_loop3A_447 = arith.index_cast %parallel_loop3A_335 : i32 to index
        %parallel_loop3A_448 = tpu.vector_load %arg9[%parallel_loop3A_446, %parallel_loop3A_447] {strides = array<i32>} : memref<8x1024xf32, #tpu.memory_space<vmem>>, vector<16xf32>,
        %parallel_loop3A_449 = arith.addf %parallel_loop3A_448, %parallel_loop3A_444 : vector<16xf32>
        %parallel_loop3A_450 = arith.constant 7 : i32
        %parallel_loop3A_451 = arith.index_cast %parallel_loop3A_450 : i32 to index
        %parallel_loop3A_452 = arith.index_cast %parallel_loop3A_335 : i32 to index
        %parallel_loop3A_453 = tpu.vector_load %arg9[%parallel_loop3A_451, %parallel_loop3A_452] {strides = array<i32>} : memref<8x1024xf32, #tpu.memory_space<vmem>>, vector<16xf32>,
        tpu.vector_store %arg9[%parallel_loop3A_451, %parallel_loop3A_452], %parallel_loop3A_449 {strides = array<i32>} : memref<8x1024xf32, #tpu.memory_space<vmem>>, vector<16xf32>,
      } {sc.loop_unroll_factor = 4 : i64, sc.parallel_access}
      %dma_start3A_285 = tpu.memref_slice %arg5[%add3A_268, %mul3A_32, %mul3A_34] : memref<200x64x4096xf32, #tpu.memory_space<hbm>> -> memref<1x8x1024xf32, #tpu.memory_space<hbm>>
      %dma_start3A_286 = tpu.memref_squeeze %dma_start3A_285 : memref<1x8x1024xf32, #tpu.memory_space<hbm>> -> memref<8x1024xf32, #tpu.memory_space<hbm>>
      %dma_start3A_287 = tpu.memref_slice %arg5[%add3A_268, %mul3A_32, %mul3A_34] : memref<200x64x4096xf32, #tpu.memory_space<hbm>> -> memref<1x8x1024xf32, #tpu.memory_space<hbm>>
      %dma_start3A_288 = tpu.memref_squeeze %dma_start3A_287 : memref<1x8x1024xf32, #tpu.memory_space<hbm>> -> memref<8x1024xf32, #tpu.memory_space<hbm>>
      tpu.enqueue_dma source(%arg9 : memref<8x1024xf32, #tpu.memory_space<vmem>>) target(%dma_start3A_288 : memref<8x1024xf32, #tpu.memory_space<hbm>>) target_semaphore(%arg15 : memref<!tpu.dma_semaphore, #tpu.memory_space<semaphore_mem>>)
      %add3A_289 = arith.constant 1 : i32
      %add3A_290 = arith.addi %mul3A_247, %add3A_289 : i32
      %dma_wait3A_291 = tpu.memref_slice %arg5[%add3A_290, %mul3A_32, %mul3A_34] : memref<200x64x4096xf32, #tpu.memory_space<hbm>> -> memref<1x8x1024xf32, #tpu.memory_space<hbm>>
      %dma_wait3A_292 = tpu.memref_squeeze %dma_wait3A_291 : memref<1x8x1024xf32, #tpu.memory_space<hbm>> -> memref<8x1024xf32, #tpu.memory_space<hbm>>
      %dma_wait3A_293 = tpu.memref_slice %arg5[%add3A_290, %mul3A_32, %mul3A_34] : memref<200x64x4096xf32, #tpu.memory_space<hbm>> -> memref<1x8x1024xf32, #tpu.memory_space<hbm>>
      %dma_wait3A_294 = tpu.memref_squeeze %dma_wait3A_293 : memref<1x8x1024xf32, #tpu.memory_space<hbm>> -> memref<8x1024xf32, #tpu.memory_space<hbm>>
      tpu.wait_dma2 semaphore(%arg15 : memref<!tpu.dma_semaphore, #tpu.memory_space<semaphore_mem>>) src(%arg9 : memref<8x1024xf32, #tpu.memory_space<vmem>>) dst(%dma_wait3A_294 : memref<8x1024xf32, #tpu.memory_space<hbm>>)
      %add3A_295 = arith.constant 3 : i32
      %add3A_296 = arith.addi %mul3A_247, %add3A_295 : i32
      %dma_start3A_297 = tpu.memref_slice %arg2[%add3A_296, %mul3A_32, %mul3A_34] : memref<200x64x4096xf32, #tpu.memory_space<hbm>> -> memref<1x8x1024xf32, #tpu.memory_space<hbm>>
      %dma_start3A_298 = tpu.memref_squeeze %dma_start3A_297 : memref<1x8x1024xf32, #tpu.memory_space<hbm>> -> memref<8x1024xf32, #tpu.memory_space<hbm>>
      %dma_start3A_299 = tpu.memref_slice %arg2[%add3A_296, %mul3A_32, %mul3A_34] : memref<200x64x4096xf32, #tpu.memory_space<hbm>> -> memref<1x8x1024xf32, #tpu.memory_space<hbm>>
      %dma_start3A_300 = tpu.memref_squeeze %dma_start3A_299 : memref<1x8x1024xf32, #tpu.memory_space<hbm>> -> memref<8x1024xf32, #tpu.memory_space<hbm>>
      tpu.enqueue_dma source(%dma_start3A_300 : memref<8x1024xf32, #tpu.memory_space<hbm>>) target(%arg9 : memref<8x1024xf32, #tpu.memory_space<vmem>>) target_semaphore(%arg11 : memref<!tpu.dma_semaphore, #tpu.memory_space<semaphore_mem>>)
      %mul3A_301 = arith.constant 4096 : i32
      %mul3A_302 = arith.muli %add3A_296, %mul3A_301 : i32
      %add3A_303 = arith.addi %mul3A_302, %mul3A_34 : i32
      %dma_start3A_304 = arith.constant 1024 : i32
      %dma_start3A_305 = tpu.memref_slice %arg7[%dma_start3A_304] : memref<2048xi32, #tpu.memory_space<vmem>> -> memref<1024xi32, #tpu.memory_space<vmem>>
      %dma_start3A_306 = tpu.memref_slice %arg3[%add3A_303] : memref<819200xi32, #tpu.memory_space<hbm>> -> memref<1024xi32, #tpu.memory_space<hbm>>
      %dma_start3A_307 = arith.constant 1024 : i32
      %dma_start3A_308 = tpu.memref_slice %arg7[%dma_start3A_307] : memref<2048xi32, #tpu.memory_space<vmem>> -> memref<1024xi32, #tpu.memory_space<vmem>>
      %dma_start3A_309 = tpu.memref_slice %arg3[%add3A_303] : memref<819200xi32, #tpu.memory_space<hbm>> -> memref<1024xi32, #tpu.memory_space<hbm>>
      tpu.enqueue_dma source(%dma_start3A_309 : memref<1024xi32, #tpu.memory_space<hbm>>) target(%dma_start3A_308 : memref<1024xi32, #tpu.memory_space<vmem>>) target_semaphore(%arg13 : memref<!tpu.dma_semaphore, #tpu.memory_space<semaphore_mem>>)
      %add3A_310 = arith.constant 2 : i32
      %add3A_311 = arith.addi %mul3A_247, %add3A_310 : i32
      %mul3A_312 = arith.constant 4096 : i32
      %mul3A_313 = arith.muli %add3A_311, %mul3A_312 : i32
      %add3A_314 = arith.addi %mul3A_313, %mul3A_34 : i32
      %dma_wait3A_315 = arith.constant 0 : i32
      %dma_wait3A_316 = tpu.memref_slice %arg7[%dma_wait3A_315] : memref<2048xi32, #tpu.memory_space<vmem>> -> memref<1024xi32, #tpu.memory_space<vmem>>
      %dma_wait3A_317 = tpu.memref_slice %arg3[%add3A_314] : memref<819200xi32, #tpu.memory_space<hbm>> -> memref<1024xi32, #tpu.memory_space<hbm>>
      %dma_wait3A_318 = arith.constant 0 : i32
      %dma_wait3A_319 = tpu.memref_slice %arg7[%dma_wait3A_318] : memref<2048xi32, #tpu.memory_space<vmem>> -> memref<1024xi32, #tpu.memory_space<vmem>>
      %dma_wait3A_320 = tpu.memref_slice %arg3[%add3A_314] : memref<819200xi32, #tpu.memory_space<hbm>> -> memref<1024xi32, #tpu.memory_space<hbm>>
      tpu.wait_dma2 semaphore(%arg12 : memref<!tpu.dma_semaphore, #tpu.memory_space<semaphore_mem>>) src(%dma_wait3A_320 : memref<1024xi32, #tpu.memory_space<hbm>>) dst(%dma_wait3A_319 : memref<1024xi32, #tpu.memory_space<vmem>>)
      %dma_wait3A_321 = tpu.memref_slice %arg2[%add3A_311, %mul3A_32, %mul3A_34] : memref<200x64x4096xf32, #tpu.memory_space<hbm>> -> memref<1x8x1024xf32, #tpu.memory_space<hbm>>
      %dma_wait3A_322 = tpu.memref_squeeze %dma_wait3A_321 : memref<1x8x1024xf32, #tpu.memory_space<hbm>> -> memref<8x1024xf32, #tpu.memory_space<hbm>>
      %dma_wait3A_323 = tpu.memref_slice %arg2[%add3A_311, %mul3A_32, %mul3A_34] : memref<200x64x4096xf32, #tpu.memory_space<hbm>> -> memref<1x8x1024xf32, #tpu.memory_space<hbm>>
      %dma_wait3A_324 = tpu.memref_squeeze %dma_wait3A_323 : memref<1x8x1024xf32, #tpu.memory_space<hbm>> -> memref<8x1024xf32, #tpu.memory_space<hbm>>
      tpu.wait_dma2 semaphore(%arg10 : memref<!tpu.dma_semaphore, #tpu.memory_space<semaphore_mem>>) src(%dma_wait3A_324 : memref<8x1024xf32, #tpu.memory_space<hbm>>) dst(%arg8 : memref<8x1024xf32, #tpu.memory_space<vmem>>)
      %parallel_loop3A_325 = arith.constant 0 : i32
      %parallel_loop3A_326 = arith.constant 64 : i32
      %parallel_loop3A_327 = arith.constant 1 : i32
      scf.for %parallel_loop3A_333 = %parallel_loop3A_325 to %parallel_loop3A_326 step %parallel_loop3A_327  : i32 {
        %parallel_loop3A_334 = arith.constant 16 : i32
        %parallel_loop3A_335 = arith.muli %parallel_loop3A_333, %parallel_loop3A_334 : i32
        %parallel_loop3A_336 = arith.constant 16 : i32
        %parallel_loop3A_337 = arith.muli %parallel_loop3A_333, %parallel_loop3A_336 : i32
        %parallel_loop3A_338 = arith.constant 0 : i32
        %parallel_loop3A_339 = arith.addi %parallel_loop3A_338, %parallel_loop3A_337 : i32
        %parallel_loop3A_340 = arith.index_cast %parallel_loop3A_339 : i32 to index
        %parallel_loop3A_341 = tpu.vector_load %arg7[%parallel_loop3A_340] {strides = array<i32>} : memref<2048xi32, #tpu.memory_space<vmem>>, vector<16xi32>,
        %parallel_loop3A_342 = arith.sitofp %parallel_loop3A_341 : vector<16xi32> to vector<16xf32>
        %parallel_loop3A_343 = arith.constant 5.000000e-01 : f32
        %parallel_loop3A_344 = vector.broadcast %parallel_loop3A_343 : f32 to vector<16xf32>
        %parallel_loop3A_345 = arith.addf %parallel_loop3A_342, %parallel_loop3A_344 : vector<16xf32>
        %parallel_loop3A_346 = arith.constant 0.00999999977 : f32
        %parallel_loop3A_347 = vector.broadcast %parallel_loop3A_346 : f32 to vector<16xf32>
        %parallel_loop3A_348 = arith.mulf %parallel_loop3A_345, %parallel_loop3A_347 : vector<16xf32>
        %parallel_loop3A_349 = arith.fptosi %parallel_loop3A_348 : vector<16xf32> to vector<16xi32>
        %parallel_loop3A_350 = arith.constant 0 : i32
        %parallel_loop3A_351 = vector.broadcast %parallel_loop3A_350 : i32 to vector<16xi32>
        %parallel_loop3A_352 = arith.addi %parallel_loop3A_349, %parallel_loop3A_351 : vector<16xi32>
        %parallel_loop3A_353 = tpu.vector_load_idx %arg6[%parallel_loop3A_352] : memref<40000xf32, #tpu.memory_space<vmem>>[vector<16xi32>], vector<16xf32>,
        %parallel_loop3A_354 = arith.constant 0 : i32
        %parallel_loop3A_355 = arith.index_cast %parallel_loop3A_354 : i32 to index
        %parallel_loop3A_356 = arith.index_cast %parallel_loop3A_335 : i32 to index
        %parallel_loop3A_357 = tpu.vector_load %arg8[%parallel_loop3A_355, %parallel_loop3A_356] {strides = array<i32>} : memref<8x1024xf32, #tpu.memory_space<vmem>>, vector<16xf32>,
        %parallel_loop3A_358 = arith.addf %parallel_loop3A_357, %parallel_loop3A_353 : vector<16xf32>
        %parallel_loop3A_359 = arith.constant 0 : i32
        %parallel_loop3A_360 = arith.index_cast %parallel_loop3A_359 : i32 to index
        %parallel_loop3A_361 = arith.index_cast %parallel_loop3A_335 : i32 to index
        %parallel_loop3A_362 = tpu.vector_load %arg8[%parallel_loop3A_360, %parallel_loop3A_361] {strides = array<i32>} : memref<8x1024xf32, #tpu.memory_space<vmem>>, vector<16xf32>,
        tpu.vector_store %arg8[%parallel_loop3A_360, %parallel_loop3A_361], %parallel_loop3A_358 {strides = array<i32>} : memref<8x1024xf32, #tpu.memory_space<vmem>>, vector<16xf32>,
        %parallel_loop3A_363 = arith.constant 5000 : i32
        %parallel_loop3A_364 = vector.broadcast %parallel_loop3A_363 : i32 to vector<16xi32>
        %parallel_loop3A_365 = arith.addi %parallel_loop3A_349, %parallel_loop3A_364 : vector<16xi32>
        %parallel_loop3A_366 = tpu.vector_load_idx %arg6[%parallel_loop3A_365] : memref<40000xf32, #tpu.memory_space<vmem>>[vector<16xi32>], vector<16xf32>,
        %parallel_loop3A_367 = arith.constant 1 : i32
        %parallel_loop3A_368 = arith.index_cast %parallel_loop3A_367 : i32 to index
        %parallel_loop3A_369 = arith.index_cast %parallel_loop3A_335 : i32 to index
        %parallel_loop3A_370 = tpu.vector_load %arg8[%parallel_loop3A_368, %parallel_loop3A_369] {strides = array<i32>} : memref<8x1024xf32, #tpu.memory_space<vmem>>, vector<16xf32>,
        %parallel_loop3A_371 = arith.addf %parallel_loop3A_370, %parallel_loop3A_366 : vector<16xf32>
        %parallel_loop3A_372 = arith.constant 1 : i32
        %parallel_loop3A_373 = arith.index_cast %parallel_loop3A_372 : i32 to index
        %parallel_loop3A_374 = arith.index_cast %parallel_loop3A_335 : i32 to index
        %parallel_loop3A_375 = tpu.vector_load %arg8[%parallel_loop3A_373, %parallel_loop3A_374] {strides = array<i32>} : memref<8x1024xf32, #tpu.memory_space<vmem>>, vector<16xf32>,
        tpu.vector_store %arg8[%parallel_loop3A_373, %parallel_loop3A_374], %parallel_loop3A_371 {strides = array<i32>} : memref<8x1024xf32, #tpu.memory_space<vmem>>, vector<16xf32>,
        %parallel_loop3A_376 = arith.constant 10000 : i32
        %parallel_loop3A_377 = vector.broadcast %parallel_loop3A_376 : i32 to vector<16xi32>
        %parallel_loop3A_378 = arith.addi %parallel_loop3A_349, %parallel_loop3A_377 : vector<16xi32>
        %parallel_loop3A_379 = tpu.vector_load_idx %arg6[%parallel_loop3A_378] : memref<40000xf32, #tpu.memory_space<vmem>>[vector<16xi32>], vector<16xf32>,
        %parallel_loop3A_380 = arith.constant 2 : i32
        %parallel_loop3A_381 = arith.index_cast %parallel_loop3A_380 : i32 to index
        %parallel_loop3A_382 = arith.index_cast %parallel_loop3A_335 : i32 to index
        %parallel_loop3A_383 = tpu.vector_load %arg8[%parallel_loop3A_381, %parallel_loop3A_382] {strides = array<i32>} : memref<8x1024xf32, #tpu.memory_space<vmem>>, vector<16xf32>,
        %parallel_loop3A_384 = arith.addf %parallel_loop3A_383, %parallel_loop3A_379 : vector<16xf32>
        %parallel_loop3A_385 = arith.constant 2 : i32
        %parallel_loop3A_386 = arith.index_cast %parallel_loop3A_385 : i32 to index
        %parallel_loop3A_387 = arith.index_cast %parallel_loop3A_335 : i32 to index
        %parallel_loop3A_388 = tpu.vector_load %arg8[%parallel_loop3A_386, %parallel_loop3A_387] {strides = array<i32>} : memref<8x1024xf32, #tpu.memory_space<vmem>>, vector<16xf32>,
        tpu.vector_store %arg8[%parallel_loop3A_386, %parallel_loop3A_387], %parallel_loop3A_384 {strides = array<i32>} : memref<8x1024xf32, #tpu.memory_space<vmem>>, vector<16xf32>,
        %parallel_loop3A_389 = arith.constant 15000 : i32
        %parallel_loop3A_390 = vector.broadcast %parallel_loop3A_389 : i32 to vector<16xi32>
        %parallel_loop3A_391 = arith.addi %parallel_loop3A_349, %parallel_loop3A_390 : vector<16xi32>
        %parallel_loop3A_392 = tpu.vector_load_idx %arg6[%parallel_loop3A_391] : memref<40000xf32, #tpu.memory_space<vmem>>[vector<16xi32>], vector<16xf32>,
        %parallel_loop3A_393 = arith.constant 3 : i32
        %parallel_loop3A_394 = arith.index_cast %parallel_loop3A_393 : i32 to index
        %parallel_loop3A_395 = arith.index_cast %parallel_loop3A_335 : i32 to index
        %parallel_loop3A_396 = tpu.vector_load %arg8[%parallel_loop3A_394, %parallel_loop3A_395] {strides = array<i32>} : memref<8x1024xf32, #tpu.memory_space<vmem>>, vector<16xf32>,
        %parallel_loop3A_397 = arith.addf %parallel_loop3A_396, %parallel_loop3A_392 : vector<16xf32>
        %parallel_loop3A_398 = arith.constant 3 : i32
        %parallel_loop3A_399 = arith.index_cast %parallel_loop3A_398 : i32 to index
        %parallel_loop3A_400 = arith.index_cast %parallel_loop3A_335 : i32 to index
        %parallel_loop3A_401 = tpu.vector_load %arg8[%parallel_loop3A_399, %parallel_loop3A_400] {strides = array<i32>} : memref<8x1024xf32, #tpu.memory_space<vmem>>, vector<16xf32>,
        tpu.vector_store %arg8[%parallel_loop3A_399, %parallel_loop3A_400], %parallel_loop3A_397 {strides = array<i32>} : memref<8x1024xf32, #tpu.memory_space<vmem>>, vector<16xf32>,
        %parallel_loop3A_402 = arith.constant 20000 : i32
        %parallel_loop3A_403 = vector.broadcast %parallel_loop3A_402 : i32 to vector<16xi32>
        %parallel_loop3A_404 = arith.addi %parallel_loop3A_349, %parallel_loop3A_403 : vector<16xi32>
        %parallel_loop3A_405 = tpu.vector_load_idx %arg6[%parallel_loop3A_404] : memref<40000xf32, #tpu.memory_space<vmem>>[vector<16xi32>], vector<16xf32>,
        %parallel_loop3A_406 = arith.constant 4 : i32
        %parallel_loop3A_407 = arith.index_cast %parallel_loop3A_406 : i32 to index
        %parallel_loop3A_408 = arith.index_cast %parallel_loop3A_335 : i32 to index
        %parallel_loop3A_409 = tpu.vector_load %arg8[%parallel_loop3A_407, %parallel_loop3A_408] {strides = array<i32>} : memref<8x1024xf32, #tpu.memory_space<vmem>>, vector<16xf32>,
        %parallel_loop3A_410 = arith.addf %parallel_loop3A_409, %parallel_loop3A_405 : vector<16xf32>
        %parallel_loop3A_411 = arith.constant 4 : i32
        %parallel_loop3A_412 = arith.index_cast %parallel_loop3A_411 : i32 to index
        %parallel_loop3A_413 = arith.index_cast %parallel_loop3A_335 : i32 to index
        %parallel_loop3A_414 = tpu.vector_load %arg8[%parallel_loop3A_412, %parallel_loop3A_413] {strides = array<i32>} : memref<8x1024xf32, #tpu.memory_space<vmem>>, vector<16xf32>,
        tpu.vector_store %arg8[%parallel_loop3A_412, %parallel_loop3A_413], %parallel_loop3A_410 {strides = array<i32>} : memref<8x1024xf32, #tpu.memory_space<vmem>>, vector<16xf32>,
        %parallel_loop3A_415 = arith.constant 25000 : i32
        %parallel_loop3A_416 = vector.broadcast %parallel_loop3A_415 : i32 to vector<16xi32>
        %parallel_loop3A_417 = arith.addi %parallel_loop3A_349, %parallel_loop3A_416 : vector<16xi32>
        %parallel_loop3A_418 = tpu.vector_load_idx %arg6[%parallel_loop3A_417] : memref<40000xf32, #tpu.memory_space<vmem>>[vector<16xi32>], vector<16xf32>,
        %parallel_loop3A_419 = arith.constant 5 : i32
        %parallel_loop3A_420 = arith.index_cast %parallel_loop3A_419 : i32 to index
        %parallel_loop3A_421 = arith.index_cast %parallel_loop3A_335 : i32 to index
        %parallel_loop3A_422 = tpu.vector_load %arg8[%parallel_loop3A_420, %parallel_loop3A_421] {strides = array<i32>} : memref<8x1024xf32, #tpu.memory_space<vmem>>, vector<16xf32>,
        %parallel_loop3A_423 = arith.addf %parallel_loop3A_422, %parallel_loop3A_418 : vector<16xf32>
        %parallel_loop3A_424 = arith.constant 5 : i32
        %parallel_loop3A_425 = arith.index_cast %parallel_loop3A_424 : i32 to index
        %parallel_loop3A_426 = arith.index_cast %parallel_loop3A_335 : i32 to index
        %parallel_loop3A_427 = tpu.vector_load %arg8[%parallel_loop3A_425, %parallel_loop3A_426] {strides = array<i32>} : memref<8x1024xf32, #tpu.memory_space<vmem>>, vector<16xf32>,
        tpu.vector_store %arg8[%parallel_loop3A_425, %parallel_loop3A_426], %parallel_loop3A_423 {strides = array<i32>} : memref<8x1024xf32, #tpu.memory_space<vmem>>, vector<16xf32>,
        %parallel_loop3A_428 = arith.constant 30000 : i32
        %parallel_loop3A_429 = vector.broadcast %parallel_loop3A_428 : i32 to vector<16xi32>
        %parallel_loop3A_430 = arith.addi %parallel_loop3A_349, %parallel_loop3A_429 : vector<16xi32>
        %parallel_loop3A_431 = tpu.vector_load_idx %arg6[%parallel_loop3A_430] : memref<40000xf32, #tpu.memory_space<vmem>>[vector<16xi32>], vector<16xf32>,
        %parallel_loop3A_432 = arith.constant 6 : i32
        %parallel_loop3A_433 = arith.index_cast %parallel_loop3A_432 : i32 to index
        %parallel_loop3A_434 = arith.index_cast %parallel_loop3A_335 : i32 to index
        %parallel_loop3A_435 = tpu.vector_load %arg8[%parallel_loop3A_433, %parallel_loop3A_434] {strides = array<i32>} : memref<8x1024xf32, #tpu.memory_space<vmem>>, vector<16xf32>,
        %parallel_loop3A_436 = arith.addf %parallel_loop3A_435, %parallel_loop3A_431 : vector<16xf32>
        %parallel_loop3A_437 = arith.constant 6 : i32
        %parallel_loop3A_438 = arith.index_cast %parallel_loop3A_437 : i32 to index
        %parallel_loop3A_439 = arith.index_cast %parallel_loop3A_335 : i32 to index
        %parallel_loop3A_440 = tpu.vector_load %arg8[%parallel_loop3A_438, %parallel_loop3A_439] {strides = array<i32>} : memref<8x1024xf32, #tpu.memory_space<vmem>>, vector<16xf32>,
        tpu.vector_store %arg8[%parallel_loop3A_438, %parallel_loop3A_439], %parallel_loop3A_436 {strides = array<i32>} : memref<8x1024xf32, #tpu.memory_space<vmem>>, vector<16xf32>,
        %parallel_loop3A_441 = arith.constant 35000 : i32
        %parallel_loop3A_442 = vector.broadcast %parallel_loop3A_441 : i32 to vector<16xi32>
        %parallel_loop3A_443 = arith.addi %parallel_loop3A_349, %parallel_loop3A_442 : vector<16xi32>
        %parallel_loop3A_444 = tpu.vector_load_idx %arg6[%parallel_loop3A_443] : memref<40000xf32, #tpu.memory_space<vmem>>[vector<16xi32>], vector<16xf32>,
        %parallel_loop3A_445 = arith.constant 7 : i32
        %parallel_loop3A_446 = arith.index_cast %parallel_loop3A_445 : i32 to index
        %parallel_loop3A_447 = arith.index_cast %parallel_loop3A_335 : i32 to index
        %parallel_loop3A_448 = tpu.vector_load %arg8[%parallel_loop3A_446, %parallel_loop3A_447] {strides = array<i32>} : memref<8x1024xf32, #tpu.memory_space<vmem>>, vector<16xf32>,
        %parallel_loop3A_449 = arith.addf %parallel_loop3A_448, %parallel_loop3A_444 : vector<16xf32>
        %parallel_loop3A_450 = arith.constant 7 : i32
        %parallel_loop3A_451 = arith.index_cast %parallel_loop3A_450 : i32 to index
        %parallel_loop3A_452 = arith.index_cast %parallel_loop3A_335 : i32 to index
        %parallel_loop3A_453 = tpu.vector_load %arg8[%parallel_loop3A_451, %parallel_loop3A_452] {strides = array<i32>} : memref<8x1024xf32, #tpu.memory_space<vmem>>, vector<16xf32>,
        tpu.vector_store %arg8[%parallel_loop3A_451, %parallel_loop3A_452], %parallel_loop3A_449 {strides = array<i32>} : memref<8x1024xf32, #tpu.memory_space<vmem>>, vector<16xf32>,
      } {sc.loop_unroll_factor = 4 : i64, sc.parallel_access}
      %dma_start3A_328 = tpu.memref_slice %arg5[%add3A_311, %mul3A_32, %mul3A_34] : memref<200x64x4096xf32, #tpu.memory_space<hbm>> -> memref<1x8x1024xf32, #tpu.memory_space<hbm>>
      %dma_start3A_329 = tpu.memref_squeeze %dma_start3A_328 : memref<1x8x1024xf32, #tpu.memory_space<hbm>> -> memref<8x1024xf32, #tpu.memory_space<hbm>>
      %dma_start3A_330 = tpu.memref_slice %arg5[%add3A_311, %mul3A_32, %mul3A_34] : memref<200x64x4096xf32, #tpu.memory_space<hbm>> -> memref<1x8x1024xf32, #tpu.memory_space<hbm>>
      %dma_start3A_331 = tpu.memref_squeeze %dma_start3A_330 : memref<1x8x1024xf32, #tpu.memory_space<hbm>> -> memref<8x1024xf32, #tpu.memory_space<hbm>>
      tpu.enqueue_dma source(%arg8 : memref<8x1024xf32, #tpu.memory_space<vmem>>) target(%dma_start3A_331 : memref<8x1024xf32, #tpu.memory_space<hbm>>) target_semaphore(%arg14 : memref<!tpu.dma_semaphore, #tpu.memory_space<semaphore_mem>>)
      %scan3A_332 = arith.constant 0 : i32
      scf.yield %scan3A_332 : i32
    }
    %scan3A_212 = arith.constant 99 : i32
    %dma_wait3A_213 = arith.constant 198 : i32
    %dma_wait3A_214 = tpu.memref_slice %arg5[%dma_wait3A_213, %mul3A_32, %mul3A_34] : memref<200x64x4096xf32, #tpu.memory_space<hbm>> -> memref<1x8x1024xf32, #tpu.memory_space<hbm>>
    %dma_wait3A_215 = tpu.memref_squeeze %dma_wait3A_214 : memref<1x8x1024xf32, #tpu.memory_space<hbm>> -> memref<8x1024xf32, #tpu.memory_space<hbm>>
    %dma_wait3A_216 = tpu.memref_slice %arg5[%dma_wait3A_213, %mul3A_32, %mul3A_34] : memref<200x64x4096xf32, #tpu.memory_space<hbm>> -> memref<1x8x1024xf32, #tpu.memory_space<hbm>>
    %dma_wait3A_217 = tpu.memref_squeeze %dma_wait3A_216 : memref<1x8x1024xf32, #tpu.memory_space<hbm>> -> memref<8x1024xf32, #tpu.memory_space<hbm>>
    tpu.wait_dma2 semaphore(%arg14 : memref<!tpu.dma_semaphore, #tpu.memory_space<semaphore_mem>>) src(%arg8 : memref<8x1024xf32, #tpu.memory_space<vmem>>) dst(%dma_wait3A_217 : memref<8x1024xf32, #tpu.memory_space<hbm>>)
    %add3A_218 = arith.constant 815104 : i32
    %add3A_219 = arith.addi %add3A_218, %mul3A_34 : i32
    %dma_wait3A_220 = arith.constant 1024 : i32
    %dma_wait3A_221 = tpu.memref_slice %arg7[%dma_wait3A_220] : memref<2048xi32, #tpu.memory_space<vmem>> -> memref<1024xi32, #tpu.memory_space<vmem>>
    %dma_wait3A_222 = tpu.memref_slice %arg3[%add3A_219] : memref<819200xi32, #tpu.memory_space<hbm>> -> memref<1024xi32, #tpu.memory_space<hbm>>
    %dma_wait3A_223 = arith.constant 1024 : i32
    %dma_wait3A_224 = tpu.memref_slice %arg7[%dma_wait3A_223] : memref<2048xi32, #tpu.memory_space<vmem>> -> memref<1024xi32, #tpu.memory_space<vmem>>
    %dma_wait3A_225 = tpu.memref_slice %arg3[%add3A_219] : memref<819200xi32, #tpu.memory_space<hbm>> -> memref<1024xi32, #tpu.memory_space<hbm>>
    tpu.wait_dma2 semaphore(%arg13 : memref<!tpu.dma_semaphore, #tpu.memory_space<semaphore_mem>>) src(%dma_wait3A_225 : memref<1024xi32, #tpu.memory_space<hbm>>) dst(%dma_wait3A_224 : memref<1024xi32, #tpu.memory_space<vmem>>)
    %dma_wait3A_226 = arith.constant 199 : i32
    %dma_wait3A_227 = tpu.memref_slice %arg2[%dma_wait3A_226, %mul3A_32, %mul3A_34] : memref<200x64x4096xf32, #tpu.memory_space<hbm>> -> memref<1x8x1024xf32, #tpu.memory_space<hbm>>
    %dma_wait3A_228 = tpu.memref_squeeze %dma_wait3A_227 : memref<1x8x1024xf32, #tpu.memory_space<hbm>> -> memref<8x1024xf32, #tpu.memory_space<hbm>>
    %dma_wait3A_229 = tpu.memref_slice %arg2[%dma_wait3A_226, %mul3A_32, %mul3A_34] : memref<200x64x4096xf32, #tpu.memory_space<hbm>> -> memref<1x8x1024xf32, #tpu.memory_space<hbm>>
    %dma_wait3A_230 = tpu.memref_squeeze %dma_wait3A_229 : memref<1x8x1024xf32, #tpu.memory_space<hbm>> -> memref<8x1024xf32, #tpu.memory_space<hbm>>
    tpu.wait_dma2 semaphore(%arg11 : memref<!tpu.dma_semaphore, #tpu.memory_space<semaphore_mem>>) src(%dma_wait3A_230 : memref<8x1024xf32, #tpu.memory_space<hbm>>) dst(%arg9 : memref<8x1024xf32, #tpu.memory_space<vmem>>)
    %parallel_loop3A_231 = arith.constant 0 : i32
    %parallel_loop3A_232 = arith.constant 64 : i32
    %parallel_loop3A_233 = arith.constant 1 : i32
    scf.for %parallel_loop3A_244 = %parallel_loop3A_231 to %parallel_loop3A_232 step %parallel_loop3A_233  : i32 {
      %parallel_loop3A_245 = arith.constant 16 : i32
      %parallel_loop3A_246 = arith.muli %parallel_loop3A_244, %parallel_loop3A_245 : i32
      %parallel_loop3A_247 = arith.constant 16 : i32
      %parallel_loop3A_248 = arith.muli %parallel_loop3A_244, %parallel_loop3A_247 : i32
      %parallel_loop3A_249 = arith.constant 1024 : i32
      %parallel_loop3A_250 = arith.addi %parallel_loop3A_249, %parallel_loop3A_248 : i32
      %parallel_loop3A_251 = arith.index_cast %parallel_loop3A_250 : i32 to index
      %parallel_loop3A_252 = tpu.vector_load %arg7[%parallel_loop3A_251] {strides = array<i32>} : memref<2048xi32, #tpu.memory_space<vmem>>, vector<16xi32>,
      %parallel_loop3A_253 = arith.sitofp %parallel_loop3A_252 : vector<16xi32> to vector<16xf32>
      %parallel_loop3A_254 = arith.constant 5.000000e-01 : f32
      %parallel_loop3A_255 = vector.broadcast %parallel_loop3A_254 : f32 to vector<16xf32>
      %parallel_loop3A_256 = arith.addf %parallel_loop3A_253, %parallel_loop3A_255 : vector<16xf32>
      %parallel_loop3A_257 = arith.constant 0.00999999977 : f32
      %parallel_loop3A_258 = vector.broadcast %parallel_loop3A_257 : f32 to vector<16xf32>
      %parallel_loop3A_259 = arith.mulf %parallel_loop3A_256, %parallel_loop3A_258 : vector<16xf32>
      %parallel_loop3A_260 = arith.fptosi %parallel_loop3A_259 : vector<16xf32> to vector<16xi32>
      %parallel_loop3A_261 = arith.constant 0 : i32
      %parallel_loop3A_262 = vector.broadcast %parallel_loop3A_261 : i32 to vector<16xi32>
      %parallel_loop3A_263 = arith.addi %parallel_loop3A_260, %parallel_loop3A_262 : vector<16xi32>
      %parallel_loop3A_264 = tpu.vector_load_idx %arg6[%parallel_loop3A_263] : memref<40000xf32, #tpu.memory_space<vmem>>[vector<16xi32>], vector<16xf32>,
      %parallel_loop3A_265 = arith.constant 0 : i32
      %parallel_loop3A_266 = arith.index_cast %parallel_loop3A_265 : i32 to index
      %parallel_loop3A_267 = arith.index_cast %parallel_loop3A_246 : i32 to index
      %parallel_loop3A_268 = tpu.vector_load %arg9[%parallel_loop3A_266, %parallel_loop3A_267] {strides = array<i32>} : memref<8x1024xf32, #tpu.memory_space<vmem>>, vector<16xf32>,
      %parallel_loop3A_269 = arith.addf %parallel_loop3A_268, %parallel_loop3A_264 : vector<16xf32>
      %parallel_loop3A_270 = arith.constant 0 : i32
      %parallel_loop3A_271 = arith.index_cast %parallel_loop3A_270 : i32 to index
      %parallel_loop3A_272 = arith.index_cast %parallel_loop3A_246 : i32 to index
      %parallel_loop3A_273 = tpu.vector_load %arg9[%parallel_loop3A_271, %parallel_loop3A_272] {strides = array<i32>} : memref<8x1024xf32, #tpu.memory_space<vmem>>, vector<16xf32>,
      tpu.vector_store %arg9[%parallel_loop3A_271, %parallel_loop3A_272], %parallel_loop3A_269 {strides = array<i32>} : memref<8x1024xf32, #tpu.memory_space<vmem>>, vector<16xf32>,
      %parallel_loop3A_274 = arith.constant 5000 : i32
      %parallel_loop3A_275 = vector.broadcast %parallel_loop3A_274 : i32 to vector<16xi32>
      %parallel_loop3A_276 = arith.addi %parallel_loop3A_260, %parallel_loop3A_275 : vector<16xi32>
      %parallel_loop3A_277 = tpu.vector_load_idx %arg6[%parallel_loop3A_276] : memref<40000xf32, #tpu.memory_space<vmem>>[vector<16xi32>], vector<16xf32>,
      %parallel_loop3A_278 = arith.constant 1 : i32
      %parallel_loop3A_279 = arith.index_cast %parallel_loop3A_278 : i32 to index
      %parallel_loop3A_280 = arith.index_cast %parallel_loop3A_246 : i32 to index
      %parallel_loop3A_281 = tpu.vector_load %arg9[%parallel_loop3A_279, %parallel_loop3A_280] {strides = array<i32>} : memref<8x1024xf32, #tpu.memory_space<vmem>>, vector<16xf32>,
      %parallel_loop3A_282 = arith.addf %parallel_loop3A_281, %parallel_loop3A_277 : vector<16xf32>
      %parallel_loop3A_283 = arith.constant 1 : i32
      %parallel_loop3A_284 = arith.index_cast %parallel_loop3A_283 : i32 to index
      %parallel_loop3A_285 = arith.index_cast %parallel_loop3A_246 : i32 to index
      %parallel_loop3A_286 = tpu.vector_load %arg9[%parallel_loop3A_284, %parallel_loop3A_285] {strides = array<i32>} : memref<8x1024xf32, #tpu.memory_space<vmem>>, vector<16xf32>,
      tpu.vector_store %arg9[%parallel_loop3A_284, %parallel_loop3A_285], %parallel_loop3A_282 {strides = array<i32>} : memref<8x1024xf32, #tpu.memory_space<vmem>>, vector<16xf32>,
      %parallel_loop3A_287 = arith.constant 10000 : i32
      %parallel_loop3A_288 = vector.broadcast %parallel_loop3A_287 : i32 to vector<16xi32>
      %parallel_loop3A_289 = arith.addi %parallel_loop3A_260, %parallel_loop3A_288 : vector<16xi32>
      %parallel_loop3A_290 = tpu.vector_load_idx %arg6[%parallel_loop3A_289] : memref<40000xf32, #tpu.memory_space<vmem>>[vector<16xi32>], vector<16xf32>,
      %parallel_loop3A_291 = arith.constant 2 : i32
      %parallel_loop3A_292 = arith.index_cast %parallel_loop3A_291 : i32 to index
      %parallel_loop3A_293 = arith.index_cast %parallel_loop3A_246 : i32 to index
      %parallel_loop3A_294 = tpu.vector_load %arg9[%parallel_loop3A_292, %parallel_loop3A_293] {strides = array<i32>} : memref<8x1024xf32, #tpu.memory_space<vmem>>, vector<16xf32>,
      %parallel_loop3A_295 = arith.addf %parallel_loop3A_294, %parallel_loop3A_290 : vector<16xf32>
      %parallel_loop3A_296 = arith.constant 2 : i32
      %parallel_loop3A_297 = arith.index_cast %parallel_loop3A_296 : i32 to index
      %parallel_loop3A_298 = arith.index_cast %parallel_loop3A_246 : i32 to index
      %parallel_loop3A_299 = tpu.vector_load %arg9[%parallel_loop3A_297, %parallel_loop3A_298] {strides = array<i32>} : memref<8x1024xf32, #tpu.memory_space<vmem>>, vector<16xf32>,
      tpu.vector_store %arg9[%parallel_loop3A_297, %parallel_loop3A_298], %parallel_loop3A_295 {strides = array<i32>} : memref<8x1024xf32, #tpu.memory_space<vmem>>, vector<16xf32>,
      %parallel_loop3A_300 = arith.constant 15000 : i32
      %parallel_loop3A_301 = vector.broadcast %parallel_loop3A_300 : i32 to vector<16xi32>
      %parallel_loop3A_302 = arith.addi %parallel_loop3A_260, %parallel_loop3A_301 : vector<16xi32>
      %parallel_loop3A_303 = tpu.vector_load_idx %arg6[%parallel_loop3A_302] : memref<40000xf32, #tpu.memory_space<vmem>>[vector<16xi32>], vector<16xf32>,
      %parallel_loop3A_304 = arith.constant 3 : i32
      %parallel_loop3A_305 = arith.index_cast %parallel_loop3A_304 : i32 to index
      %parallel_loop3A_306 = arith.index_cast %parallel_loop3A_246 : i32 to index
      %parallel_loop3A_307 = tpu.vector_load %arg9[%parallel_loop3A_305, %parallel_loop3A_306] {strides = array<i32>} : memref<8x1024xf32, #tpu.memory_space<vmem>>, vector<16xf32>,
      %parallel_loop3A_308 = arith.addf %parallel_loop3A_307, %parallel_loop3A_303 : vector<16xf32>
      %parallel_loop3A_309 = arith.constant 3 : i32
      %parallel_loop3A_310 = arith.index_cast %parallel_loop3A_309 : i32 to index
      %parallel_loop3A_311 = arith.index_cast %parallel_loop3A_246 : i32 to index
      %parallel_loop3A_312 = tpu.vector_load %arg9[%parallel_loop3A_310, %parallel_loop3A_311] {strides = array<i32>} : memref<8x1024xf32, #tpu.memory_space<vmem>>, vector<16xf32>,
      tpu.vector_store %arg9[%parallel_loop3A_310, %parallel_loop3A_311], %parallel_loop3A_308 {strides = array<i32>} : memref<8x1024xf32, #tpu.memory_space<vmem>>, vector<16xf32>,
      %parallel_loop3A_313 = arith.constant 20000 : i32
      %parallel_loop3A_314 = vector.broadcast %parallel_loop3A_313 : i32 to vector<16xi32>
      %parallel_loop3A_315 = arith.addi %parallel_loop3A_260, %parallel_loop3A_314 : vector<16xi32>
      %parallel_loop3A_316 = tpu.vector_load_idx %arg6[%parallel_loop3A_315] : memref<40000xf32, #tpu.memory_space<vmem>>[vector<16xi32>], vector<16xf32>,
      %parallel_loop3A_317 = arith.constant 4 : i32
      %parallel_loop3A_318 = arith.index_cast %parallel_loop3A_317 : i32 to index
      %parallel_loop3A_319 = arith.index_cast %parallel_loop3A_246 : i32 to index
      %parallel_loop3A_320 = tpu.vector_load %arg9[%parallel_loop3A_318, %parallel_loop3A_319] {strides = array<i32>} : memref<8x1024xf32, #tpu.memory_space<vmem>>, vector<16xf32>,
      %parallel_loop3A_321 = arith.addf %parallel_loop3A_320, %parallel_loop3A_316 : vector<16xf32>
      %parallel_loop3A_322 = arith.constant 4 : i32
      %parallel_loop3A_323 = arith.index_cast %parallel_loop3A_322 : i32 to index
      %parallel_loop3A_324 = arith.index_cast %parallel_loop3A_246 : i32 to index
      %parallel_loop3A_325 = tpu.vector_load %arg9[%parallel_loop3A_323, %parallel_loop3A_324] {strides = array<i32>} : memref<8x1024xf32, #tpu.memory_space<vmem>>, vector<16xf32>,
      tpu.vector_store %arg9[%parallel_loop3A_323, %parallel_loop3A_324], %parallel_loop3A_321 {strides = array<i32>} : memref<8x1024xf32, #tpu.memory_space<vmem>>, vector<16xf32>,
      %parallel_loop3A_326 = arith.constant 25000 : i32
      %parallel_loop3A_327 = vector.broadcast %parallel_loop3A_326 : i32 to vector<16xi32>
      %parallel_loop3A_328 = arith.addi %parallel_loop3A_260, %parallel_loop3A_327 : vector<16xi32>
      %parallel_loop3A_329 = tpu.vector_load_idx %arg6[%parallel_loop3A_328] : memref<40000xf32, #tpu.memory_space<vmem>>[vector<16xi32>], vector<16xf32>,
      %parallel_loop3A_330 = arith.constant 5 : i32
      %parallel_loop3A_331 = arith.index_cast %parallel_loop3A_330 : i32 to index
      %parallel_loop3A_332 = arith.index_cast %parallel_loop3A_246 : i32 to index
      %parallel_loop3A_333 = tpu.vector_load %arg9[%parallel_loop3A_331, %parallel_loop3A_332] {strides = array<i32>} : memref<8x1024xf32, #tpu.memory_space<vmem>>, vector<16xf32>,
      %parallel_loop3A_334 = arith.addf %parallel_loop3A_333, %parallel_loop3A_329 : vector<16xf32>
      %parallel_loop3A_335 = arith.constant 5 : i32
      %parallel_loop3A_336 = arith.index_cast %parallel_loop3A_335 : i32 to index
      %parallel_loop3A_337 = arith.index_cast %parallel_loop3A_246 : i32 to index
      %parallel_loop3A_338 = tpu.vector_load %arg9[%parallel_loop3A_336, %parallel_loop3A_337] {strides = array<i32>} : memref<8x1024xf32, #tpu.memory_space<vmem>>, vector<16xf32>,
      tpu.vector_store %arg9[%parallel_loop3A_336, %parallel_loop3A_337], %parallel_loop3A_334 {strides = array<i32>} : memref<8x1024xf32, #tpu.memory_space<vmem>>, vector<16xf32>,
      %parallel_loop3A_339 = arith.constant 30000 : i32
      %parallel_loop3A_340 = vector.broadcast %parallel_loop3A_339 : i32 to vector<16xi32>
      %parallel_loop3A_341 = arith.addi %parallel_loop3A_260, %parallel_loop3A_340 : vector<16xi32>
      %parallel_loop3A_342 = tpu.vector_load_idx %arg6[%parallel_loop3A_341] : memref<40000xf32, #tpu.memory_space<vmem>>[vector<16xi32>], vector<16xf32>,
      %parallel_loop3A_343 = arith.constant 6 : i32
      %parallel_loop3A_344 = arith.index_cast %parallel_loop3A_343 : i32 to index
      %parallel_loop3A_345 = arith.index_cast %parallel_loop3A_246 : i32 to index
      %parallel_loop3A_346 = tpu.vector_load %arg9[%parallel_loop3A_344, %parallel_loop3A_345] {strides = array<i32>} : memref<8x1024xf32, #tpu.memory_space<vmem>>, vector<16xf32>,
      %parallel_loop3A_347 = arith.addf %parallel_loop3A_346, %parallel_loop3A_342 : vector<16xf32>
      %parallel_loop3A_348 = arith.constant 6 : i32
      %parallel_loop3A_349 = arith.index_cast %parallel_loop3A_348 : i32 to index
      %parallel_loop3A_350 = arith.index_cast %parallel_loop3A_246 : i32 to index
      %parallel_loop3A_351 = tpu.vector_load %arg9[%parallel_loop3A_349, %parallel_loop3A_350] {strides = array<i32>} : memref<8x1024xf32, #tpu.memory_space<vmem>>, vector<16xf32>,
      tpu.vector_store %arg9[%parallel_loop3A_349, %parallel_loop3A_350], %parallel_loop3A_347 {strides = array<i32>} : memref<8x1024xf32, #tpu.memory_space<vmem>>, vector<16xf32>,
      %parallel_loop3A_352 = arith.constant 35000 : i32
      %parallel_loop3A_353 = vector.broadcast %parallel_loop3A_352 : i32 to vector<16xi32>
      %parallel_loop3A_354 = arith.addi %parallel_loop3A_260, %parallel_loop3A_353 : vector<16xi32>
      %parallel_loop3A_355 = tpu.vector_load_idx %arg6[%parallel_loop3A_354] : memref<40000xf32, #tpu.memory_space<vmem>>[vector<16xi32>], vector<16xf32>,
      %parallel_loop3A_356 = arith.constant 7 : i32
      %parallel_loop3A_357 = arith.index_cast %parallel_loop3A_356 : i32 to index
      %parallel_loop3A_358 = arith.index_cast %parallel_loop3A_246 : i32 to index
      %parallel_loop3A_359 = tpu.vector_load %arg9[%parallel_loop3A_357, %parallel_loop3A_358] {strides = array<i32>} : memref<8x1024xf32, #tpu.memory_space<vmem>>, vector<16xf32>,
      %parallel_loop3A_360 = arith.addf %parallel_loop3A_359, %parallel_loop3A_355 : vector<16xf32>
      %parallel_loop3A_361 = arith.constant 7 : i32
      %parallel_loop3A_362 = arith.index_cast %parallel_loop3A_361 : i32 to index
      %parallel_loop3A_363 = arith.index_cast %parallel_loop3A_246 : i32 to index
      %parallel_loop3A_364 = tpu.vector_load %arg9[%parallel_loop3A_362, %parallel_loop3A_363] {strides = array<i32>} : memref<8x1024xf32, #tpu.memory_space<vmem>>, vector<16xf32>,
      tpu.vector_store %arg9[%parallel_loop3A_362, %parallel_loop3A_363], %parallel_loop3A_360 {strides = array<i32>} : memref<8x1024xf32, #tpu.memory_space<vmem>>, vector<16xf32>,
    } {sc.loop_unroll_factor = 4 : i64, sc.parallel_access}
    %dma_start3A_234 = arith.constant 199 : i32
    %dma_start3A_235 = tpu.memref_slice %arg5[%dma_start3A_234, %mul3A_32, %mul3A_34] : memref<200x64x4096xf32, #tpu.memory_space<hbm>> -> memref<1x8x1024xf32, #tpu.memory_space<hbm>>
    %dma_start3A_236 = tpu.memref_squeeze %dma_start3A_235 : memref<1x8x1024xf32, #tpu.memory_space<hbm>> -> memref<8x1024xf32, #tpu.memory_space<hbm>>
    %dma_start3A_237 = tpu.memref_slice %arg5[%dma_start3A_234, %mul3A_32, %mul3A_34] : memref<200x64x4096xf32, #tpu.memory_space<hbm>> -> memref<1x8x1024xf32, #tpu.memory_space<hbm>>
    %dma_start3A_238 = tpu.memref_squeeze %dma_start3A_237 : memref<1x8x1024xf32, #tpu.memory_space<hbm>> -> memref<8x1024xf32, #tpu.memory_space<hbm>>
    tpu.enqueue_dma source(%arg9 : memref<8x1024xf32, #tpu.memory_space<vmem>>) target(%dma_start3A_238 : memref<8x1024xf32, #tpu.memory_space<hbm>>) target_semaphore(%arg15 : memref<!tpu.dma_semaphore, #tpu.memory_space<semaphore_mem>>)
    %dma_wait3A_239 = arith.constant 199 : i32
    %dma_wait3A_240 = tpu.memref_slice %arg5[%dma_wait3A_239, %mul3A_32, %mul3A_34] : memref<200x64x4096xf32, #tpu.memory_space<hbm>> -> memref<1x8x1024xf32, #tpu.memory_space<hbm>>
    %dma_wait3A_241 = tpu.memref_squeeze %dma_wait3A_240 : memref<1x8x1024xf32, #tpu.memory_space<hbm>> -> memref<8x1024xf32, #tpu.memory_space<hbm>>
    %dma_wait3A_242 = tpu.memref_slice %arg5[%dma_wait3A_239, %mul3A_32, %mul3A_34] : memref<200x64x4096xf32, #tpu.memory_space<hbm>> -> memref<1x8x1024xf32, #tpu.memory_space<hbm>>
    %dma_wait3A_243 = tpu.memref_squeeze %dma_wait3A_242 : memref<1x8x1024xf32, #tpu.memory_space<hbm>> -> memref<8x1024xf32, #tpu.memory_space<hbm>>
    tpu.wait_dma2 semaphore(%arg15 : memref<!tpu.dma_semaphore, #tpu.memory_space<semaphore_mem>>) src(%arg9 : memref<8x1024xf32, #tpu.memory_space<vmem>>) dst(%dma_wait3A_243 : memref<8x1024xf32, #tpu.memory_space<hbm>>)
    return
  }
}

</mosaic_0001>

<sc_bundles>
// kernel: kernel.3.cloned.1.call-start
scs
__scs_entry_jumppad:
0x0: {  	(pc) =	sbr.rel $0x88, $3  }
0x1: {  	(tag) =	ssettag $0x0;
	lr =	simm.s32 $0x1  }
0x2: {  	[smem:$0x3F9E] =	sst lr;
	_ =	strace $0xD0000000  }
0x3: {  	_ = 	snop  }
0x4: {  	_ = 	snop  }
0x5: {  	_ = 	snop  }
0x6: {  	_ = 	snop  }
0x7: {  	_ = 	snop  }
__scs_overlays_trampoline_lowered:
0x8: {  	[smem:$0x3FAD] =	sst s0  }
0x9: {  	[smem:$0x3FAE] =	sst s1  }
0xa: {  	[smem:$0x3FAF] =	sst s2  }
0xb: {  	[smem:$0x3FB0] =	sst s3  }
0xc: {  	[smem:$0x3FB1] =	sst s4  }
0xd: {  	[smem:$0x3FB2] =	sst s5  }
0xe: {  	[smem:$0x3FB3] =	sst s6  }
0xf: {  	[smem:$0x3FB4] =	sst s7  }
0x10: {  	[smem:$0x3FB5] =	sst s8  }
0x11: {  	[smem:$0x3FB6] =	sst s9;
	s0 =	simm.s32 @!p0 $0x0  }
0x12: {  	s1 =	sld [smem:$0x3F9C];
	s0 =	simm.s32 @p0 $0x1  }
0x13: {  	[smem:$0x3FB7] =	sst s0;
	s0 =	simm.s32 @!p1 $0x0  }
0x14: {  	s2 =	sld [smem:$0x3F9B];
	s0 =	simm.s32 @p1 $0x1  }
0x15: {  	[smem:$0x3FB8] =	sst s0;
	s0 =	simm.s32 @!p2 $0x0  }
0x16: {  	s3 =	sld [smem:$0x3FDB];
	s0 =	simm.s32 @p2 $0x1  }
0x17: {  	s4 =	simm.s32 $0x1BF5;
	[smem:$0x3FBA] =	sst s0  }
0x18: {  	s0 =	sld [smem:$0x3F9D];
	_ =	swait.ge [sflag:s4], $0x0  }
0x19: {  	s7 =	sld [smem:$0x3F9E]  }
0x1a: {  	s8 =	sadd.s32 $0xFFFFE003, lr  }
0x1b: {  	s9 =	sadd.s32 $0xFFFFFEF7, lr;
	s5 =	simm.s32 $0xFFFFFFFF;
	p2 =	slt.u32 s8, $0xFFFFF086  }
0x1c: {  	p1 =	slt.u32 s9, $0xF7A;
	s5 =	simm.s32 @!p2 $0x0  }
0x1d: {  	s5 =	simm.s32 @p1 $0x1;
	p0 =	seq.s32 s7, s2  }
0x1e: {  	s7 =	smul.u32 @!p0 $0xF7A, s2;
	p2 =	seq.s32 @!p0 s5, $0x0  }
0x1f: {  	s9 =	smul.u32 $0xF7A, s1;
	s8 =	simm.s32 @!p0 $0x1BF5;
	p2 =	por !p2, p0  }
0x20: {  	[sflag:s8] =	ssyncset.s32 @!p0 $0xFFFFF086;
	s6 =	sadd.s32 @!p0 s3, s7;
	s7 =	simm.s32 @!p0 $0x108  }
0x21: {  	s3 =	sadd.s32 s3, s9;
	s6 =	sadd.s32 @!p0 $0x88, s6;
	s7 =	simm.s32 @p2 $0x1082  }
0x22: {  	[simem:s7], [sflag:s8] =	dma.local @!p0 [hbm:s6], $0xF7A  }
0x23: {  	s9 =	sor.u32 $0xD0000000, s2;
	s6 =	simm.s32 $0x108;
	_ =	swait.ge @!p0 [sflag:s8], $0x0  }
0x24: {  	s3 =	sadd.s32 $0x88, s3;
	s6 =	simm.s32 @!p1 $0x1082;
	[sflag:s4] =	ssyncset.s32 $0xFFFFF086  }
0x25: {  	[simem:s6], [sflag:s4] =	dma.local [hbm:s3], $0xF7A  }
0x26: {  	[smem:$0x3F9E] =	sst s1;
	(tag) =	ssettag s2;
	_ =	strace s9  }
0x27: {  	s1 =	sld [smem:$0x3FAE]  }
0x28: {  	s2 =	sld [smem:$0x3FAF]  }
0x29: {  	s4 =	sld [smem:$0x3FB1]  }
0x2a: {  	p0 =	seq.s32 s5, $0x0;
	s5 =	sld [smem:$0x3FB2]  }
0x2b: {  	s6 =	sld [smem:$0x3FB3]  }
0x2c: {  	s7 =	sld [smem:$0x3FB4]  }
0x2d: {  	s3 =	simm.s32 $0x108;
	s8 =	sld [smem:$0x3FB5]  }
0x2e: {  	s3 =	simm.s32 @!p0 $0x1082;
	s9 =	sld [smem:$0x3FB6]  }
0x2f: {  	lr =	sadd.s32 s0, s3;
	s0 =	sld [smem:$0x3FAD]  }
0x30: {  	s3 =	sld [smem:$0x3FB0]  }
0x31: {  	[smem:$0x3FB9] =	sst s10  }
0x32: {  	s10 =	sld [smem:$0x3FB7];
	_ =	sdelay $0x3  }
0x33: {  	p0 =	seq.s32 s10, $0x1;
	s10 =	sld [smem:$0x3FB9];
	_ =	sdelay $0x3  }
0x34: {  	[smem:$0x3FB9] =	sst s10  }
0x35: {  	s10 =	sld [smem:$0x3FB8];
	_ =	sdelay $0x3  }
0x36: {  	p1 =	seq.s32 s10, $0x1;
	s10 =	sld [smem:$0x3FB9];
	_ =	sdelay $0x3  }
0x37: {  	[smem:$0x3FB9] =	sst s10  }
0x38: {  	s10 =	sld [smem:$0x3FBA]  }
0x39: {  	_ = 	snop;
	(pc) =	sbr.ind lr, $3  }
0x3a: {  	_ = 	snop  }
0x3b: {  	_ = 	snop  }
0x3c: {  	p2 =	seq.s32 s10, $0x1;
	s10 =	sld [smem:$0x3FB9]  }
0x3d: {  	_ =	shalt  }
0x3e: {  	_ =	shalt  }
0x3f: {  	_ =	shalt  }
0x40: {  	_ =	shalt  }
0x41: {  	_ =	shalt  }
0x42: {  	_ =	shalt  }
0x43: {  	_ =	shalt  }
0x44: {  	_ =	shalt  }
0x45: {  	_ =	shalt  }
0x46: {  	_ =	shalt  }
0x47: {  	_ =	shalt  }
0x48: {  	_ =	shalt  }
0x49: {  	_ =	shalt  }
0x4a: {  	_ =	shalt  }
0x4b: {  	_ =	shalt  }
0x4c: {  	_ =	shalt  }
0x4d: {  	_ =	shalt  }
0x4e: {  	_ =	shalt  }
0x4f: {  	_ =	shalt  }
0x50: {  	_ =	shalt  }
0x51: {  	_ =	shalt  }
0x52: {  	_ =	shalt  }
0x53: {  	_ =	shalt  }
0x54: {  	_ =	shalt  }
0x55: {  	_ =	shalt  }
0x56: {  	_ =	shalt  }
0x57: {  	_ =	shalt  }
0x58: {  	_ =	shalt  }
0x59: {  	_ =	shalt  }
0x5a: {  	_ =	shalt  }
0x5b: {  	_ =	shalt  }
0x5c: {  	_ =	shalt  }
0x5d: {  	_ =	shalt  }
0x5e: {  	_ =	shalt  }
0x5f: {  	_ =	shalt  }
0x60: {  	_ =	shalt  }
0x61: {  	_ =	shalt  }
0x62: {  	_ =	shalt  }
0x63: {  	_ =	shalt  }
0x64: {  	_ =	shalt  }
0x65: {  	_ =	shalt  }
0x66: {  	_ =	shalt  }
0x67: {  	_ =	shalt  }
0x68: {  	_ =	shalt  }
0x69: {  	_ =	shalt  }
0x6a: {  	_ =	shalt  }
0x6b: {  	_ =	shalt  }
0x6c: {  	_ =	shalt  }
0x6d: {  	_ =	shalt  }
0x6e: {  	_ =	shalt  }
0x6f: {  	_ =	shalt  }
0x70: {  	_ =	shalt  }
0x71: {  	_ =	shalt  }
0x72: {  	_ =	shalt  }
0x73: {  	_ =	shalt  }
0x74: {  	_ =	shalt  }
0x75: {  	_ =	shalt  }
0x76: {  	_ =	shalt  }
0x77: {  	_ =	shalt  }
0x78: {  	_ =	shalt  }
0x79: {  	_ =	shalt  }
0x7a: {  	_ =	shalt  }
0x7b: {  	_ =	shalt  }
0x7c: {  	_ =	shalt  }
0x7d: {  	_ =	shalt  }
0x7e: {  	_ =	shalt  }
0x7f: {  	_ =	shalt  }
0x80: {  	_ =	shalt  }
0x81: {  	_ =	shalt  }
0x82: {  	_ =	shalt  }
0x83: {  	_ =	shalt  }
0x84: {  	_ =	shalt  }
0x85: {  	_ =	shalt  }
0x86: {  	_ =	shalt  }
0x87: {  	_ =	shalt  }
.Lfunc_end0:
.L_simem_size_0:
called_computation_lowered:
.L_overlay_start_0:
0x88: {  	s2 =	sld [smem:$0x3FD9]  }
0x89: {  	s3 =	sld [smem:$0x3FFE];
	_ =	sdelay $0x1  }
0x8a: {  	s1 =	srdreg.scid  }
0x8b: {  	s0 =	sand.u32 $0x1, s1  }
0x8c: {  	s17 =	sshll.u32 s0, $0xA;
	s2 =	sadd.s32 s3, s2  }
0x8d: {  	s2 =	sadd.s32 s2, s17  }
0x8e: {  	[smem:$0x3FC5] =	sst s2  }
0x8f: {  	_ = 	snop  }
0x90: {  	s2 =	sld [smem:$0x3FC9]  }
0x91: {  	s18 =	sld [smem:$0x3FD0];
	(tm) =	ssettm $0x1  }
0x92: {  	s4 =	sld [smem:$0x3FFB];
	_ =	sdelay $0x3  }
0x93: {  	_ =	strace s4  }
0x94: {  	s4 =	sld [smem:$0x3FFC];
	_ =	sdelay $0x3  }
0x95: {  	_ =	strace s4  }
0x96: {  	s4 =	sld [smem:$0x3FFD];
	_ =	sdelay $0x3  }
0x97: {  	_ =	strace s4  }
0x98: {  	_ =	strace $0x8FFFFFFF  }
0x99: {  	s19 =	sld [smem:$0x3FDB];
	_ =	sdelay $0x1  }
0x9a: {  	s5 =	simm.s32 $_scs_section_size  }
0x9b: {  	s6 =	simm.s32 $_size__tile_overlayer_lowered;
	s7 =	simm.s32 $_tile_overlayer_lowered  }
0x9c: {  	s22 =	simm.s32 $0x1BFF;
	s21 =	sshll.u32 s7, $0x1;
	s4 =	sadd.s32 s5, s19  }
0x9d: {  	s8 =	simm.s32 $0x0;
	s20 =	sshll.u32 s6, $0x1;
	s6 =	sadd.s32 s21, s4  }
0x9e: {  	[timem:s8], [sflag:s22] =	dma.local [hbm:s6], s20  }
0x9f: {  	_ =	swait.ge [sflag:s22], s20  }
0xa0: {  	s5 =	ssub.s32 $0x0, s20;
	[sflag:s22] =	ssyncset.done $0x0  }
0xa1: {  	[sflag:s22] =	ssyncadd.s32 s5;
	_ =	sdelay $0x1  }
0xa2: {  	s23 =	simm.s32 $0x1B8B  }
0xa3: {  	_ =	swait.ge [sflag:s23], $0x1  }
0xa4: {  	[sflag:s23] =	ssyncset.done $0x0  }
0xa5: {  	s25 =	simm.s32 $0x1B8E;
	s24 =	sld [smem:$0x3FFE];
	[sflag:s23] =	ssyncadd.s32 $0xFFFFFFFF  }
0xa6: {  	s26 =	simm.s32 $execute0_lowered;
	[smem:$0x3FD2] =	sst s25  }
0xa7: {  	s6 =	sshll.u32 s26, $0x1;
	_ =	strace $0x80000046;
	[dreg:$0x1] =	wrdreg $0xFFFFFFFF  }
0xa8: {  	s28 =	simm.s32 $_size_execute0_lowered;
	s4 =	sadd.s32 s4, s6;
	[dreg:$0x0] =	wrdreg $0x0  }
0xa9: {  	s6 =	sshll.u32 s28, $0x1;
	[dreg:$0x2] =	wrdreg s4  }
0xaa: {  	[dreg:$0x3] =	wrdreg s6  }
0xab: {  	[dreg:$0x4] =	wrdreg $0xC0  }
0xac: {  	_ =	task [dreg:s8], $0x5FFFF  }
0xad: {  	[dreg:$0x1] =	wrdreg $0xFFFFFFFF  }
0xae: {  	[dreg:$0x0] =	wrdreg $0x60  }
0xaf: {  	[dreg:$0x2] =	wrdreg s2  }
0xb0: {  	[dreg:$0x3] =	wrdreg s24  }
0xb1: {  	[dreg:$0x4] =	wrdreg s18  }
0xb2: {  	[dreg:$0x5] =	wrdreg $0x9  }
0xb3: {  	_ =	task.clear_ibuf [dreg:s8], $0x6FFFF;
	_ =	strace $0x90000046  }
0xb4: {  	s29 =	simm.s32 $0x9;
	_ =	strace $0x80000048  }
0xb5: {  	_ =	swait.ge [sflag:s29], $0x1  }
0xb6: {  	[sflag:s29] =	ssyncadd.s32 $0xFFFFFFFF  }
0xb7: {  	_ =	strace $0x90000048  }
0xb8: {  	_ =	sfence  }
0xb9: {  	s30 =	sld [smem:$0x0];
	_ =	sdelay $0x2  }
0xba: {  	s31 =	sshll.u32 s1, $0xD;
	s1 =	sshrl.u32 s1, $0x2  }
0xbb: {  	s3 =	sand.u32 $0x4000, s31;
	s1 =	sadd.s32 s1, s30  }
0xbc: {  	s0 =	sor.u32 s3, s0;
	s1 =	sshll.u32 s1, $0x11  }
0xbd: {  	s0 =	sor.u32 s1, s0  }
0xbe: {  	s0 =	sadd.s32 $0x8F2B, s0  }
0xbf: {  	[sflag:s0] =	ssyncadd.remote.s32 $0x1  }
0xc0: {  	_ =	sfence.sel $0xFFFF  }
0xc1: {  	[dreg:$0x0] =	wrdreg $0xFFFFFFFF;
	(pc) =	sbr.abs _section_cstart, $3  }
0xc2: {  	[dreg:$0x1] =	wrdreg $0xFFFFFFFF  }
0xc3: {  	_ =	task.clear_ibuf [dreg:s8], $0x2FFFF;
	_ =	strace $0x9FFFFFFF  }
0xc4: {  	(tm) =	ssettm $0x7FFFFFFF  }
0xc5: {  	_ =	shalt  }
tec
execute0_lowered:
.L_overlay_start_1:
0x0: {  	(tag) =	ssettag $0x1  }
0x1: {  	s5 =	rddreg [dreg:$0x0]  }
0x2: {  	s0 =	rddreg [dreg:$0x1]  }
0x3: {  	s11 =	rddreg [dreg:$0x2];
	s3 =	simm.s32 $0x0;
	s1 =	srdreg.scid  }
0x4: {  	s4 =	stileid.u32;
	[smem:$0x7FF] =	sst s3;
	s12 =	sadd.s32 $0xA200, s0  }
0x5: {  	s1 =	sand.u32 $0x1, s1;
	s2 =	sshll.u32 s4, $0x1;
	s4 =	sshrl.u32 s4, $0x1  }
0x6: {  	s0 =	sadd.s32 $0x400, s0;
	s28 =	sadd.s32 $0x8000, s11;
	_ =	strace $0x80000047  }
0x7: {  	s6 =	ssub.s32 $0x2, s1;
	s2 =	sand.u32 $0x2, s2;
	s7 =	smul.u32 $0x1388, s4  }
0x8: {  	s15 =	smul.u32 $0x9C40, s4;
	s8 =	sshrl.u32 s6, $0x1;
	s1 =	sor.u32 s1, s2  }
0x9: {  	[dreg:$0x11] =	wrdreg s28;
	s8 =	ssub.s32 s6, s8;
	s6 =	sshll.u32 s1, $0xA  }
0xa: {  	s7 =	sadd.s32 s0, s7;
	s21 =	sshll.u32 s1, $0xD;
	s1 =	sshll.u32 s1, $0x7  }
0xb: {  	s16 =	sadd.s32 $0x1388, s15;
	[dreg:$0x4] =	wrdreg s7;
	s1 =	sadd.s32 s12, s1  }
0xc: {  	s9 =	sshrl.u32 s15, $0x3;
	s29 =	sadd.s32 s5, s6;
	[dreg:$0xc] =	wrdreg s1  }
0xd: {  	s7 =	sshrl.u32 s16, $0x3;
	s30 =	smax.u32 s8, $0x1;
	[dreg:$0x12] =	wrdreg s29  }
0xe: {  	s9 =	sadd.s32 s0, s9;
	s7 =	sadd.s32 s0, s7;
	[dreg:$0x14] =	wrdreg s30  }
0xf: {  	s31 =	sshll.u32 s4, $0xF;
	s17 =	sadd.s32 $0x4E2, s9;
	[dreg:$0x5] =	wrdreg s7  }
0x10: {  	s10 =	sadd.s32 $0x3A98, s15;
	s19 =	sadd.s32 $0x9C4, s9;
	[dreg:$0x6] =	wrdreg s17  }
0x11: {  	s18 =	sshrl.u32 s10, $0x3;
	s22 =	sadd.s32 $0xEA6, s9;
	[dreg:$0x8] =	wrdreg s19  }
0x12: {  	s4 =	sor.u32 s31, s21;
	s25 =	sadd.s32 $0x200, s1;
	[dreg:$0xa] =	wrdreg s22  }
0x13: {  	s4 =	sshrl.u32 s4, $0x3;
	s7 =	sadd.s32 s0, s18;
	[dreg:$0xf] =	wrdreg s25  }
0x14: {  	s20 =	sadd.s32 $0x61A8, s15;
	s23 =	sadd.s32 s5, s4;
	[dreg:$0x7] =	wrdreg s7  }
0x15: {  	s2 =	sadd.s32 $0x88B8, s15;
	s26 =	sadd.s32 s11, s4;
	[dreg:$0xb] =	wrdreg s23  }
0x16: {  	s7 =	sshrl.u32 s20, $0x3;
	s24 =	sadd.s32 $0x8000, s23;
	[dreg:$0x10] =	wrdreg s26  }
0x17: {  	s2 =	sshrl.u32 s2, $0x3;
	s7 =	sadd.s32 s0, s7;
	[dreg:$0xe] =	wrdreg s24  }
0x18: {  	s0 =	sadd.s32 s0, s2;
	[dreg:$0x9] =	wrdreg s7  }
0x19: {  	s5 =	simm.s32 $0xA480;
	[dreg:$0xd] =	wrdreg s0;
	s0 =	sadd.s32 $0x638000, s26  }
0x1a: {  	s4 =	simm.s32 $0xC480;
	s2 =	simm.s32 $0x0;
	[dreg:$0x13] =	wrdreg s0  }
.LBB2_1:
0x1b: {  	[dreg:$0x15] =	wrdreg s2  }
0x1c: {  	s0 =	rddreg [dreg:$0x4];
	s1 =	simm.s32 $0x7  }
0x1d: {  	[tilespmem:s3], [sflag:$0x7] =	stream.linear.gather [hbm4b:s0+s3], $0x1388, $0x38;
	[tilespmem:$0xE480] =	vst v63  }
0x1e: {  	_ =	swait.ge [sflag:s1], $0x1388  }
0x1f: {  	[sflag:s1] =	ssyncset.done $0x0  }
0x20: {  	s30 =	simm.s32 $0x1388;
	s29 =	rddreg [dreg:$0x5];
	[sflag:s1] =	ssyncadd.s32 $0xFFFFEC78  }
0x21: {  	[tilespmem:s30], [sflag:$0x7] =	stream.linear.gather [hbm4b:s29+s3], $0x1388, $0x38;
	[tilespmem:$0xE480] =	vst v63  }
0x22: {  	_ =	swait.ge [sflag:s1], $0x1388  }
0x23: {  	[sflag:s1] =	ssyncset.done $0x0  }
0x24: {  	s7 =	simm.s32 $0x2710;
	s2 =	rddreg [dreg:$0x6];
	[sflag:s1] =	ssyncadd.s32 $0xFFFFEC78  }
0x25: {  	[tilespmem:s7], [sflag:$0x7] =	stream.linear.gather [hbm4b:s2+s3], $0x1388, $0x38;
	[tilespmem:$0xE480] =	vst v63  }
0x26: {  	_ =	swait.ge [sflag:s1], $0x1388  }
0x27: {  	[sflag:s1] =	ssyncset.done $0x0  }
0x28: {  	s9 =	simm.s32 $0x3A98;
	s8 =	rddreg [dreg:$0x7];
	[sflag:s1] =	ssyncadd.s32 $0xFFFFEC78  }
0x29: {  	[tilespmem:s9], [sflag:$0x7] =	stream.linear.gather [hbm4b:s8+s3], $0x1388, $0x38;
	[tilespmem:$0xE480] =	vst v63  }
0x2a: {  	_ =	swait.ge [sflag:s1], $0x1388  }
0x2b: {  	[sflag:s1] =	ssyncset.done $0x0  }
0x2c: {  	s11 =	simm.s32 $0x4E20;
	s10 =	rddreg [dreg:$0x8];
	[sflag:s1] =	ssyncadd.s32 $0xFFFFEC78  }
0x2d: {  	[tilespmem:s11], [sflag:$0x7] =	stream.linear.gather [hbm4b:s10+s3], $0x1388, $0x38;
	[tilespmem:$0xE480] =	vst v63  }
0x2e: {  	_ =	swait.ge [sflag:s1], $0x1388  }
0x2f: {  	[sflag:s1] =	ssyncset.done $0x0  }
0x30: {  	s14 =	simm.s32 $0x61A8;
	s13 =	rddreg [dreg:$0x9];
	[sflag:s1] =	ssyncadd.s32 $0xFFFFEC78  }
0x31: {  	[tilespmem:s14], [sflag:$0x7] =	stream.linear.gather [hbm4b:s13+s3], $0x1388, $0x38;
	[tilespmem:$0xE480] =	vst v63  }
0x32: {  	_ =	swait.ge [sflag:s1], $0x1388  }
0x33: {  	[sflag:s1] =	ssyncset.done $0x0  }
0x34: {  	s16 =	simm.s32 $0x7530;
	s15 =	rddreg [dreg:$0xa];
	[sflag:s1] =	ssyncadd.s32 $0xFFFFEC78  }
0x35: {  	[tilespmem:s16], [sflag:$0x7] =	stream.linear.gather [hbm4b:s15+s3], $0x1388, $0x38;
	[tilespmem:$0xE480] =	vst v63  }
0x36: {  	_ =	swait.ge [sflag:s1], $0x1388  }
0x37: {  	[sflag:s1] =	ssyncset.done $0x0  }
0x38: {  	s18 =	simm.s32 $0x88B8;
	s17 =	rddreg [dreg:$0xd];
	[sflag:s1] =	ssyncadd.s32 $0xFFFFEC78  }
0x39: {  	[tilespmem:s18], [sflag:$0x7] =	stream.linear.gather [hbm4b:s17+s3], $0x1388, $0x38;
	[tilespmem:$0xE480] =	vst v63  }
0x3a: {  	_ =	swait.ge [sflag:s1], $0x1388  }
0x3b: {  	[sflag:s1] =	ssyncset.done $0x0  }
0x3c: {  	s19 =	rddreg [dreg:$0xb];
	[sflag:s1] =	ssyncadd.s32 $0xFFFFEC78  }
0x3d: {  	[tilespmem:s5], [sflag:$0x1] =	stream.linear.gather [hbm4b:s19+s3], $0x2000, $0x38;
	[tilespmem:$0xE480] =	vst v63  }
0x3e: {  	s7 =	simm.s32 $0x9C80;
	s20 =	rddreg [dreg:$0xc]  }
0x3f: {  	[tilespmem:s7], [sflag:$0x3] =	stream.linear.gather [hbm4b:s20+s3], $0x400, $0x38;
	[tilespmem:$0xE480] =	vst v63  }
0x40: {  	s21 =	rddreg [dreg:$0xe]  }
0x41: {  	[tilespmem:s4], [sflag:$0x2] =	stream.linear.gather [hbm4b:s21+s3], $0x2000, $0x38;
	[tilespmem:$0xE480] =	vst v63  }
0x42: {  	s23 =	simm.s32 $0xA080;
	s24 =	simm.s32 $0x3;
	s22 =	rddreg [dreg:$0xf]  }
0x43: {  	[tilespmem:s23], [sflag:$0x4] =	stream.linear.gather [hbm4b:s22+s3], $0x400, $0x38;
	[tilespmem:$0xE480] =	vst v63  }
0x44: {  	_ =	swait.ge [sflag:s24], $0x400  }
0x45: {  	[sflag:s24] =	ssyncset.done $0x0  }
0x46: {  	s25 =	simm.s32 $0x1;
	[sflag:s24] =	ssyncadd.s32 $0xFFFFFC00  }
0x47: {  	s26 =	sand.u32 $0x40, s3;
	s29 =	sand.u32 $0x380, s3;
	_ =	swait.ge [sflag:s25], $0x2000  }
0x48: {  	s30 =	sor.u32 $0x30, s26;
	s1 =	sadd.s32 $0x9C80, s29;
	[sflag:s25] =	ssyncset.done $0x0  }
0x49: {  	s9 =	sor.u32 s30, s1;
	[sflag:s25] =	ssyncadd.s32 $0xFFFFE000  }
0x4a: {  	v0 =	vld [tilespmem:s9+$0x0];
	_ =	sdelay $0x4  }
0x4b: {  	s10 =	sor.u32 $0x10, s26;
	v1 =	vld [tilespmem:s7+$0x0];
	v0 =	vcvt.s32.f32 v0  }
0x4c: {  	s13 =	sor.u32 s10, s1  }
0x4d: {  	v2 =	vld [tilespmem:s13+$0x0];
	v0 =	vadd.f32 $5.000000000e-01, v0;
	_ =	sdelay $0x1  }
0x4e: {  	v0 =	vmul.f32 $9.999999770e-03, v0  }
0x4f: {  	s14 =	sor.u32 $0x20, s26;
	v1 =	vcvt.s32.f32 v1  }
0x50: {  	s1 =	sor.u32 s14, s1;
	v0 =	vtrunc.f32 v0  }
0x51: {  	v3 =	vld [tilespmem:s1+$0x0];
	v2 =	vcvt.s32.f32 v2;
	v1 =	vadd.f32 $5.000000000e-01, v1;
	v6 =	vcvt.f32.s32 v0;
	_ =	sdelay $0x1  }
0x52: {  	s15 =	sand.u32 $0x1C00, s3;
	v0 =	vmul.f32 $9.999999770e-03, v1;
	v1 =	vadd.f32 $5.000000000e-01, v2  }
0x53: {  	s8 =	sadd.s32 $0xA480, s15  }
0x54: {  	s1 =	sor.u32 s30, s8;
	v0 =	vtrunc.f32 v0;
	v1 =	vmul.f32 $9.999999770e-03, v1  }
0x55: {  	v4 =	vld [tilespmem:s1+$0x0];
	v2 =	vcvt.s32.f32 v3;
	v0 =	vcvt.f32.s32 v0  }
0x56: {  	v1 =	vtrunc.f32 v1;
	v3 =	vld.idx.msk [tilespmem:v6+s3+$0x0], $0xffff  }
0x57: {  	v2 =	vadd.f32 $5.000000000e-01, v2;
	v1 =	vcvt.f32.s32 v1;
	_ =	sdelay $0x1  }
0x58: {  	s10 =	sor.u32 s10, s8;
	v5 =	vadd.s32 $0x1388, v6;
	v2 =	vmul.f32 $9.999999770e-03, v2  }
0x59: {  	v9 =	vld [tilespmem:s10+$0x0]  }
0x5a: {  	s11 =	sor.u32 s26, s8;
	v2 =	vtrunc.f32 v2;
	v7 =	vld.idx.msk [tilespmem:v0+s3+$0x0], $0xffff;
	v3 =	vadd.f32 v4, v3  }
0x5b: {  	v2 =	vcvt.f32.s32 v2;
	v4 =	vld [tilespmem:s11+$0x0]  }
0x5c: {  	v8 =	vld.idx.msk [tilespmem:v1+s3+$0x0], $0xffff;
	[tilespmem:s1+$0x0] =	vst v3  }
0x5d: {  	v3 =	vld.idx.msk [tilespmem:v5+s3+$0x0], $0xffff  }
0x5e: {  	s16 =	sor.u32 s14, s8;
	v10 =	vadd.s32 $0x1388, v0;
	v5 =	vld [tilespmem:s1+$0x80]  }
0x5f: {  	v13 =	vld [tilespmem:s16+$0x0];
	v11 =	vadd.s32 $0x1388, v1  }
0x60: {  	v14 =	vld [tilespmem:s11+$0x80];
	v4 =	vadd.f32 v4, v7  }
0x61: {  	v12 =	vld.idx.msk [tilespmem:v2+s3+$0x0], $0xffff;
	v7 =	vadd.s32 $0x2710, v6;
	v8 =	vadd.f32 v9, v8  }
0x62: {  	v9 =	vld [tilespmem:s10+$0x80];
	[tilespmem:s11+$0x0] =	vst v4  }
0x63: {  	[tilespmem:s10+$0x0] =	vst v8;
	v3 =	vadd.f32 v5, v3;
	v4 =	vld.idx.msk [tilespmem:v10+s3+$0x0], $0xffff  }
0x64: {  	v5 =	vadd.s32 $0x1388, v2;
	v8 =	vld.idx.msk [tilespmem:v11+s3+$0x0], $0xffff  }
0x65: {  	v10 =	vld [tilespmem:s1+$0x100];
	[tilespmem:s1+$0x80] =	vst v3  }
0x66: {  	v3 =	vld.idx.msk [tilespmem:v7+s3+$0x0], $0xffff;
	v7 =	vadd.f32 v13, v12  }
0x67: {  	v11 =	vadd.s32 $0x2710, v0  }
0x68: {  	v12 =	vadd.s32 $0x2710, v1;
	v13 =	vld [tilespmem:s16+$0x80];
	[tilespmem:s16+$0x0] =	vst v7  }
0x69: {  	v4 =	vadd.f32 v14, v4;
	v7 =	vadd.s32 $0x3A98, v6;
	v5 =	vld.idx.msk [tilespmem:v5+s3+$0x0], $0xffff  }
0x6a: {  	v14 =	vld [tilespmem:s11+$0x100];
	v8 =	vadd.f32 v9, v8  }
0x6b: {  	v9 =	vld [tilespmem:s10+$0x100];
	[tilespmem:s11+$0x80] =	vst v4;
	v3 =	vadd.f32 v10, v3  }
0x6c: {  	[tilespmem:s10+$0x80] =	vst v8;
	v8 =	vadd.s32 $0x2710, v2;
	v4 =	vld.idx.msk [tilespmem:v11+s3+$0x0], $0xffff  }
0x6d: {  	v10 =	vld.idx.msk [tilespmem:v12+s3+$0x0], $0xffff;
	[tilespmem:s1+$0x100] =	vst v3  }
0x6e: {  	v3 =	vld.idx.msk [tilespmem:v7+s3+$0x0], $0xffff;
	v5 =	vadd.f32 v13, v5  }
0x6f: {  	v11 =	vadd.s32 $0x3A98, v0;
	v7 =	vld [tilespmem:s1+$0x180]  }
0x70: {  	v12 =	vadd.s32 $0x3A98, v1;
	v13 =	vld [tilespmem:s16+$0x100];
	[tilespmem:s16+$0x80] =	vst v5  }
0x71: {  	v4 =	vadd.f32 v14, v4;
	v5 =	vld.idx.msk [tilespmem:v8+s3+$0x0], $0xffff  }
0x72: {  	p0 =	por $0x0, $0x0;
	s0 =	simm.s32 $0x1;
	v14 =	vld [tilespmem:s11+$0x180];
	v9 =	vadd.f32 v9, v10;
	v8 =	vadd.s32 $0x4E20, v6  }
0x73: {  	s0 =	simm.s32 @!p0 $0x0;
	v10 =	vld [tilespmem:s10+$0x180];
	[tilespmem:s11+$0x100] =	vst v4  }
0x74: {  	s0 =	sshll.u32 s0, $0x6;
	v4 =	vadd.s32 $0x3A98, v2;
	[tilespmem:s10+$0x100] =	vst v9;
	v3 =	vadd.f32 v7, v3;
	v7 =	vld.idx.msk [tilespmem:v11+s3+$0x0], $0xffff  }
0x75: {  	s17 =	sadd.s32 $0x0, s0;
	v9 =	vld.idx.msk [tilespmem:v12+s3+$0x0], $0xffff  }
0x76: {  	[tilespmem:s1+$0x180] =	vst v3;
	s1 =	sadd.s32 $0x30, s17;
	v3 =	vadd.f32 v13, v5  }
0x77: {  	v5 =	vld.idx.msk [tilespmem:v8+s3+$0x0], $0xffff;
	s18 =	sor.u32 $0x200, s1;
	v8 =	vadd.s32 $0x4E20, v0  }
0x78: {  	v12 =	vadd.s32 $0x4E20, v1;
	v11 =	vld [tilespmem:s18+$0xA480];
	[tilespmem:s16+$0x100] =	vst v3  }
0x79: {  	v3 =	vld.idx.msk [tilespmem:v4+s3+$0x0], $0xffff;
	v4 =	vadd.f32 v14, v7  }
0x7a: {  	s19 =	simm.s32 $0x9CC0;
	v13 =	vld [tilespmem:s16+$0x180];
	v7 =	vadd.f32 v10, v9  }
0x7b: {  	v9 =	vadd.s32 $0x61A8, v6;
	v10 =	vld [tilespmem:s19+$0x0];
	[tilespmem:s11+$0x180] =	vst v4  }
0x7c: {  	s20 =	sadd.s32 $0x10, s17;
	[tilespmem:s10+$0x180] =	vst v7;
	v8 =	vld.idx.msk [tilespmem:v8+s3+$0x0], $0xffff  }
0x7d: {  	s22 =	sor.u32 $0x200, s20;
	v4 =	vadd.s32 $0x4E20, v2;
	v5 =	vadd.f32 v11, v5;
	v7 =	vld.idx.msk [tilespmem:v12+s3+$0x0], $0xffff  }
0x7e: {  	s14 =	sor.u32 $0x200, s17;
	v11 =	vld [tilespmem:s22+$0xA480]  }
0x7f: {  	v3 =	vadd.f32 v13, v3;
	[tilespmem:s18+$0xA480] =	vst v5;
	v13 =	vld [tilespmem:s14+$0xA480]  }
0x80: {  	s23 =	sor.u32 $0x280, s1;
	s11 =	simm.s32 $0x40;
	v5 =	vld.idx.msk [tilespmem:v9+s3+$0x0], $0xffff  }
0x81: {  	s9 =	sadd.s32 $0x20, s17;
	s24 =	sand.u32 $0x40, s11;
	s29 =	sand.u32 $0x380, s11;
	[tilespmem:s16+$0x180] =	vst v3;
	v3 =	vld [tilespmem:s23+$0xA480]  }
0x82: {  	s26 =	sor.u32 $0x200, s9;
	s13 =	sadd.s32 $0x9C80, s29;
	s4 =	sor.u32 $0x30, s24;
	v4 =	vld.idx.msk [tilespmem:v4+s3+$0x0], $0xffff  }
0x83: {  	s21 =	sor.u32 $0x10, s24;
	s15 =	sor.u32 s4, s13;
	v9 =	vadd.s32 $0x61A8, v1;
	v12 =	vld [tilespmem:s26+$0xA480]  }
0x84: {  	v14 =	vadd.s32 $0x7530, v6;
	v10 =	vcvt.s32.f32 v10;
	s16 =	sor.u32 s21, s13;
	v7 =	vadd.f32 v11, v7;
	v11 =	vld [tilespmem:s15+$0x0]  }
0x85: {  	s25 =	sor.u32 $0x20, s24;
	v16 =	vld [tilespmem:s16+$0x0]  }
0x86: {  	v15 =	vadd.s32 $0x61A8, v2;
	s13 =	sor.u32 s25, s13;
	v10 =	vadd.f32 $5.000000000e-01, v10;
	v3 =	vadd.f32 v3, v5  }
0x87: {  	[tilespmem:s22+$0xA480] =	vst v7;
	v7 =	vld [tilespmem:s13+$0x0]  }
0x88: {  	v9 =	vld.idx.msk [tilespmem:v9+s3+$0x0], $0xffff;
	v5 =	vadd.f32 v12, v4;
	[tilespmem:s23+$0xA480] =	vst v3;
	v3 =	vmul.f32 $9.999999770e-03, v10  }
0x89: {  	s28 =	sor.u32 $0x300, s1;
	v8 =	vadd.f32 v13, v8;
	v11 =	vcvt.s32.f32 v11;
	v17 =	vld.idx.msk [tilespmem:v14+s3+$0x0], $0xffff  }
0x8a: {  	v12 =	vadd.s32 $0x61A8, v0;
	v13 =	vcvt.s32.f32 v16;
	[tilespmem:s26+$0xA480] =	vst v5;
	v18 =	vld [tilespmem:s28+$0xA480];
	v3 =	vtrunc.f32 v3  }
0x8b: {  	s26 =	sor.u32 $0x280, s20;
	v10 =	vld.idx.msk [tilespmem:v15+s3+$0x0], $0xffff;
	v3 =	vcvt.f32.s32 v3  }
0x8c: {  	s30 =	sor.u32 s3, s3;
	s19 =	simm.s32 $0x0;
	s22 =	sor.u32 $0x280, s9;
	[tilespmem:s14+$0xA480] =	vst v8;
	v7 =	vcvt.s32.f32 v7;
	v8 =	vadd.f32 $5.000000000e-01, v11;
	v13 =	vadd.f32 $5.000000000e-01, v13;
	v14 =	vld [tilespmem:s26+$0xA480]  }
0x8d: {  	s10 =	simm.s32 $0x9D00;
	s18 =	sor.u32 $0x300, s17;
	v4 =	vadd.s32 $0x7530, v1;
	v1 =	vadd.s32 $0x88B8, v1;
	s23 =	sor.u32 $0x280, s17;
	v11 =	vld [tilespmem:s22+$0xA480];
	v15 =	vadd.s32 $0x88B8, v6  }
0x8e: {  	s16 =	sor.u32 $0x300, s20;
	s15 =	sor.u32 $0x300, s9;
	s13 =	sor.u32 $0x380, s30;
	v6 =	vadd.f32 $5.000000000e-01, v7;
	v8 =	vmul.f32 $9.999999770e-03, v8;
	v16 =	vmul.f32 $9.999999770e-03, v13;
	v13 =	vld [tilespmem:s23+$0xA480]  }
0x8f: {  	s14 =	sor.u32 $0x380, s9;
	s17 =	sor.u32 $0x380, s20;
	v5 =	vadd.s32 $0x7530, v2;
	v2 =	vadd.s32 $0x88B8, v2;
	s20 =	simm.s32 $0x4;
	v12 =	vld.idx.msk [tilespmem:v12+s3+$0x0], $0xffff;
	v17 =	vadd.f32 v18, v17  }
.LBB2_2:
0x90: {  	v7 =	vld [tilespmem:s10+$0x0];
	v18 =	vmul.f32 $9.999999770e-03, v6;
	v6 =	vtrunc.f32 v8  }
0x91: {  	v19 =	vld.idx.msk [tilespmem:v3+s3+$0x0], $0xffff;
	v8 =	vtrunc.f32 v16;
	v6 =	vcvt.f32.s32 v6;
	v9 =	vadd.f32 v14, v9;
	[tilespmem:s28+$0xA480] =	vst v17  }
0x92: {  	s0 =	sor.u32 $0x380, s1;
	v14 =	vcvt.f32.s32 v8;
	v8 =	vtrunc.f32 v18;
	v10 =	vadd.f32 v11, v10;
	v15 =	vld.idx.msk [tilespmem:v15+s3+$0x0], $0xffff  }
0x93: {  	v16 =	vcvt.f32.s32 v8;
	[tilespmem:s26+$0xA480] =	vst v9;
	v17 =	vld [tilespmem:s0+$0xA480]  }
0x94: {  	s19 =	sadd.s32 $0x200, s19;
	v18 =	vadd.s32 $0x1388, v14;
	v20 =	vadd.s32 $0x2710, v14;
	v21 =	vadd.s32 $0x3A98, v14;
	v22 =	vld.idx.msk [tilespmem:v4+s3+$0x0], $0xffff;
	[tilespmem:s22+$0xA480] =	vst v10  }
0x95: {  	s1 =	sand.u32 $0x1C00, s19;
	s2 =	sor.u32 s19, s11;
	v23 =	vadd.s32 $0x1388, v16;
	v24 =	vadd.s32 $0x2710, v16;
	v25 =	vadd.s32 $0x3A98, v16;
	v26 =	vld.idx.msk [tilespmem:v5+s3+$0x0], $0xffff  }
0x96: {  	s7 =	sadd.s32 $0xA480, s1;
	s2 =	sor.u32 $0x380, s2;
	v11 =	vadd.s32 $0x4E20, v14;
	v9 =	vadd.s32 $0x61A8, v14;
	v10 =	vadd.s32 $0x4E20, v16;
	v27 =	vld [tilespmem:s16+$0xA480]  }
0x97: {  	s24 =	sor.u32 s24, s7;
	s21 =	sor.u32 s21, s7;
	s1 =	sor.u32 s4, s7;
	v4 =	vadd.s32 $0x7530, v14;
	v12 =	vadd.f32 v13, v12;
	v8 =	vadd.s32 $0x61A8, v16;
	v28 =	vld.idx.msk [tilespmem:v6+s3+$0x0], $0xffff  }
0x98: {  	s4 =	sor.u32 s25, s7;
	v13 =	vadd.s32 $0x88B8, v14;
	v5 =	vadd.s32 $0x7530, v16;
	v29 =	vld [tilespmem:s1+$0x0];
	v15 =	vadd.f32 v17, v15  }
0x99: {  	v17 =	vadd.s32 $0x88B8, v16;
	v14 =	vld.idx.msk [tilespmem:v14+s3+$0x0], $0xffff;
	[tilespmem:s23+$0xA480] =	vst v12  }
0x9a: {  	v12 =	vld.idx.msk [tilespmem:v16+s3+$0x0], $0xffff;
	[tilespmem:s0+$0xA480] =	vst v15  }
0x9b: {  	v16 =	vadd.s32 $0x1388, v6;
	v15 =	vld [tilespmem:s24+$0x0];
	v22 =	vadd.f32 v27, v22  }
0x9c: {  	v27 =	vld [tilespmem:s21+$0x0]  }
0x9d: {  	v30 =	vld [tilespmem:s4+$0x0];
	v28 =	vadd.f32 v29, v28;
	[tilespmem:s16+$0xA480] =	vst v22  }
0x9e: {  	v22 =	vadd.s32 $0x1388, v3;
	v29 =	vld [tilespmem:s24+$0x80]  }
0x9f: {  	v31 =	vld [tilespmem:s21+$0x80];
	[tilespmem:s1+$0x0] =	vst v28  }
0xa0: {  	v15 =	vadd.f32 v15, v19;
	v16 =	vld.idx.msk [tilespmem:v16+s3+$0x0], $0xffff  }
0xa1: {  	v14 =	vadd.f32 v27, v14;
	v19 =	vld [tilespmem:s1+$0x80]  }
0xa2: {  	[tilespmem:s24+$0x0] =	vst v15;
	v12 =	vadd.f32 v30, v12;
	v15 =	vld [tilespmem:s4+$0x80]  }
0xa3: {  	v22 =	vld.idx.msk [tilespmem:v22+s3+$0x0], $0xffff;
	[tilespmem:s21+$0x0] =	vst v14  }
0xa4: {  	v14 =	vld.idx.msk [tilespmem:v18+s3+$0x0], $0xffff;
	[tilespmem:s4+$0x0] =	vst v12;
	v12 =	vadd.s32 $0x2710, v6  }
0xa5: {  	v18 =	vld.idx.msk [tilespmem:v23+s3+$0x0], $0xffff  }
0xa6: {  	v23 =	vld [tilespmem:s24+$0x100];
	v16 =	vadd.f32 v19, v16  }
0xa7: {  	v19 =	vadd.s32 $0x2710, v3;
	v27 =	vld [tilespmem:s21+$0x100]  }
0xa8: {  	v28 =	vld [tilespmem:s4+$0x100];
	[tilespmem:s1+$0x80] =	vst v16  }
0xa9: {  	v16 =	vadd.f32 v29, v22;
	v12 =	vld.idx.msk [tilespmem:v12+s3+$0x0], $0xffff  }
0xaa: {  	v14 =	vadd.f32 v31, v14;
	v22 =	vld [tilespmem:s1+$0x100]  }
0xab: {  	v15 =	vadd.f32 v15, v18;
	[tilespmem:s24+$0x80] =	vst v16;
	v16 =	vld [tilespmem:s24+$0x180]  }
0xac: {  	v18 =	vld.idx.msk [tilespmem:v19+s3+$0x0], $0xffff;
	[tilespmem:s21+$0x80] =	vst v14  }
0xad: {  	v14 =	vld.idx.msk [tilespmem:v20+s3+$0x0], $0xffff;
	[tilespmem:s4+$0x80] =	vst v15;
	v15 =	vadd.s32 $0x3A98, v6  }
0xae: {  	v19 =	vld.idx.msk [tilespmem:v24+s3+$0x0], $0xffff  }
0xaf: {  	v20 =	vld [tilespmem:s21+$0x180];
	v12 =	vadd.f32 v22, v12;
	v22 =	vadd.s32 $0x7530, v0  }
0xb0: {  	v24 =	vadd.s32 $0x3A98, v3;
	v29 =	vld [tilespmem:s4+$0x180]  }
0xb1: {  	[tilespmem:s1+$0x100] =	vst v12;
	v12 =	vld [tilespmem:s15+$0xA480]  }
0xb2: {  	v18 =	vadd.f32 v23, v18;
	v15 =	vld.idx.msk [tilespmem:v15+s3+$0x0], $0xffff  }
0xb3: {  	v14 =	vadd.f32 v27, v14;
	v23 =	vld [tilespmem:s1+$0x180]  }
0xb4: {  	[tilespmem:s24+$0x100] =	vst v18;
	v18 =	vadd.f32 v28, v19;
	v19 =	vld.idx.msk [tilespmem:v22+s3+$0x0], $0xffff  }
0xb5: {  	v22 =	vld.idx.msk [tilespmem:v24+s3+$0x0], $0xffff;
	[tilespmem:s21+$0x100] =	vst v14  }
0xb6: {  	p0 =	por !p0, !p0;
	s0 =	simm.s32 $0x1;
	v14 =	vld.idx.msk [tilespmem:v21+s3+$0x0], $0xffff;
	[tilespmem:s4+$0x100] =	vst v18;
	v18 =	vadd.s32 $0x4E20, v6;
	v12 =	vadd.f32 v12, v26  }
0xb7: {  	s0 =	simm.s32 @!p0 $0x0;
	v21 =	vld.idx.msk [tilespmem:v25+s3+$0x0], $0xffff  }
0xb8: {  	s0 =	sshll.u32 s0, $0x6;
	v15 =	vadd.f32 v23, v15;
	v23 =	vld [tilespmem:s18+$0xA480];
	[tilespmem:s15+$0xA480] =	vst v12  }
0xb9: {  	s0 =	sadd.s32 s0, s19;
	v12 =	vadd.s32 $0x4E20, v3;
	v24 =	vld.idx.msk [tilespmem:v1+s3+$0x0], $0xffff;
	v1 =	vmov v13  }
0xba: {  	s8 =	sadd.s32 $0x10, s0;
	s9 =	sadd.s32 $0x20, s0;
	[tilespmem:s1+$0x180] =	vst v15;
	s1 =	sadd.s32 $0x30, s0;
	v13 =	vld.idx.msk [tilespmem:v2+s3+$0x0], $0xffff;
	v2 =	vmov v17  }
0xbb: {  	s7 =	sor.u32 $0x200, s8;
	s29 =	sor.u32 $0x200, s9;
	v15 =	vadd.f32 v16, v22;
	v16 =	vld.idx.msk [tilespmem:v18+s3+$0x0], $0xffff;
	s25 =	sor.u32 $0x200, s1  }
0xbc: {  	s28 =	sor.u32 $0x200, s0;
	s26 =	sor.u32 $0x280, s8;
	s22 =	sor.u32 $0x280, s9;
	v14 =	vadd.f32 v20, v14;
	v17 =	vld [tilespmem:s25+$0xA480]  }
0xbd: {  	s23 =	sor.u32 $0x280, s0;
	s16 =	sor.u32 $0x300, s8;
	s15 =	sor.u32 $0x300, s9;
	[tilespmem:s24+$0x180] =	vst v15;
	v15 =	vadd.f32 v29, v21;
	v18 =	vadd.f32 v23, v19;
	v19 =	vld [tilespmem:s17+$0xA480]  }
0xbe: {  	s8 =	sor.u32 $0x380, s8;
	s24 =	sor.u32 $0x300, s0;
	s0 =	sor.u32 $0x380, s9;
	v12 =	vld.idx.msk [tilespmem:v12+s3+$0x0], $0xffff;
	[tilespmem:s21+$0x180] =	vst v14  }
0xbf: {  	v14 =	vadd.s32 $0x61A8, v6;
	v11 =	vld.idx.msk [tilespmem:v11+s3+$0x0], $0xffff;
	[tilespmem:s4+$0x180] =	vst v15  }
0xc0: {  	v10 =	vld.idx.msk [tilespmem:v10+s3+$0x0], $0xffff;
	[tilespmem:s18+$0xA480] =	vst v18;
	s18 =	smov.u32 s24  }
0xc1: {  	v15 =	vld [tilespmem:s7+$0xA480];
	v16 =	vadd.f32 v17, v16  }
0xc2: {  	v18 =	vadd.s32 $0x88B8, v0;
	v0 =	vmov v3;
	v17 =	vld [tilespmem:s29+$0xA480];
	v19 =	vadd.f32 v19, v24  }
0xc3: {  	v3 =	vld [tilespmem:s28+$0xA480];
	[tilespmem:s25+$0xA480] =	vst v16  }
0xc4: {  	s9 =	sor.u32 $0x280, s1;
	v14 =	vld.idx.msk [tilespmem:v14+s3+$0x0], $0xffff;
	[tilespmem:s17+$0xA480] =	vst v19;
	s17 =	smov.u32 s8  }
0xc5: {  	s11 =	sadd.s32 $0x40, s11;
	v16 =	vld [tilespmem:s9+$0xA480]  }
0xc6: {  	s20 =	sadd.s32 $0x4, s20;
	s4 =	sand.u32 $0x380, s11;
	s24 =	sand.u32 $0x40, s11;
	v11 =	vadd.f32 v15, v11;
	v15 =	vld [tilespmem:s14+$0xA480]  }
0xc7: {  	p1 =	slt.u32 s20, $0x3C;
	s8 =	sadd.s32 $0x9C80, s4;
	s4 =	sor.u32 $0x30, s24;
	v10 =	vadd.f32 v17, v10;
	v17 =	vld.idx.msk [tilespmem:v18+s3+$0x0], $0xffff  }
0xc8: {  	v7 =	vcvt.s32.f32 v7;
	s21 =	sor.u32 $0x10, s24;
	s25 =	sor.u32 $0x20, s24;
	s30 =	sor.u32 s4, s8;
	v3 =	vadd.f32 v3, v12;
	[tilespmem:s7+$0xA480] =	vst v11;
	v11 =	vadd.s32 $0x7530, v6;
	v12 =	vld [tilespmem:s13+$0xA480]  }
0xc9: {  	s7 =	sor.u32 s21, s8;
	s8 =	sor.u32 s25, s8;
	v18 =	vld [tilespmem:s30+$0x0];
	[tilespmem:s29+$0xA480] =	vst v10  }
0xca: {  	v7 =	vadd.f32 $5.000000000e-01, v7;
	v10 =	vld [tilespmem:s7+$0x0];
	[tilespmem:s28+$0xA480] =	vst v3;
	v3 =	vadd.f32 v16, v14  }
0xcb: {  	v14 =	vld [tilespmem:s8+$0x0];
	v13 =	vadd.f32 v15, v13  }
0xcc: {  	v7 =	vmul.f32 $9.999999770e-03, v7;
	v9 =	vld.idx.msk [tilespmem:v9+s3+$0x0], $0xffff;
	[tilespmem:s9+$0xA480] =	vst v3  }
0xcd: {  	v16 =	vadd.s32 $0x61A8, v0;
	s28 =	sor.u32 $0x300, s1;
	v19 =	vld.idx.msk [tilespmem:v11+s3+$0x0], $0xffff;
	v11 =	vadd.f32 v12, v17;
	[tilespmem:s14+$0xA480] =	vst v13;
	s14 =	smov.u32 s0  }
0xce: {  	v3 =	vtrunc.f32 v7;
	v7 =	vcvt.s32.f32 v18;
	v17 =	vld [tilespmem:s28+$0xA480]  }
.Ltmp0:
0xcf: {  	v3 =	vcvt.f32.s32 v3;
	v12 =	vcvt.s32.f32 v10;
	v10 =	vld.idx.msk [tilespmem:v8+s3+$0x0], $0xffff;
	[tilespmem:s13+$0xA480] =	vst v11;
	s13 =	smov.u32 s2;
	(pc) =	sbr.rel @p1 .LBB2_2-.Ltmp0, $4  }
0xd0: {  	v8 =	vcvt.s32.f32 v14;
	v7 =	vadd.f32 $5.000000000e-01, v7;
	v14 =	vld [tilespmem:s26+$0xA480]  }
0xd1: {  	v15 =	vadd.s32 $0x88B8, v6;
	v13 =	vadd.f32 $5.000000000e-01, v12;
	v11 =	vld [tilespmem:s22+$0xA480]  }
0xd2: {  	v6 =	vadd.f32 $5.000000000e-01, v8;
	v8 =	vmul.f32 $9.999999770e-03, v7;
	v12 =	vld.idx.msk [tilespmem:v16+s3+$0x0], $0xffff  }
0xd3: {  	s10 =	sadd.s32 $0x40, s10;
	v16 =	vmul.f32 $9.999999770e-03, v13;
	v13 =	vld [tilespmem:s23+$0xA480];
	v17 =	vadd.f32 v17, v19  }
0xd4: {  	_ =	sdelay $0x3  }
0xd5: {  	v18 =	vld.idx.msk [tilespmem:v3+s3+$0x0], $0xffff;
	s2 =	sadd.s32 $0x200, s19;
	v14 =	vadd.f32 v14, v9;
	[tilespmem:s28+$0xA480] =	vst v17  }
0xd6: {  	v7 =	vtrunc.f32 v8;
	v58 =	vmul.f32 $9.999999770e-03, v6;
	s1 =	sor.u32 $0x380, s1;
	s0 =	sand.u32 $0x1C00, s2;
	v6 =	vld.idx.msk [tilespmem:v15+s3+$0x0], $0xffff  }
0xd7: {  	v8 =	vcvt.f32.s32 v7;
	v7 =	vld [tilespmem:s1+$0xA480];
	s0 =	sadd.s32 $0xA480, s0;
	[tilespmem:s26+$0xA480] =	vst v14  }
0xd8: {  	s9 =	sor.u32 s4, s0;
	v4 =	vld.idx.msk [tilespmem:v4+s3+$0x0], $0xffff  }
0xd9: {  	v62 =	vld [tilespmem:s9+$0x0]  }
0xda: {  	s10 =	sor.u32 s21, s0;
	v15 =	vld [tilespmem:s16+$0xA480]  }
0xdb: {  	v59 =	vtrunc.f32 v16;
	s20 =	sor.u32 s25, s0;
	v20 =	vld [tilespmem:s10+$0x0]  }
0xdc: {  	v9 =	vcvt.f32.s32 v59;
	s24 =	sor.u32 s24, s0;
	v28 =	vld [tilespmem:s20+$0x0]  }
0xdd: {  	v21 =	vld [tilespmem:s24+$0x0]  }
0xde: {  	v23 =	vld [tilespmem:s9+$0x80]  }
0xdf: {  	v60 =	vtrunc.f32 v58;
	v25 =	vld [tilespmem:s24+$0x80]  }
0xe0: {  	v11 =	vadd.f32 v11, v10;
	v10 =	vcvt.f32.s32 v60;
	v61 =	vld.idx.msk [tilespmem:v8+s3+$0x0], $0xffff  }
0xe1: {  	v30 =	vld [tilespmem:s10+$0x80]  }
0xe2: {  	v63 =	vld.idx.msk [tilespmem:v9+s3+$0x0], $0xffff  }
0xe3: {  	v27 =	vadd.s32 $0x1388, v8;
	v31 =	vld [tilespmem:s20+$0x80]  }
0xe4: {  	v34 =	vld [tilespmem:s24+$0x100]  }
0xe5: {  	[tilespmem:s22+$0xA480] =	vst v11;
	v29 =	vadd.s32 $0x1388, v9;
	v36 =	vld [tilespmem:s9+$0x100];
	v11 =	vadd.f32 v62, v61  }
0xe6: {  	v19 =	vld.idx.msk [tilespmem:v10+s3+$0x0], $0xffff  }
0xe7: {  	v24 =	vadd.s32 $0x1388, v3;
	v38 =	vld [tilespmem:s10+$0x100];
	v16 =	vadd.f32 v20, v63;
	[tilespmem:s9+$0x0] =	vst v11  }
0xe8: {  	v17 =	vld.idx.msk [tilespmem:v27+s3+$0x0], $0xffff  }
0xe9: {  	v39 =	vld [tilespmem:s20+$0x100];
	v22 =	vadd.s32 $0x1388, v10;
	v18 =	vadd.f32 v21, v18;
	[tilespmem:s10+$0x0] =	vst v16  }
0xea: {  	v11 =	vld.idx.msk [tilespmem:v29+s3+$0x0], $0xffff  }
0xeb: {  	v32 =	vadd.s32 $0x2710, v8;
	v43 =	vld [tilespmem:s24+$0x180];
	[tilespmem:s24+$0x0] =	vst v18;
	v14 =	vadd.f32 v28, v19  }
0xec: {  	v18 =	vld.idx.msk [tilespmem:v24+s3+$0x0], $0xffff  }
0xed: {  	v33 =	vadd.s32 $0x2710, v9;
	v47 =	vld [tilespmem:s10+$0x180];
	[tilespmem:s20+$0x0] =	vst v14;
	v17 =	vadd.f32 v23, v17  }
0xee: {  	v14 =	vld.idx.msk [tilespmem:v22+s3+$0x0], $0xffff  }
0xef: {  	v37 =	vadd.s32 $0x2710, v3;
	v50 =	vld [tilespmem:s9+$0x180];
	v11 =	vadd.f32 v30, v11;
	[tilespmem:s9+$0x80] =	vst v17  }
0xf0: {  	v16 =	vld.idx.msk [tilespmem:v32+s3+$0x0], $0xffff  }
0xf1: {  	v26 =	vld [tilespmem:s20+$0x180];
	v35 =	vadd.s32 $0x2710, v10;
	v40 =	vadd.f32 v25, v18;
	[tilespmem:s10+$0x80] =	vst v11  }
0xf2: {  	v49 =	vadd.s32 $0x7530, v0;
	v41 =	vld.idx.msk [tilespmem:v33+s3+$0x0], $0xffff  }
0xf3: {  	v42 =	vadd.s32 $0x3A98, v8;
	v5 =	vld.idx.msk [tilespmem:v5+s3+$0x0], $0xffff;
	[tilespmem:s24+$0x80] =	vst v40;
	v14 =	vadd.f32 v31, v14  }
0xf4: {  	v12 =	vadd.f32 v13, v12;
	v45 =	vld.idx.msk [tilespmem:v37+s3+$0x0], $0xffff  }
0xf5: {  	v44 =	vadd.s32 $0x3A98, v9;
	v56 =	vld [tilespmem:s15+$0xA480];
	[tilespmem:s20+$0x80] =	vst v14;
	v16 =	vadd.f32 v36, v16  }
0xf6: {  	[tilespmem:s23+$0xA480] =	vst v12;
	v17 =	vld.idx.msk [tilespmem:v35+s3+$0x0], $0xffff  }
0xf7: {  	v51 =	vadd.s32 $0x3A98, v3;
	v58 =	vld.idx.msk [tilespmem:v49+s3+$0x0], $0xffff;
	v48 =	vadd.f32 v38, v41;
	[tilespmem:s9+$0x100] =	vst v16  }
0xf8: {  	v4 =	vadd.f32 v15, v4;
	v14 =	vld.idx.msk [tilespmem:v42+s3+$0x0], $0xffff  }
0xf9: {  	v46 =	vadd.s32 $0x3A98, v10;
	v60 =	vld [tilespmem:s18+$0xA480];
	v53 =	vadd.f32 v34, v45;
	[tilespmem:s10+$0x100] =	vst v48  }
0xfa: {  	v5 =	vadd.f32 v56, v5;
	[tilespmem:s16+$0xA480] =	vst v4;
	v52 =	vld.idx.msk [tilespmem:v44+s3+$0x0], $0xffff  }
0xfb: {  	p0 =	por !p0, !p0;
	v54 =	vadd.s32 $0x4E20, v8;
	s0 =	simm.s32 $0x1;
	v1 =	vld.idx.msk [tilespmem:v1+s3+$0x0], $0xffff;
	[tilespmem:s24+$0x100] =	vst v53;
	v17 =	vadd.f32 v39, v17  }
0xfc: {  	s0 =	simm.s32 @!p0 $0x0;
	[tilespmem:s15+$0xA480] =	vst v5;
	v19 =	vld.idx.msk [tilespmem:v51+s3+$0x0], $0xffff  }
0xfd: {  	v57 =	vadd.s32 $0x4E20, v9;
	s0 =	sshll.u32 s0, $0x6;
	v2 =	vld.idx.msk [tilespmem:v2+s3+$0x0], $0xffff;
	[tilespmem:s20+$0x100] =	vst v17;
	v14 =	vadd.f32 v50, v14  }
0xfe: {  	s25 =	sadd.s32 s0, s2;
	v55 =	vld.idx.msk [tilespmem:v46+s3+$0x0], $0xffff  }
0xff: {  	s19 =	sadd.s32 $0x30, s25;
	v63 =	vadd.s32 $0x4E20, v3;
	v37 =	vld [tilespmem:s17+$0xA480];
	v13 =	vadd.f32 v47, v52;
	[tilespmem:s9+$0x180] =	vst v14  }
0x100: {  	s26 =	sor.u32 $0x200, s19;
	v14 =	vld.idx.msk [tilespmem:v54+s3+$0x0], $0xffff  }
0x101: {  	v59 =	vadd.s32 $0x4E20, v10;
	s28 =	sadd.s32 $0x10, s25;
	v23 =	vadd.f32 v43, v19;
	v62 =	vld [tilespmem:s26+$0xA480];
	[tilespmem:s10+$0x180] =	vst v13  }
0x102: {  	s7 =	sor.u32 $0x200, s28;
	v13 =	vld.idx.msk [tilespmem:v57+s3+$0x0], $0xffff  }
0x103: {  	[tilespmem:s24+$0x180] =	vst v23;
	v61 =	vadd.f32 v26, v55;
	v21 =	vld [tilespmem:s7+$0xA480]  }
0x104: {  	s29 =	sor.u32 $0x200, s25;
	v24 =	vadd.s32 $0x61A8, v8;
	v15 =	vld.idx.msk [tilespmem:v63+s3+$0x0], $0xffff  }
0x105: {  	v29 =	vld [tilespmem:s29+$0xA480];
	[tilespmem:s20+$0x180] =	vst v61;
	s20 =	sadd.s32 $0x20, s25  }
0x106: {  	v26 =	vadd.s32 $0x61A8, v9;
	v17 =	vld.idx.msk [tilespmem:v59+s3+$0x0], $0xffff;
	s8 =	sor.u32 $0x200, s20;
	v27 =	vadd.f32 v62, v14  }
0x107: {  	v25 =	vld [tilespmem:s8+$0xA480]  }
0x108: {  	v33 =	vadd.s32 $0x61A8, v3;
	v39 =	vld [tilespmem:s14+$0xA480];
	v30 =	vadd.f32 v21, v13;
	[tilespmem:s26+$0xA480] =	vst v27  }
0x109: {  	s30 =	sor.u32 $0x280, s19;
	v11 =	vld.idx.msk [tilespmem:v24+s3+$0x0], $0xffff  }
0x10a: {  	v28 =	vadd.s32 $0x61A8, v10;
	v15 =	vadd.f32 v29, v15;
	v32 =	vld [tilespmem:s30+$0xA480];
	[tilespmem:s7+$0xA480] =	vst v30  }
0x10b: {  	s9 =	sor.u32 $0x280, s28;
	v4 =	vld.idx.msk [tilespmem:v26+s3+$0x0], $0xffff  }
0x10c: {  	[tilespmem:s29+$0xA480] =	vst v15;
	v31 =	vadd.f32 v25, v17;
	v34 =	vld [tilespmem:s9+$0xA480]  }
0x10d: {  	s16 =	sor.u32 $0x280, s25;
	v35 =	vadd.s32 $0x7530, v8;
	v5 =	vld.idx.msk [tilespmem:v33+s3+$0x0], $0xffff  }
0x10e: {  	v16 =	vadd.f32 v60, v58;
	v41 =	vld [tilespmem:s16+$0xA480];
	[tilespmem:s8+$0xA480] =	vst v31  }
0x10f: {  	v38 =	vadd.s32 $0x7530, v9;
	s15 =	sor.u32 $0x280, s20;
	v12 =	vld.idx.msk [tilespmem:v28+s3+$0x0], $0xffff;
	v11 =	vadd.f32 v32, v11  }
0x110: {  	[tilespmem:s18+$0xA480] =	vst v16;
	v36 =	vld [tilespmem:s15+$0xA480]  }
0x111: {  	v51 =	vld [tilespmem:s13+$0xA480];
	v4 =	vadd.f32 v34, v4;
	[tilespmem:s30+$0xA480] =	vst v11  }
0x112: {  	s22 =	sor.u32 $0x300, s19;
	v45 =	vadd.s32 $0x7530, v3;
	v42 =	vld.idx.msk [tilespmem:v35+s3+$0x0], $0xffff  }
0x113: {  	v40 =	vadd.s32 $0x7530, v10;
	v5 =	vadd.f32 v41, v5;
	v44 =	vld [tilespmem:s22+$0xA480];
	[tilespmem:s9+$0xA480] =	vst v4  }
0x114: {  	s23 =	sor.u32 $0x300, s28;
	v4 =	vld.idx.msk [tilespmem:v38+s3+$0x0], $0xffff  }
0x115: {  	v43 =	vadd.s32 $0x88B8, v0;
	s25 =	sor.u32 $0x300, s25;
	[tilespmem:s16+$0xA480] =	vst v5;
	v12 =	vadd.f32 v36, v12;
	v46 =	vld [tilespmem:s23+$0xA480]  }
0x116: {  	v8 =	vadd.s32 $0x88B8, v8;
	v50 =	vld [tilespmem:s25+$0xA480]  }
0x117: {  	[tilespmem:s15+$0xA480] =	vst v12;
	v12 =	vld.idx.msk [tilespmem:v45+s3+$0x0], $0xffff  }
0x118: {  	v48 =	vadd.s32 $0x88B8, v9;
	s24 =	sor.u32 $0x300, s20;
	v13 =	vld.idx.msk [tilespmem:v40+s3+$0x0], $0xffff;
	v49 =	vadd.f32 v44, v42  }
0x119: {  	v47 =	vld [tilespmem:s24+$0xA480]  }
0x11a: {  	v0 =	vld.idx.msk [tilespmem:v43+s3+$0x0], $0xffff;
	v54 =	vadd.s32 $0x88B8, v3;
	v4 =	vadd.f32 v46, v4;
	[tilespmem:s22+$0xA480] =	vst v49  }
0x11b: {  	s26 =	sor.u32 $0x380, s19;
	v8 =	vld.idx.msk [tilespmem:v8+s3+$0x0], $0xffff  }
0x11c: {  	v10 =	vadd.s32 $0x88B8, v10;
	v56 =	vadd.f32 v50, v12;
	v53 =	vld [tilespmem:s26+$0xA480];
	[tilespmem:s23+$0xA480] =	vst v4  }
0x11d: {  	s28 =	sor.u32 $0x380, s28;
	v4 =	vld.idx.msk [tilespmem:v48+s3+$0x0], $0xffff  }
0x11e: {  	s2 =	sor.u32 s2, s11;
	v52 =	vadd.f32 v47, v13;
	v57 =	vld [tilespmem:s28+$0xA480];
	[tilespmem:s25+$0xA480] =	vst v56  }
0x11f: {  	s2 =	sor.u32 $0x380, s2;
	v3 =	vld.idx.msk [tilespmem:v54+s3+$0x0], $0xffff  }
0x120: {  	v6 =	vadd.f32 v7, v6;
	[tilespmem:s24+$0xA480] =	vst v52;
	v59 =	vld [tilespmem:s2+$0xA480]  }
0x121: {  	v1 =	vadd.f32 v37, v1;
	s29 =	sor.u32 $0x380, s20;
	v55 =	vld.idx.msk [tilespmem:v10+s3+$0x0], $0xffff  }
0x122: {  	[tilespmem:s1+$0xA480] =	vst v6;
	v2 =	vadd.f32 v39, v2;
	v58 =	vld [tilespmem:s29+$0xA480]  }
0x123: {  	[tilespmem:s17+$0xA480] =	vst v1;
	v0 =	vadd.f32 v51, v0  }
0x124: {  	[tilespmem:s14+$0xA480] =	vst v2;
	v60 =	vadd.f32 v53, v8  }
0x125: {  	[tilespmem:s13+$0xA480] =	vst v0;
	v61 =	vadd.f32 v57, v4  }
0x126: {  	[tilespmem:s26+$0xA480] =	vst v60;
	v63 =	vadd.f32 v59, v3  }
0x127: {  	v62 =	vadd.f32 v58, v55;
	[tilespmem:s28+$0xA480] =	vst v61  }
0x128: {  	[tilespmem:s2+$0xA480] =	vst v63  }
0x129: {  	[tilespmem:s29+$0xA480] =	vst v62  }
0x12a: {  	s13 =	simm.s32 $0x0;
	s30 =	simm.s32 $0x0;
	s0 =	rddreg [dreg:$0x10]  }
0x12b: {  	[hbm4b:s0+s30] =	stream.linear.scatter [tilespmem:s5], [sflag:$0x5], $0x2000, $0x38;
	[tilespmem:$0xE480] =	vst v63  }
.LBB2_4:
0x12c: {  	s17 =	sshll.u32 s13, $0x1  }
0x12d: {  	s2 =	simm.s32 $0x5;
	s0 =	sadd.s32 $0x2, s17  }
0x12e: {  	_ =	swait.ge [sflag:s2], $0x2000;
	s1 =	sshll.u32 s0, $0x12  }
0x12f: {  	s9 =	simm.s32 $0x0;
	[sflag:s2] =	ssyncset.done $0x0;
	s1 =	sor.u32 s31, s1  }
0x130: {  	s0 =	sshll.u32 s0, $0xC;
	[sflag:s2] =	ssyncadd.s32 $0xFFFFE000;
	s1 =	sshrl.u32 s1, $0x3  }
0x131: {  	s0 =	sor.u32 s6, s0;
	s19 =	rddreg [dreg:$0x0];
	s4 =	sor.u32 s6, s1  }
0x132: {  	s20 =	simm.s32 $0x9C80;
	s0 =	sshrl.u32 s0, $0x3;
	s1 =	sadd.s32 s19, s4  }
0x133: {  	[tilespmem:s5], [sflag:$0x1] =	stream.linear.gather [hbm4b:s1+s9], $0x2000, $0x38;
	[tilespmem:$0xE480] =	vst v63  }
0x134: {  	s21 =	simm.s32 $0x4;
	s0 =	sadd.s32 s12, s0;
	[dreg:$0x16] =	wrdreg s4  }
0x135: {  	[tilespmem:s20], [sflag:$0x3] =	stream.linear.gather [hbm4b:s0+s9], $0x400, $0x38;
	[tilespmem:$0xE480] =	vst v63  }
0x136: {  	_ =	swait.ge [sflag:s21], $0x400  }
0x137: {  	[sflag:s21] =	ssyncset.done $0x0  }
0x138: {  	s22 =	simm.s32 $0x2;
	[sflag:s21] =	ssyncadd.s32 $0xFFFFFC00  }
0x139: {  	_ =	swait.ge [sflag:s22], $0x2000  }
0x13a: {  	[sflag:s22] =	ssyncset.done $0x0  }
0x13b: {  	s23 =	sand.u32 $0x3C0, s9;
	[sflag:s22] =	ssyncadd.s32 $0xFFFFE000  }
0x13c: {  	v0 =	vld [tilespmem:s23+$0xA080];
	_ =	sdelay $0x4  }
0x13d: {  	v0 =	vcvt.s32.f32 v0;
	_ =	sdelay $0x1  }
0x13e: {  	v0 =	vadd.f32 $5.000000000e-01, v0;
	_ =	sdelay $0x1  }
0x13f: {  	v0 =	vmul.f32 $9.999999770e-03, v0;
	_ =	sdelay $0x1  }
0x140: {  	v0 =	vtrunc.f32 v0  }
0x141: {  	v3 =	vcvt.f32.s32 v0;
	_ =	sdelay $0x2  }
0x142: {  	s24 =	sand.u32 $0x40, s9;
	s25 =	sand.u32 $0x1C00, s9  }
0x143: {  	s26 =	sor.u32 s24, s25  }
0x144: {  	v0 =	vld [tilespmem:s26+$0xC480]  }
0x145: {  	v1 =	vld.idx.msk [tilespmem:v3+s3+$0x0], $0xffff;
	_ =	sdelay $0x2  }
0x146: {  	v2 =	vadd.s32 $0x1388, v3;
	_ =	sdelay $0x1  }
0x147: {  	v0 =	vadd.f32 v0, v1;
	_ =	sdelay $0x1  }
0x148: {  	v1 =	vld [tilespmem:s26+$0xC500];
	[tilespmem:s26+$0xC480] =	vst v0  }
0x149: {  	v0 =	vld.idx.msk [tilespmem:v2+s3+$0x0], $0xffff;
	_ =	sdelay $0x2  }
0x14a: {  	v2 =	vadd.s32 $0x2710, v3  }
0x14b: {  	s28 =	simm.s32 $0xA0B0  }
0x14c: {  	v0 =	vadd.f32 v1, v0;
	v1 =	vld [tilespmem:s28+$0x0]  }
0x14d: {  	v4 =	vld [tilespmem:s26+$0xC580]  }
0x14e: {  	v5 =	vld [tilespmem:s28+$0xFFFFFFE0];
	[tilespmem:s26+$0xC500] =	vst v0  }
0x14f: {  	v0 =	vld.idx.msk [tilespmem:v2+s3+$0x0], $0xffff  }
0x150: {  	v2 =	vld [tilespmem:s28+$0xFFFFFFF0]  }
0x151: {  	v1 =	vcvt.s32.f32 v1  }
0x152: {  	v6 =	vadd.s32 $0x3A98, v3  }
0x153: {  	v1 =	vadd.f32 $5.000000000e-01, v1  }
0x154: {  	v0 =	vadd.f32 v4, v0;
	v4 =	vcvt.s32.f32 v5  }
0x155: {  	v2 =	vcvt.s32.f32 v2;
	v1 =	vmul.f32 $9.999999770e-03, v1  }
0x156: {  	v5 =	vld [tilespmem:s26+$0xC600];
	[tilespmem:s26+$0xC580] =	vst v0;
	v0 =	vadd.f32 $5.000000000e-01, v4  }
0x157: {  	v4 =	vld.idx.msk [tilespmem:v6+s3+$0x0], $0xffff;
	v6 =	vadd.f32 $5.000000000e-01, v2;
	v1 =	vtrunc.f32 v1  }
0x158: {  	v0 =	vmul.f32 $9.999999770e-03, v0;
	v2 =	vcvt.f32.s32 v1  }
0x159: {  	v1 =	vmul.f32 $9.999999770e-03, v6  }
0x15a: {  	s1 =	simm.s32 $0x40;
	v0 =	vtrunc.f32 v0  }
0x15b: {  	s7 =	sand.u32 $0x3C0, s1;
	v8 =	vld [tilespmem:s26+$0xC490];
	v7 =	vtrunc.f32 v1;
	v1 =	vcvt.f32.s32 v0  }
0x15c: {  	v12 =	vld [tilespmem:s7+$0xA080];
	v5 =	vadd.f32 v5, v4  }
0x15d: {  	v6 =	vadd.s32 $0x4E20, v3;
	v4 =	vcvt.f32.s32 v7;
	v7 =	vld [tilespmem:s26+$0xC4B0]  }
0x15e: {  	[tilespmem:s26+$0xC600] =	vst v5;
	v5 =	vld.idx.msk [tilespmem:v2+s3+$0x0], $0xffff  }
0x15f: {  	p0 =	por $0x0, $0x0;
	s0 =	simm.s32 $0x1;
	v14 =	vld [tilespmem:s26+$0xC620]  }
0x160: {  	s0 =	simm.s32 @!p0 $0x0;
	v0 =	vld [tilespmem:s26+$0xC4A0]  }
0x161: {  	s0 =	sshll.u32 s0, $0x6;
	v9 =	vadd.s32 $0x1388, v2;
	v10 =	vld.idx.msk [tilespmem:v1+s3+$0x0], $0xffff  }
0x162: {  	s29 =	sadd.s32 $0x0, s0;
	v6 =	vld.idx.msk [tilespmem:v6+s3+$0x0], $0xffff  }
0x163: {  	s0 =	sor.u32 $0x200, s29;
	v11 =	vld.idx.msk [tilespmem:v4+s3+$0x0], $0xffff;
	v5 =	vadd.f32 v7, v5  }
0x164: {  	v13 =	vadd.s32 $0x1388, v1;
	v7 =	vld [tilespmem:s0+$0xC480]  }
0x165: {  	v16 =	vld [tilespmem:s26+$0xC630];
	[tilespmem:s26+$0xC4B0] =	vst v5  }
0x166: {  	v5 =	vld.idx.msk [tilespmem:v9+s3+$0x0], $0xffff;
	v8 =	vadd.f32 v8, v10;
	v9 =	vadd.s32 $0x1388, v4  }
0x167: {  	v15 =	vadd.s32 $0x61A8, v3;
	v10 =	vld [tilespmem:s26+$0xC530]  }
0x168: {  	v0 =	vadd.f32 v0, v11;
	[tilespmem:s26+$0xC490] =	vst v8;
	v8 =	vld [tilespmem:s26+$0xC520]  }
0x169: {  	v12 =	vcvt.s32.f32 v12;
	v6 =	vadd.f32 v7, v6;
	v7 =	vld.idx.msk [tilespmem:v13+s3+$0x0], $0xffff  }
0x16a: {  	v11 =	vadd.s32 $0x2710, v2;
	v13 =	vld [tilespmem:s26+$0xC510];
	[tilespmem:s26+$0xC4A0] =	vst v0  }
0x16b: {  	s19 =	simm.s32 $0x200;
	v12 =	vadd.f32 $5.000000000e-01, v12;
	[tilespmem:s0+$0xC480] =	vst v6;
	v6 =	vld.idx.msk [tilespmem:v9+s3+$0x0], $0xffff  }
0x16c: {  	s8 =	sand.u32 $0x1C00, s19;
	s5 =	sand.u32 $0x40, s1;
	s30 =	sor.u32 $0x280, s29;
	v0 =	vadd.f32 v10, v5;
	v9 =	vld.idx.msk [tilespmem:v15+s3+$0x0], $0xffff  }
0x16d: {  	s18 =	sor.u32 s5, s8;
	v5 =	vmul.f32 $9.999999770e-03, v12;
	v10 =	vld [tilespmem:s30+$0xC480]  }
0x16e: {  	v17 =	vld [tilespmem:s18+$0xC480];
	v12 =	vadd.s32 $0x2710, v1;
	[tilespmem:s26+$0xC530] =	vst v0  }
0x16f: {  	v0 =	vtrunc.f32 v5;
	v5 =	vld.idx.msk [tilespmem:v11+s3+$0x0], $0xffff  }
0x170: {  	v7 =	vadd.f32 v13, v7;
	v11 =	vadd.s32 $0x2710, v4;
	v13 =	vld [tilespmem:s26+$0xC5B0]  }
0x171: {  	v57 =	vld [tilespmem:s18+$0xC600];
	v0 =	vcvt.f32.s32 v0  }
0x172: {  	[tilespmem:s26+$0xC510] =	vst v7;
	v6 =	vadd.f32 v8, v6;
	v9 =	vadd.f32 v10, v9;
	v10 =	vld [tilespmem:s26+$0xC590]  }
0x173: {  	v8 =	vadd.s32 $0x3A98, v2;
	v7 =	vld.idx.msk [tilespmem:v12+s3+$0x0], $0xffff  }
0x174: {  	v18 =	vadd.s32 $0x7530, v3;
	v15 =	vld [tilespmem:s26+$0xC5A0];
	[tilespmem:s26+$0xC520] =	vst v6  }
0x175: {  	v6 =	vld.idx.msk [tilespmem:v11+s3+$0x0], $0xffff;
	v5 =	vadd.f32 v13, v5  }
0x176: {  	v58 =	vld [tilespmem:s18+$0xC580];
	[tilespmem:s30+$0xC480] =	vst v9  }
0x177: {  	v12 =	vadd.s32 $0x3A98, v1;
	v9 =	vld.idx.msk [tilespmem:v0+s3+$0x0], $0xffff;
	[tilespmem:s26+$0xC5B0] =	vst v5  }
0x178: {  	v5 =	vld.idx.msk [tilespmem:v8+s3+$0x0], $0xffff;
	v7 =	vadd.f32 v10, v7;
	v10 =	vadd.s32 $0x3A98, v4  }
0x179: {  	s7 =	sor.u32 $0x300, s29;
	v11 =	vld.idx.msk [tilespmem:v18+s3+$0x0], $0xffff  }
0x17a: {  	v13 =	vadd.s32 $0x1388, v0;
	v8 =	vld [tilespmem:s7+$0xC480];
	v6 =	vadd.f32 v15, v6  }
0x17b: {  	[tilespmem:s26+$0xC590] =	vst v7;
	v7 =	vld [tilespmem:s26+$0xC610];
	v15 =	vadd.s32 $0x4E20, v2  }
0x17c: {  	v9 =	vadd.f32 v17, v9;
	v12 =	vld.idx.msk [tilespmem:v12+s3+$0x0], $0xffff;
	[tilespmem:s26+$0xC5A0] =	vst v6  }
0x17d: {  	v6 =	vld.idx.msk [tilespmem:v10+s3+$0x0], $0xffff;
	v5 =	vadd.f32 v16, v5  }
0x17e: {  	v3 =	vadd.s32 $0x88B8, v3;
	[tilespmem:s18+$0xC480] =	vst v9;
	v10 =	vld [tilespmem:s18+$0xC500]  }
0x17f: {  	s10 =	sadd.s32 $0x30, s29;
	v8 =	vadd.f32 v8, v11;
	v11 =	vadd.s32 $0x4E20, v1;
	v9 =	vld.idx.msk [tilespmem:v13+s3+$0x0], $0xffff;
	[tilespmem:s26+$0xC630] =	vst v5  }
0x180: {  	s8 =	sor.u32 $0x200, s10;
	v5 =	vld.idx.msk [tilespmem:v15+s3+$0x0], $0xffff  }
0x181: {  	s16 =	simm.s32 $0xA0F0;
	[tilespmem:s7+$0xC480] =	vst v8;
	v8 =	vadd.s32 $0x4E20, v4;
	v7 =	vadd.f32 v7, v12;
	v12 =	vld [tilespmem:s8+$0xC480]  }
0x182: {  	v59 =	vld [tilespmem:s16+$0x0]  }
0x183: {  	s20 =	sadd.s32 $0x10, s29;
	v13 =	vld.idx.msk [tilespmem:v3+s3+$0x0], $0xffff;
	v3 =	vadd.s32 $0x2710, v0;
	[tilespmem:s26+$0xC610] =	vst v7;
	v6 =	vadd.f32 v14, v6  }
0x184: {  	s11 =	sor.u32 $0x200, s20;
	v7 =	vld.idx.msk [tilespmem:v11+s3+$0x0], $0xffff;
	v11 =	vadd.s32 $0x61A8, v2  }
0x185: {  	s15 =	sadd.s32 $0x20, s29;
	v9 =	vadd.f32 v10, v9;
	v10 =	vld [tilespmem:s11+$0xC480];
	[tilespmem:s26+$0xC620] =	vst v6  }
0x186: {  	s14 =	sor.u32 $0x200, s15;
	v6 =	vld.idx.msk [tilespmem:v8+s3+$0x0], $0xffff;
	v5 =	vadd.f32 v12, v5  }
0x187: {  	[tilespmem:s18+$0xC500] =	vst v9;
	v8 =	vld [tilespmem:s14+$0xC480]  }
0x188: {  	v9 =	vadd.s32 $0x61A8, v1;
	v3 =	vld.idx.msk [tilespmem:v3+s3+$0x0], $0xffff;
	[tilespmem:s8+$0xC480] =	vst v5  }
0x189: {  	s21 =	sor.u32 $0x280, s10;
	v5 =	vld.idx.msk [tilespmem:v11+s3+$0x0], $0xffff  }
0x18a: {  	v7 =	vadd.f32 v10, v7;
	v10 =	vadd.s32 $0x61A8, v4;
	v11 =	vld [tilespmem:s21+$0xC480]  }
0x18b: {  	v15 =	vld [tilespmem:s16+$0xFFFFFFE0]  }
0x18c: {  	v14 =	vadd.s32 $0x3A98, v0;
	v12 =	vld [tilespmem:s16+$0xFFFFFFF0];
	[tilespmem:s11+$0xC480] =	vst v7;
	v6 =	vadd.f32 v8, v6  }
0x18d: {  	s22 =	sor.u32 $0x280, s20;
	v8 =	vadd.s32 $0x7530, v2;
	v7 =	vld.idx.msk [tilespmem:v9+s3+$0x0], $0xffff  }
0x18e: {  	v3 =	vadd.f32 v58, v3;
	v9 =	vld [tilespmem:s22+$0xC480];
	[tilespmem:s14+$0xC480] =	vst v6  }
0x18f: {  	s23 =	sor.u32 $0x280, s15;
	v6 =	vld.idx.msk [tilespmem:v10+s3+$0x0], $0xffff;
	v5 =	vadd.f32 v11, v5  }
0x190: {  	[tilespmem:s18+$0xC580] =	vst v3;
	v3 =	vld [tilespmem:s23+$0xC480]  }
0x191: {  	v11 =	vadd.s32 $0x7530, v1;
	v10 =	vld.idx.msk [tilespmem:v14+s3+$0x0], $0xffff;
	[tilespmem:s21+$0xC480] =	vst v5  }
0x192: {  	s24 =	sor.u32 s9, s9;
	s25 =	sor.u32 $0x300, s10;
	v5 =	vld.idx.msk [tilespmem:v8+s3+$0x0], $0xffff  }
0x193: {  	s26 =	sor.u32 $0x380, s24;
	v8 =	vcvt.s32.f32 v59;
	v7 =	vadd.f32 v9, v7;
	v9 =	vadd.s32 $0x7530, v4;
	v14 =	vld [tilespmem:s25+$0xC480]  }
0x194: {  	v60 =	vld [tilespmem:s26+$0xC480];
	v12 =	vcvt.s32.f32 v12  }
0x195: {  	v15 =	vcvt.s32.f32 v15;
	v61 =	vadd.f32 $5.000000000e-01, v8;
	v8 =	vld [tilespmem:s18+$0xC4A0];
	[tilespmem:s22+$0xC480] =	vst v7;
	v3 =	vadd.f32 v3, v6  }
0x196: {  	s28 =	sor.u32 $0x300, s20;
	v2 =	vadd.s32 $0x88B8, v2;
	v6 =	vadd.f32 $5.000000000e-01, v12;
	v11 =	vld.idx.msk [tilespmem:v11+s3+$0x0], $0xffff  }
0x197: {  	v7 =	vadd.f32 $5.000000000e-01, v15;
	v10 =	vadd.f32 v57, v10;
	v15 =	vld [tilespmem:s28+$0xC480];
	v12 =	vmul.f32 $9.999999770e-03, v61;
	[tilespmem:s23+$0xC480] =	vst v3  }
0x198: {  	s29 =	sor.u32 $0x300, s15;
	v19 =	vadd.s32 $0x4E20, v0;
	v6 =	vmul.f32 $9.999999770e-03, v6;
	v62 =	vld.idx.msk [tilespmem:v9+s3+$0x0], $0xffff;
	v3 =	vadd.f32 v14, v5  }
0x199: {  	v5 =	vmul.f32 $9.999999770e-03, v7;
	[tilespmem:s18+$0xC600] =	vst v10;
	v10 =	vld [tilespmem:s29+$0xC480];
	v7 =	vtrunc.f32 v12  }
0x19a: {  	v9 =	vld [tilespmem:s18+$0xC490];
	[tilespmem:s25+$0xC480] =	vst v3;
	v3 =	vcvt.f32.s32 v7  }
0x19b: {  	s30 =	sor.u32 $0x380, s10;
	v6 =	vtrunc.f32 v6;
	v5 =	vtrunc.f32 v5;
	v12 =	vld.idx.msk [tilespmem:v2+s3+$0x0], $0xffff  }
0x19c: {  	v2 =	vcvt.f32.s32 v5;
	v5 =	vadd.f32 v15, v11;
	v15 =	vadd.s32 $0x88B8, v1;
	v63 =	vld [tilespmem:s30+$0xC480]  }
0x19d: {  	v7 =	vld.idx.msk [tilespmem:v19+s3+$0x0], $0xffff;
	v1 =	vcvt.f32.s32 v6  }
0x19e: {  	s4 =	sor.u32 $0x380, s20;
	v11 =	vld [tilespmem:s18+$0xC4B0];
	[tilespmem:s28+$0xC480] =	vst v5  }
0x19f: {  	v4 =	vadd.s32 $0x88B8, v4;
	v6 =	vadd.f32 v60, v13;
	v5 =	vld [tilespmem:s4+$0xC480]  }
0x1a0: {  	v10 =	vadd.f32 v10, v62;
	v14 =	vld.idx.msk [tilespmem:v3+s3+$0x0], $0xffff  }
0x1a1: {  	p0 =	por !p0, !p0;
	[tilespmem:s26+$0xC480] =	vst v6;
	v6 =	vld.idx.msk [tilespmem:v15+s3+$0x0], $0xffff;
	v15 =	vadd.f32 v63, v12  }
0x1a2: {  	s15 =	sor.u32 $0x380, s15;
	s20 =	simm.s32 $0x80;
	s0 =	simm.s32 $0x1;
	[tilespmem:s29+$0xC480] =	vst v10;
	v13 =	vld.idx.msk [tilespmem:v2+s3+$0x0], $0xffff  }
0x1a3: {  	s0 =	simm.s32 @!p0 $0x0;
	s10 =	simm.s32 $0x4;
	s23 =	sor.u32 s19, s1;
	v10 =	vadd.s32 $0x1388, v3;
	v12 =	vld.idx.msk [tilespmem:v1+s3+$0x0], $0xffff;
	[tilespmem:s30+$0xC480] =	vst v15  }
.LBB2_5:
0x1a4: {  	s1 =	sand.u32 $0x3C0, s20;
	s10 =	sadd.s32 $0x4, s10;
	s0 =	sshll.u32 s0, $0x6;
	v4 =	vld.idx.msk [tilespmem:v4+s3+$0x0], $0xffff  }
0x1a5: {  	p1 =	slt.u32 s10, $0x3C;
	s21 =	sadd.s32 s0, s19;
	v15 =	vld [tilespmem:s15+$0xC480]  }
0x1a6: {  	v11 =	vadd.f32 v11, v14;
	v16 =	vld [tilespmem:s1+$0xA080];
	s0 =	sor.u32 $0x200, s21;
	s2 =	sadd.s32 $0x20, s21;
	s1 =	sadd.s32 $0x30, s21  }
0x1a7: {  	v5 =	vadd.f32 v5, v6;
	v14 =	vld [tilespmem:s0+$0xC480];
	s7 =	sor.u32 $0x380, s2  }
0x1a8: {  	v6 =	vadd.s32 $0x1388, v2;
	v17 =	vld [tilespmem:s18+$0xC620];
	[tilespmem:s18+$0xC4B0] =	vst v11  }
0x1a9: {  	v10 =	vld.idx.msk [tilespmem:v10+s3+$0x0], $0xffff;
	[tilespmem:s4+$0xC480] =	vst v5  }
0x1aa: {  	v5 =	vadd.f32 v9, v13;
	v9 =	vadd.s32 $0x1388, v1;
	v11 =	vld [tilespmem:s18+$0xC530];
	v4 =	vadd.f32 v15, v4  }
0x1ab: {  	v15 =	vadd.s32 $0x61A8, v0;
	v13 =	vcvt.s32.f32 v16;
	v16 =	vld [tilespmem:s18+$0xC630]  }
0x1ac: {  	v7 =	vadd.f32 v14, v7;
	[tilespmem:s18+$0xC490] =	vst v5;
	v5 =	vadd.f32 v8, v12;
	v8 =	vld [tilespmem:s18+$0xC520]  }
0x1ad: {  	v12 =	vadd.f32 $5.000000000e-01, v13;
	v6 =	vld.idx.msk [tilespmem:v6+s3+$0x0], $0xffff;
	v13 =	vadd.s32 $0x2710, v3;
	[tilespmem:s15+$0xC480] =	vst v4;
	s15 =	smov.u32 s7  }
0x1ae: {  	v4 =	vld [tilespmem:s18+$0xC510];
	[tilespmem:s18+$0xC4A0] =	vst v5  }
0x1af: {  	v5 =	vmul.f32 $9.999999770e-03, v12;
	[tilespmem:s0+$0xC480] =	vst v7;
	v7 =	vld.idx.msk [tilespmem:v9+s3+$0x0], $0xffff;
	v9 =	vadd.f32 v11, v10  }
0x1b0: {  	s0 =	sor.u32 $0x280, s21;
	v10 =	vld.idx.msk [tilespmem:v15+s3+$0x0], $0xffff  }
0x1b1: {  	v12 =	vadd.s32 $0x2710, v2;
	v5 =	vtrunc.f32 v5;
	v11 =	vld [tilespmem:s0+$0xC480];
	[tilespmem:s18+$0xC530] =	vst v9  }
0x1b2: {  	s19 =	sadd.s32 $0x200, s19;
	v5 =	vcvt.f32.s32 v5;
	v9 =	vld.idx.msk [tilespmem:v13+s3+$0x0], $0xffff  }
0x1b3: {  	s8 =	sand.u32 $0x1C00, s19;
	s4 =	sor.u32 s19, s20;
	s7 =	sand.u32 $0x40, s20;
	v4 =	vadd.f32 v4, v6;
	v6 =	vadd.s32 $0x2710, v1;
	v13 =	vld [tilespmem:s18+$0xC5B0]  }
0x1b4: {  	s22 =	sor.u32 s7, s8;
	v14 =	vld [tilespmem:s18+$0xC5A0]  }
0x1b5: {  	v18 =	vadd.s32 $0x7530, v0;
	v15 =	vld [tilespmem:s22+$0xC480];
	[tilespmem:s18+$0xC510] =	vst v4;
	v4 =	vadd.f32 v8, v7  }
0x1b6: {  	v7 =	vadd.f32 v11, v10;
	v8 =	vld.idx.msk [tilespmem:v12+s3+$0x0], $0xffff;
	v10 =	vadd.s32 $0x3A98, v3  }
0x1b7: {  	v11 =	vld [tilespmem:s18+$0xC590];
	[tilespmem:s18+$0xC520] =	vst v4  }
0x1b8: {  	[tilespmem:s0+$0xC480] =	vst v7;
	v4 =	vld.idx.msk [tilespmem:v6+s3+$0x0], $0xffff;
	v6 =	vadd.f32 v13, v9  }
0x1b9: {  	v7 =	vld.idx.msk [tilespmem:v5+s3+$0x0], $0xffff  }
0x1ba: {  	v12 =	vadd.s32 $0x3A98, v2;
	v9 =	vld.idx.msk [tilespmem:v18+s3+$0x0], $0xffff;
	[tilespmem:s18+$0xC5B0] =	vst v6  }
0x1bb: {  	s0 =	sor.u32 $0x300, s21;
	v6 =	vld.idx.msk [tilespmem:v10+s3+$0x0], $0xffff  }
0x1bc: {  	v10 =	vld [tilespmem:s0+$0xC480];
	v8 =	vadd.f32 v11, v8;
	v11 =	vadd.s32 $0x3A98, v1  }
0x1bd: {  	v13 =	vadd.s32 $0x1388, v5;
	v18 =	vld [tilespmem:s22+$0xC600]  }
0x1be: {  	v4 =	vadd.f32 v14, v4;
	[tilespmem:s18+$0xC590] =	vst v8;
	v8 =	vld [tilespmem:s18+$0xC610]  }
0x1bf: {  	v14 =	vadd.s32 $0x4E20, v3;
	v7 =	vadd.f32 v15, v7;
	v12 =	vld.idx.msk [tilespmem:v12+s3+$0x0], $0xffff  }
0x1c0: {  	v15 =	vld [tilespmem:s22+$0xC580];
	[tilespmem:s18+$0xC5A0] =	vst v4  }
0x1c1: {  	v6 =	vadd.f32 v16, v6;
	[tilespmem:s22+$0xC480] =	vst v7;
	v4 =	vadd.f32 v10, v9;
	v7 =	vadd.s32 $0x88B8, v0;
	v9 =	vld.idx.msk [tilespmem:v11+s3+$0x0], $0xffff  }
0x1c2: {  	v0 =	vmov v5;
	v10 =	vld.idx.msk [tilespmem:v13+s3+$0x0], $0xffff  }
0x1c3: {  	v11 =	vadd.s32 $0x4E20, v2;
	v5 =	vld [tilespmem:s22+$0xC500];
	[tilespmem:s18+$0xC630] =	vst v6  }
0x1c4: {  	[tilespmem:s0+$0xC480] =	vst v4;
	v4 =	vld.idx.msk [tilespmem:v14+s3+$0x0], $0xffff;
	s0 =	sor.u32 $0x200, s1  }
0x1c5: {  	v6 =	vadd.f32 v8, v12;
	v8 =	vadd.s32 $0x4E20, v1;
	v12 =	vld [tilespmem:s0+$0xC480]  }
0x1c6: {  	s16 =	sadd.s32 $0x40, s16;
	v7 =	vld.idx.msk [tilespmem:v7+s3+$0x0], $0xffff  }
0x1c7: {  	s21 =	sadd.s32 $0x10, s21;
	v13 =	vadd.s32 $0x2710, v0;
	v14 =	vld [tilespmem:s16+$0xFFFFFFE0];
	[tilespmem:s18+$0xC610] =	vst v6;
	v6 =	vadd.f32 v17, v9  }
0x1c8: {  	s7 =	sor.u32 $0x200, s21;
	v5 =	vadd.f32 v5, v10;
	v9 =	vld.idx.msk [tilespmem:v11+s3+$0x0], $0xffff;
	v10 =	vadd.s32 $0x61A8, v3  }
0x1c9: {  	v11 =	vld [tilespmem:s7+$0xC480];
	[tilespmem:s18+$0xC620] =	vst v6;
	s18 =	smov.u32 s22  }
0x1ca: {  	s8 =	sor.u32 $0x200, s2;
	[tilespmem:s18+$0xC500] =	vst v5;
	v5 =	vld.idx.msk [tilespmem:v8+s3+$0x0], $0xffff;
	v4 =	vadd.f32 v12, v4  }
0x1cb: {  	v6 =	vld [tilespmem:s8+$0xC480]  }
0x1cc: {  	v12 =	vadd.s32 $0x61A8, v2;
	v8 =	vld.idx.msk [tilespmem:v13+s3+$0x0], $0xffff;
	[tilespmem:s0+$0xC480] =	vst v4  }
0x1cd: {  	s0 =	sor.u32 $0x280, s1;
	v4 =	vld.idx.msk [tilespmem:v10+s3+$0x0], $0xffff  }
0x1ce: {  	v10 =	vadd.s32 $0x61A8, v1;
	v9 =	vadd.f32 v11, v9;
	v11 =	vld [tilespmem:s0+$0xC480]  }
0x1cf: {  	v13 =	vld [tilespmem:s16+$0xFFFFFFF0]  }
0x1d0: {  	v16 =	vadd.s32 $0x3A98, v0;
	v17 =	vld [tilespmem:s16+$0x0];
	[tilespmem:s7+$0xC480] =	vst v9;
	v5 =	vadd.f32 v6, v5  }
0x1d1: {  	s7 =	sor.u32 $0x280, s21;
	v9 =	vadd.s32 $0x7530, v3;
	v6 =	vld.idx.msk [tilespmem:v12+s3+$0x0], $0xffff  }
0x1d2: {  	v8 =	vadd.f32 v15, v8;
	v12 =	vld [tilespmem:s7+$0xC480];
	[tilespmem:s8+$0xC480] =	vst v5  }
0x1d3: {  	s8 =	sor.u32 $0x280, s2;
	v5 =	vld.idx.msk [tilespmem:v10+s3+$0x0], $0xffff;
	v4 =	vadd.f32 v11, v4  }
0x1d4: {  	[tilespmem:s18+$0xC580] =	vst v8;
	v10 =	vld [tilespmem:s8+$0xC480]  }
0x1d5: {  	v15 =	vadd.s32 $0x7530, v2;
	v11 =	vld.idx.msk [tilespmem:v16+s3+$0x0], $0xffff;
	[tilespmem:s0+$0xC480] =	vst v4  }
0x1d6: {  	v4 =	vcvt.s32.f32 v17;
	s0 =	sor.u32 $0x300, s1;
	v9 =	vld.idx.msk [tilespmem:v9+s3+$0x0], $0xffff  }
0x1d7: {  	s9 =	sor.u32 $0x380, s23;
	s23 =	smov.u32 s4;
	v8 =	vcvt.s32.f32 v13;
	v6 =	vadd.f32 v12, v6;
	v12 =	vadd.s32 $0x7530, v1;
	v13 =	vld [tilespmem:s0+$0xC480]  }
0x1d8: {  	p0 =	por !p0, !p0;
	v14 =	vcvt.s32.f32 v14;
	v4 =	vadd.f32 $5.000000000e-01, v4;
	v16 =	vld [tilespmem:s9+$0xC480]  }
0x1d9: {  	v17 =	vadd.s32 $0x4E20, v0;
	v19 =	vadd.f32 $5.000000000e-01, v8;
	v8 =	vld [tilespmem:s18+$0xC4A0];
	[tilespmem:s7+$0xC480] =	vst v6;
	v5 =	vadd.f32 v10, v5  }
0x1da: {  	s4 =	sor.u32 $0x300, s21;
	v6 =	vadd.f32 $5.000000000e-01, v14;
	v4 =	vmul.f32 $9.999999770e-03, v4;
	v14 =	vld.idx.msk [tilespmem:v15+s3+$0x0], $0xffff;
	v15 =	vadd.s32 $0x88B8, v3  }
0x1db: {  	v10 =	vmul.f32 $9.999999770e-03, v19;
	v3 =	vadd.f32 v18, v11;
	v11 =	vld [tilespmem:s4+$0xC480];
	[tilespmem:s8+$0xC480] =	vst v5  }
0x1dc: {  	s2 =	sor.u32 $0x300, s2;
	v5 =	vmul.f32 $9.999999770e-03, v6;
	v4 =	vtrunc.f32 v4;
	v6 =	vld.idx.msk [tilespmem:v12+s3+$0x0], $0xffff;
	v9 =	vadd.f32 v13, v9  }
0x1dd: {  	v10 =	vtrunc.f32 v10;
	[tilespmem:s18+$0xC600] =	vst v3;
	v3 =	vcvt.f32.s32 v4;
	v4 =	vadd.f32 v16, v7;
	v12 =	vld [tilespmem:s2+$0xC480]  }
0x1de: {  	v5 =	vtrunc.f32 v5;
	v16 =	vcvt.f32.s32 v10;
	v7 =	vld.idx.msk [tilespmem:v17+s3+$0x0], $0xffff;
	[tilespmem:s0+$0xC480] =	vst v9  }
0x1df: {  	s1 =	sor.u32 $0x380, s1;
	v5 =	vcvt.f32.s32 v5;
	v10 =	vadd.s32 $0x1388, v3;
	[tilespmem:s9+$0xC480] =	vst v4;
	v13 =	vld.idx.msk [tilespmem:v15+s3+$0x0], $0xffff  }
0x1e0: {  	v15 =	vadd.s32 $0x88B8, v2;
	v4 =	vadd.f32 v11, v14;
	v17 =	vld [tilespmem:s1+$0xC480]  }
0x1e1: {  	v2 =	vmov v5;
	v9 =	vld [tilespmem:s18+$0xC490]  }
0x1e2: {  	v11 =	vld [tilespmem:s18+$0xC4B0];
	[tilespmem:s4+$0xC480] =	vst v4;
	s4 =	sor.u32 $0x380, s21;
	v6 =	vadd.f32 v12, v6  }
.Ltmp1:
0x1e3: {  	v4 =	vadd.s32 $0x88B8, v1;
	v1 =	vmov v16;
	v5 =	vld [tilespmem:s4+$0xC480];
	(pc) =	sbr.rel @p1 .LBB2_5-.Ltmp1, $4  }
0x1e4: {  	v14 =	vld.idx.msk [tilespmem:v3+s3+$0x0], $0xffff;
	[tilespmem:s2+$0xC480] =	vst v6  }
0x1e5: {  	v6 =	vld.idx.msk [tilespmem:v15+s3+$0x0], $0xffff;
	v15 =	vadd.f32 v17, v13  }
0x1e6: {  	s0 =	simm.s32 $0x1;
	v13 =	vld.idx.msk [tilespmem:v2+s3+$0x0], $0xffff  }
0x1e7: {  	s20 =	sadd.s32 $0x40, s20;
	s0 =	simm.s32 @!p0 $0x0;
	v12 =	vld.idx.msk [tilespmem:v16+s3+$0x0], $0xffff;
	[tilespmem:s1+$0xC480] =	vst v15  }
0x1e8: {  	_ = 	snop  }
0x1e9: {  	v11 =	vadd.f32 v11, v14;
	v14 =	vadd.s32 $0x1388, v2;
	_ =	sdelay $0x1  }
0x1ea: {  	v9 =	vadd.f32 v9, v13  }
0x1eb: {  	[tilespmem:s18+$0xC4B0] =	vst v11;
	v11 =	vld [tilespmem:s18+$0xC530]  }
0x1ec: {  	v10 =	vld.idx.msk [tilespmem:v10+s3+$0x0], $0xffff;
	[tilespmem:s18+$0xC490] =	vst v9;
	v9 =	vadd.s32 $0x1388, v1  }
0x1ed: {  	v13 =	vld.idx.msk [tilespmem:v14+s3+$0x0], $0xffff  }
0x1ee: {  	v8 =	vadd.f32 v8, v12;
	v14 =	vld [tilespmem:s18+$0xC510]  }
0x1ef: {  	v12 =	vadd.s32 $0x2710, v3  }
0x1f0: {  	v16 =	vld [tilespmem:s18+$0xC520];
	[tilespmem:s18+$0xC4A0] =	vst v8  }
0x1f1: {  	v8 =	vadd.f32 v11, v10;
	v10 =	vadd.s32 $0x2710, v2;
	v9 =	vld.idx.msk [tilespmem:v9+s3+$0x0], $0xffff;
	_ =	sdelay $0x1  }
0x1f2: {  	[tilespmem:s18+$0xC530] =	vst v8;
	v8 =	vadd.f32 v14, v13  }
0x1f3: {  	v11 =	vld.idx.msk [tilespmem:v12+s3+$0x0], $0xffff;
	v12 =	vadd.s32 $0x2710, v1  }
0x1f4: {  	v13 =	vld [tilespmem:s18+$0xC5B0];
	[tilespmem:s18+$0xC510] =	vst v8  }
0x1f5: {  	v8 =	vld.idx.msk [tilespmem:v10+s3+$0x0], $0xffff;
	v9 =	vadd.f32 v16, v9  }
0x1f6: {  	v10 =	vld [tilespmem:s18+$0xC590]  }
0x1f7: {  	v14 =	vld [tilespmem:s18+$0xC5A0];
	v16 =	vadd.s32 $0x3A98, v3;
	[tilespmem:s18+$0xC520] =	vst v9  }
0x1f8: {  	v9 =	vld.idx.msk [tilespmem:v12+s3+$0x0], $0xffff  }
0x1f9: {  	v11 =	vadd.f32 v13, v11;
	v12 =	vadd.s32 $0x3A98, v2;
	_ =	sdelay $0x1  }
0x1fa: {  	v17 =	vld [tilespmem:s18+$0xC630];
	v8 =	vadd.f32 v10, v8;
	[tilespmem:s18+$0xC5B0] =	vst v11;
	v10 =	vadd.s32 $0x3A98, v1  }
0x1fb: {  	v11 =	vld.idx.msk [tilespmem:v16+s3+$0x0], $0xffff  }
0x1fc: {  	[tilespmem:s18+$0xC590] =	vst v8;
	v8 =	vld [tilespmem:s18+$0xC610];
	v9 =	vadd.f32 v14, v9  }
0x1fd: {  	v12 =	vld.idx.msk [tilespmem:v12+s3+$0x0], $0xffff  }
0x1fe: {  	v15 =	vld [tilespmem:s18+$0xC620];
	v13 =	vadd.s32 $0x4E20, v3;
	[tilespmem:s18+$0xC5A0] =	vst v9  }
0x1ff: {  	s0 =	sshll.u32 s0, $0x6;
	v9 =	vld.idx.msk [tilespmem:v10+s3+$0x0], $0xffff  }
0x200: {  	s0 =	sadd.s32 s0, s19;
	v10 =	vadd.f32 v17, v11;
	v11 =	vadd.s32 $0x4E20, v2  }
0x201: {  	s7 =	sor.u32 $0x200, s0  }
0x202: {  	s1 =	sadd.s32 $0x30, s0;
	v14 =	vld [tilespmem:s7+$0xC480];
	[tilespmem:s18+$0xC630] =	vst v10;
	v8 =	vadd.f32 v8, v12;
	v10 =	vadd.s32 $0x4E20, v1  }
0x203: {  	s8 =	sor.u32 $0x200, s1;
	v12 =	vld.idx.msk [tilespmem:v13+s3+$0x0], $0xffff  }
0x204: {  	s10 =	sadd.s32 $0x10, s0;
	v13 =	vld [tilespmem:s8+$0xC480];
	[tilespmem:s18+$0xC610] =	vst v8;
	v8 =	vadd.f32 v15, v9  }
0x205: {  	s9 =	sor.u32 $0x200, s10;
	v11 =	vld.idx.msk [tilespmem:v11+s3+$0x0], $0xffff  }
0x206: {  	s2 =	sadd.s32 $0x20, s0;
	v9 =	vadd.s32 $0x61A8, v0;
	v15 =	vld [tilespmem:s9+$0xC480];
	[tilespmem:s18+$0xC620] =	vst v8  }
0x207: {  	s16 =	sor.u32 $0x200, s2;
	v7 =	vadd.f32 v14, v7;
	v10 =	vld.idx.msk [tilespmem:v10+s3+$0x0], $0xffff  }
0x208: {  	v8 =	vadd.s32 $0x61A8, v3;
	v14 =	vld [tilespmem:s16+$0xC480]  }
0x209: {  	s5 =	sor.u32 $0x280, s0;
	[tilespmem:s7+$0xC480] =	vst v7;
	v7 =	vadd.f32 v13, v12;
	v12 =	vadd.s32 $0x61A8, v2  }
0x20a: {  	v13 =	vld [tilespmem:s5+$0xC480]  }
0x20b: {  	s11 =	sor.u32 $0x280, s1;
	v9 =	vld.idx.msk [tilespmem:v9+s3+$0x0], $0xffff;
	[tilespmem:s8+$0xC480] =	vst v7;
	v7 =	vadd.f32 v15, v11;
	v11 =	vadd.s32 $0x61A8, v1  }
0x20c: {  	v15 =	vld [tilespmem:s11+$0xC480]  }
0x20d: {  	v8 =	vld.idx.msk [tilespmem:v8+s3+$0x0], $0xffff;
	[tilespmem:s9+$0xC480] =	vst v7;
	v7 =	vadd.f32 v14, v10  }
0x20e: {  	s14 =	sor.u32 $0x280, s10;
	v10 =	vadd.s32 $0x7530, v0;
	v12 =	vld.idx.msk [tilespmem:v12+s3+$0x0], $0xffff  }
0x20f: {  	v14 =	vld [tilespmem:s14+$0xC480];
	[tilespmem:s16+$0xC480] =	vst v7  }
0x210: {  	s18 =	sor.u32 $0x280, s2;
	v7 =	vadd.f32 v13, v9;
	v9 =	vadd.s32 $0x7530, v3;
	v11 =	vld.idx.msk [tilespmem:v11+s3+$0x0], $0xffff  }
0x211: {  	v13 =	vld [tilespmem:s18+$0xC480]  }
0x212: {  	v4 =	vld.idx.msk [tilespmem:v4+s3+$0x0], $0xffff;
	[tilespmem:s5+$0xC480] =	vst v7;
	v7 =	vadd.f32 v15, v8;
	v8 =	vadd.s32 $0x7530, v2  }
0x213: {  	s0 =	sor.u32 $0x300, s0;
	v10 =	vld.idx.msk [tilespmem:v10+s3+$0x0], $0xffff  }
0x214: {  	v15 =	vld [tilespmem:s0+$0xC480];
	[tilespmem:s11+$0xC480] =	vst v7;
	v7 =	vadd.f32 v14, v12;
	v12 =	vadd.s32 $0x7530, v1  }
0x215: {  	s19 =	sor.u32 $0x300, s1;
	v9 =	vld.idx.msk [tilespmem:v9+s3+$0x0], $0xffff  }
0x216: {  	v14 =	vld [tilespmem:s19+$0xC480];
	[tilespmem:s14+$0xC480] =	vst v7;
	v7 =	vadd.f32 v13, v11  }
0x217: {  	s20 =	sor.u32 $0x300, s10;
	v0 =	vadd.s32 $0x88B8, v0;
	v8 =	vld.idx.msk [tilespmem:v8+s3+$0x0], $0xffff  }
0x218: {  	v11 =	vld [tilespmem:s20+$0xC480];
	[tilespmem:s18+$0xC480] =	vst v7  }
0x219: {  	s21 =	sor.u32 $0x300, s2;
	v3 =	vadd.s32 $0x88B8, v3;
	v7 =	vadd.f32 v15, v10;
	v10 =	vld.idx.msk [tilespmem:v12+s3+$0x0], $0xffff  }
0x21a: {  	v12 =	vld [tilespmem:s21+$0xC480]  }
0x21b: {  	v13 =	vld [tilespmem:s15+$0xC480];
	[tilespmem:s0+$0xC480] =	vst v7;
	v7 =	vadd.f32 v14, v9  }
0x21c: {  	s22 =	sor.u32 $0x380, s23;
	v2 =	vadd.s32 $0x88B8, v2;
	v0 =	vld.idx.msk [tilespmem:v0+s3+$0x0], $0xffff  }
0x21d: {  	v1 =	vadd.s32 $0x88B8, v1;
	v9 =	vld [tilespmem:s22+$0xC480];
	[tilespmem:s19+$0xC480] =	vst v7;
	v7 =	vadd.f32 v11, v8  }
0x21e: {  	s1 =	sor.u32 $0x380, s1;
	v3 =	vld.idx.msk [tilespmem:v3+s3+$0x0], $0xffff  }
0x21f: {  	s23 =	sor.u32 $0x380, s10;
	v8 =	vld [tilespmem:s1+$0xC480];
	[tilespmem:s20+$0xC480] =	vst v7;
	v7 =	vadd.f32 v12, v10  }
0x220: {  	v10 =	vld [tilespmem:s23+$0xC480]  }
0x221: {  	v2 =	vld.idx.msk [tilespmem:v2+s3+$0x0], $0xffff;
	[tilespmem:s21+$0xC480] =	vst v7  }
0x222: {  	s2 =	sor.u32 $0x380, s2;
	v1 =	vld.idx.msk [tilespmem:v1+s3+$0x0], $0xffff  }
0x223: {  	v5 =	vadd.f32 v5, v6;
	v6 =	vld [tilespmem:s2+$0xC480]  }
0x224: {  	v4 =	vadd.f32 v13, v4  }
0x225: {  	[tilespmem:s4+$0xC480] =	vst v5;
	v0 =	vadd.f32 v9, v0  }
0x226: {  	[tilespmem:s15+$0xC480] =	vst v4;
	v3 =	vadd.f32 v8, v3  }
0x227: {  	[tilespmem:s22+$0xC480] =	vst v0;
	v0 =	vadd.f32 v10, v2  }
0x228: {  	s24 =	sshll.u32 s13, $0x13;
	[tilespmem:s1+$0xC480] =	vst v3;
	v1 =	vadd.f32 v6, v1  }
0x229: {  	s26 =	simm.s32 $0xC480;
	s25 =	sor.u32 s31, s24;
	[tilespmem:s23+$0xC480] =	vst v0  }
0x22a: {  	s29 =	sadd.s32 $0x3, s17;
	s7 =	simm.s32 $0x6;
	s0 =	sshrl.u32 s25, $0x3;
	[tilespmem:s2+$0xC480] =	vst v1  }
0x22b: {  	s5 =	sshll.u32 s29, $0x12;
	s0 =	sor.u32 s0, s6;
	s1 =	rddreg [dreg:$0x11]  }
0x22c: {  	s19 =	simm.s32 $0x0;
	s0 =	sadd.s32 s0, s1;
	s1 =	sor.u32 s31, s5  }
0x22d: {  	[hbm4b:s0+s19] =	stream.linear.scatter [tilespmem:s26], [sflag:$0x6], $0x2000, $0x38;
	[tilespmem:$0xE480] =	vst v63  }
0x22e: {  	s1 =	sshrl.u32 s1, $0x3;
	s0 =	sshll.u32 s29, $0xC;
	_ =	swait.ge [sflag:s7], $0x2000  }
0x22f: {  	s0 =	sor.u32 s6, s0;
	[sflag:s7] =	ssyncset.done $0x0;
	s8 =	rddreg [dreg:$0x12]  }
0x230: {  	s0 =	sshrl.u32 s0, $0x3;
	[sflag:s7] =	ssyncadd.s32 $0xFFFFE000;
	s1 =	sadd.s32 s1, s8  }
0x231: {  	[tilespmem:s26], [sflag:$0x2] =	stream.linear.gather [hbm4b:s1+s19], $0x2000, $0x38;
	[tilespmem:$0xE480] =	vst v63  }
0x232: {  	s10 =	simm.s32 $0x3;
	s9 =	simm.s32 $0xA080;
	s0 =	sadd.s32 s12, s0  }
0x233: {  	[tilespmem:s9], [sflag:$0x4] =	stream.linear.gather [hbm4b:s0+s19], $0x400, $0x38;
	[tilespmem:$0xE480] =	vst v63  }
0x234: {  	_ =	swait.ge [sflag:s10], $0x400  }
0x235: {  	s11 =	smov.u32 s6;
	[sflag:s10] =	ssyncset.done $0x0  }
0x236: {  	s6 =	smov.u32 s12;
	s12 =	simm.s32 $0x1;
	[sflag:s10] =	ssyncadd.s32 $0xFFFFFC00  }
0x237: {  	s15 =	sand.u32 $0x40, s19;
	s16 =	sand.u32 $0x380, s19;
	_ =	swait.ge [sflag:s12], $0x2000  }
0x238: {  	s17 =	sor.u32 $0x30, s15;
	s1 =	sadd.s32 $0x9C80, s16;
	[sflag:s12] =	ssyncset.done $0x0  }
0x239: {  	s18 =	sor.u32 s17, s1;
	[sflag:s12] =	ssyncadd.s32 $0xFFFFE000  }
0x23a: {  	v0 =	vld [tilespmem:s18+$0x0];
	_ =	sdelay $0x3  }
0x23b: {  	s20 =	simm.s32 $0x9C80  }
0x23c: {  	s21 =	sor.u32 $0x10, s15;
	v1 =	vld [tilespmem:s20+$0x0];
	v0 =	vcvt.s32.f32 v0  }
0x23d: {  	s22 =	sor.u32 s21, s1  }
0x23e: {  	v2 =	vld [tilespmem:s22+$0x0];
	v0 =	vadd.f32 $5.000000000e-01, v0;
	_ =	sdelay $0x1  }
0x23f: {  	v0 =	vmul.f32 $9.999999770e-03, v0  }
0x240: {  	s23 =	sor.u32 $0x20, s15;
	v1 =	vcvt.s32.f32 v1  }
0x241: {  	s1 =	sor.u32 s23, s1;
	v0 =	vtrunc.f32 v0  }
0x242: {  	v3 =	vld [tilespmem:s1+$0x0];
	v2 =	vcvt.s32.f32 v2;
	v1 =	vadd.f32 $5.000000000e-01, v1;
	v6 =	vcvt.f32.s32 v0;
	_ =	sdelay $0x1  }
0x243: {  	s24 =	sand.u32 $0x1C00, s19;
	v0 =	vmul.f32 $9.999999770e-03, v1;
	v1 =	vadd.f32 $5.000000000e-01, v2  }
0x244: {  	s1 =	sadd.s32 $0xA480, s24  }
0x245: {  	s2 =	sor.u32 s17, s1;
	v0 =	vtrunc.f32 v0;
	v1 =	vmul.f32 $9.999999770e-03, v1  }
0x246: {  	v4 =	vld [tilespmem:s2+$0x0];
	v2 =	vcvt.s32.f32 v3;
	v0 =	vcvt.f32.s32 v0  }
0x247: {  	v1 =	vtrunc.f32 v1;
	v3 =	vld.idx.msk [tilespmem:v6+s3+$0x0], $0xffff  }
0x248: {  	v2 =	vadd.f32 $5.000000000e-01, v2;
	v1 =	vcvt.f32.s32 v1;
	_ =	sdelay $0x1  }
0x249: {  	s4 =	sor.u32 s21, s1;
	v5 =	vadd.s32 $0x1388, v6;
	v2 =	vmul.f32 $9.999999770e-03, v2  }
0x24a: {  	v9 =	vld [tilespmem:s4+$0x0]  }
0x24b: {  	s25 =	sor.u32 s15, s1;
	v2 =	vtrunc.f32 v2;
	v7 =	vld.idx.msk [tilespmem:v0+s3+$0x0], $0xffff;
	v3 =	vadd.f32 v4, v3  }
0x24c: {  	v2 =	vcvt.f32.s32 v2;
	v4 =	vld [tilespmem:s25+$0x0]  }
0x24d: {  	v8 =	vld.idx.msk [tilespmem:v1+s3+$0x0], $0xffff;
	[tilespmem:s2+$0x0] =	vst v3  }
0x24e: {  	v3 =	vld.idx.msk [tilespmem:v5+s3+$0x0], $0xffff  }
0x24f: {  	s1 =	sor.u32 s23, s1;
	v10 =	vadd.s32 $0x1388, v0;
	v5 =	vld [tilespmem:s2+$0x80]  }
0x250: {  	v13 =	vld [tilespmem:s1+$0x0];
	v11 =	vadd.s32 $0x1388, v1  }
0x251: {  	v14 =	vld [tilespmem:s25+$0x80];
	v4 =	vadd.f32 v4, v7  }
0x252: {  	v12 =	vld.idx.msk [tilespmem:v2+s3+$0x0], $0xffff;
	v7 =	vadd.s32 $0x2710, v6;
	v8 =	vadd.f32 v9, v8  }
0x253: {  	v9 =	vld [tilespmem:s4+$0x80];
	[tilespmem:s25+$0x0] =	vst v4  }
0x254: {  	[tilespmem:s4+$0x0] =	vst v8;
	v3 =	vadd.f32 v5, v3;
	v4 =	vld.idx.msk [tilespmem:v10+s3+$0x0], $0xffff  }
0x255: {  	v5 =	vadd.s32 $0x1388, v2;
	v8 =	vld.idx.msk [tilespmem:v11+s3+$0x0], $0xffff  }
0x256: {  	v10 =	vld [tilespmem:s2+$0x100];
	[tilespmem:s2+$0x80] =	vst v3  }
0x257: {  	v3 =	vld.idx.msk [tilespmem:v7+s3+$0x0], $0xffff;
	v7 =	vadd.f32 v13, v12  }
0x258: {  	v11 =	vadd.s32 $0x2710, v0  }
0x259: {  	v12 =	vadd.s32 $0x2710, v1;
	v13 =	vld [tilespmem:s1+$0x80];
	[tilespmem:s1+$0x0] =	vst v7  }
0x25a: {  	v4 =	vadd.f32 v14, v4;
	v7 =	vadd.s32 $0x3A98, v6;
	v5 =	vld.idx.msk [tilespmem:v5+s3+$0x0], $0xffff  }
0x25b: {  	v14 =	vld [tilespmem:s25+$0x100];
	v8 =	vadd.f32 v9, v8  }
0x25c: {  	v9 =	vld [tilespmem:s4+$0x100];
	[tilespmem:s25+$0x80] =	vst v4;
	v3 =	vadd.f32 v10, v3  }
0x25d: {  	[tilespmem:s4+$0x80] =	vst v8;
	v8 =	vadd.s32 $0x2710, v2;
	v4 =	vld.idx.msk [tilespmem:v11+s3+$0x0], $0xffff  }
0x25e: {  	v10 =	vld.idx.msk [tilespmem:v12+s3+$0x0], $0xffff;
	[tilespmem:s2+$0x100] =	vst v3  }
0x25f: {  	v3 =	vld.idx.msk [tilespmem:v7+s3+$0x0], $0xffff;
	v5 =	vadd.f32 v13, v5  }
0x260: {  	v11 =	vadd.s32 $0x3A98, v0;
	v7 =	vld [tilespmem:s2+$0x180]  }
0x261: {  	v12 =	vadd.s32 $0x3A98, v1;
	v13 =	vld [tilespmem:s1+$0x100];
	[tilespmem:s1+$0x80] =	vst v5  }
0x262: {  	v4 =	vadd.f32 v14, v4;
	v5 =	vld.idx.msk [tilespmem:v8+s3+$0x0], $0xffff  }
0x263: {  	p0 =	por $0x0, $0x0;
	s0 =	simm.s32 $0x1;
	v14 =	vld [tilespmem:s25+$0x180];
	v9 =	vadd.f32 v9, v10;
	v8 =	vadd.s32 $0x4E20, v6  }
0x264: {  	s0 =	simm.s32 @!p0 $0x0;
	v10 =	vld [tilespmem:s4+$0x180];
	[tilespmem:s25+$0x100] =	vst v4  }
0x265: {  	s0 =	sshll.u32 s0, $0x6;
	v4 =	vadd.s32 $0x3A98, v2;
	[tilespmem:s4+$0x100] =	vst v9;
	v3 =	vadd.f32 v7, v3;
	v7 =	vld.idx.msk [tilespmem:v11+s3+$0x0], $0xffff  }
0x266: {  	s10 =	sadd.s32 $0x0, s0;
	v9 =	vld.idx.msk [tilespmem:v12+s3+$0x0], $0xffff  }
0x267: {  	[tilespmem:s2+$0x180] =	vst v3;
	s2 =	sadd.s32 $0x30, s10;
	v3 =	vadd.f32 v13, v5  }
0x268: {  	v5 =	vld.idx.msk [tilespmem:v8+s3+$0x0], $0xffff;
	s26 =	sor.u32 $0x200, s2;
	v8 =	vadd.s32 $0x4E20, v0  }
0x269: {  	v12 =	vadd.s32 $0x4E20, v1;
	v11 =	vld [tilespmem:s26+$0xA480];
	[tilespmem:s1+$0x100] =	vst v3  }
0x26a: {  	v3 =	vld.idx.msk [tilespmem:v4+s3+$0x0], $0xffff;
	v4 =	vadd.f32 v14, v7  }
0x26b: {  	s29 =	simm.s32 $0x9CC0;
	v13 =	vld [tilespmem:s1+$0x180];
	v7 =	vadd.f32 v10, v9  }
0x26c: {  	v9 =	vadd.s32 $0x61A8, v6;
	v10 =	vld [tilespmem:s29+$0x0];
	[tilespmem:s25+$0x180] =	vst v4  }
0x26d: {  	s0 =	sadd.s32 $0x10, s10;
	[tilespmem:s4+$0x180] =	vst v7;
	v8 =	vld.idx.msk [tilespmem:v8+s3+$0x0], $0xffff  }
0x26e: {  	s5 =	sor.u32 $0x200, s0;
	v5 =	vadd.f32 v11, v5;
	v7 =	vld.idx.msk [tilespmem:v12+s3+$0x0], $0xffff  }
0x26f: {  	s24 =	sor.u32 $0x200, s10;
	s17 =	simm.s32 $0x40;
	v4 =	vadd.s32 $0x4E20, v2;
	v11 =	vld [tilespmem:s5+$0xA480]  }
0x270: {  	s23 =	sand.u32 $0x380, s17;
	s4 =	sand.u32 $0x40, s17;
	v3 =	vadd.f32 v13, v3;
	[tilespmem:s26+$0xA480] =	vst v5;
	v13 =	vld [tilespmem:s24+$0xA480]  }
0x271: {  	s15 =	sadd.s32 $0x9C80, s23;
	s7 =	sor.u32 $0x280, s2;
	s26 =	sor.u32 $0x10, s4;
	v5 =	vld.idx.msk [tilespmem:v9+s3+$0x0], $0xffff  }
0x272: {  	s20 =	sor.u32 s26, s15;
	[tilespmem:s1+$0x180] =	vst v3;
	v3 =	vld [tilespmem:s7+$0xA480]  }
0x273: {  	s12 =	sadd.s32 $0x20, s10;
	v16 =	vld [tilespmem:s20+$0x0]  }
0x274: {  	s16 =	sor.u32 $0x200, s12;
	s21 =	sor.u32 $0x30, s4;
	v9 =	vadd.s32 $0x61A8, v1;
	v4 =	vld.idx.msk [tilespmem:v4+s3+$0x0], $0xffff  }
0x275: {  	v14 =	vadd.s32 $0x7530, v6;
	s25 =	sor.u32 s21, s15;
	v10 =	vcvt.s32.f32 v10;
	v12 =	vld [tilespmem:s16+$0xA480]  }
0x276: {  	s22 =	sor.u32 $0x20, s4;
	v7 =	vadd.f32 v11, v7;
	v11 =	vld [tilespmem:s25+$0x0]  }
0x277: {  	s15 =	sor.u32 s22, s15;
	v10 =	vadd.f32 $5.000000000e-01, v10;
	v3 =	vadd.f32 v3, v5  }
0x278: {  	v15 =	vadd.s32 $0x61A8, v2;
	[tilespmem:s5+$0xA480] =	vst v7;
	v7 =	vld [tilespmem:s15+$0x0]  }
0x279: {  	v9 =	vld.idx.msk [tilespmem:v9+s3+$0x0], $0xffff;
	[tilespmem:s7+$0xA480] =	vst v3;
	v3 =	vmul.f32 $9.999999770e-03, v10  }
0x27a: {  	s14 =	smov.u32 s31;
	s31 =	sor.u32 $0x300, s2;
	v8 =	vadd.f32 v13, v8;
	v13 =	vcvt.s32.f32 v16;
	v5 =	vadd.f32 v12, v4;
	v17 =	vld.idx.msk [tilespmem:v14+s3+$0x0], $0xffff  }
0x27b: {  	s30 =	sor.u32 $0x280, s0;
	v12 =	vadd.s32 $0x61A8, v0;
	v11 =	vcvt.s32.f32 v11;
	v18 =	vld [tilespmem:s31+$0xA480];
	v3 =	vtrunc.f32 v3  }
0x27c: {  	[tilespmem:s16+$0xA480] =	vst v5;
	v14 =	vld [tilespmem:s30+$0xA480];
	v3 =	vcvt.f32.s32 v3  }
0x27d: {  	s28 =	sor.u32 $0x280, s12;
	s29 =	sor.u32 s19, s19;
	[tilespmem:s24+$0xA480] =	vst v8;
	v13 =	vadd.f32 $5.000000000e-01, v13;
	v7 =	vcvt.s32.f32 v7;
	v8 =	vadd.f32 $5.000000000e-01, v11;
	v10 =	vld.idx.msk [tilespmem:v15+s3+$0x0], $0xffff  }
0x27e: {  	s23 =	sor.u32 $0x380, s0;
	s18 =	sor.u32 $0x380, s29;
	s1 =	sor.u32 $0x280, s10;
	v4 =	vadd.s32 $0x7530, v1;
	v1 =	vadd.s32 $0x88B8, v1;
	v11 =	vld [tilespmem:s28+$0xA480];
	v15 =	vadd.s32 $0x88B8, v6  }
0x27f: {  	s20 =	sor.u32 $0x300, s0;
	s25 =	simm.s32 $0x9D00;
	s15 =	sor.u32 $0x300, s10;
	v16 =	vmul.f32 $9.999999770e-03, v13;
	v13 =	vld [tilespmem:s1+$0xA480];
	v6 =	vadd.f32 $5.000000000e-01, v7;
	v8 =	vmul.f32 $9.999999770e-03, v8  }
0x280: {  	s10 =	simm.s32 $0x4;
	s24 =	sor.u32 $0x380, s12;
	v5 =	vadd.s32 $0x7530, v2;
	v2 =	vadd.s32 $0x88B8, v2;
	s16 =	sor.u32 $0x300, s12;
	v12 =	vld.idx.msk [tilespmem:v12+s3+$0x0], $0xffff;
	v17 =	vadd.f32 v18, v17  }
.LBB2_7:
0x281: {  	v7 =	vld [tilespmem:s25+$0x0];
	v18 =	vmul.f32 $9.999999770e-03, v6;
	v6 =	vtrunc.f32 v8  }
0x282: {  	v19 =	vld.idx.msk [tilespmem:v3+s3+$0x0], $0xffff;
	v8 =	vtrunc.f32 v16;
	v6 =	vcvt.f32.s32 v6;
	v9 =	vadd.f32 v14, v9;
	[tilespmem:s31+$0xA480] =	vst v17  }
0x283: {  	s0 =	sor.u32 $0x380, s2;
	v14 =	vcvt.f32.s32 v8;
	v8 =	vtrunc.f32 v18;
	v10 =	vadd.f32 v11, v10;
	v15 =	vld.idx.msk [tilespmem:v15+s3+$0x0], $0xffff  }
0x284: {  	v16 =	vcvt.f32.s32 v8;
	[tilespmem:s30+$0xA480] =	vst v9;
	v17 =	vld [tilespmem:s0+$0xA480]  }
0x285: {  	s19 =	sadd.s32 $0x200, s19;
	v18 =	vadd.s32 $0x1388, v14;
	v20 =	vadd.s32 $0x2710, v14;
	v21 =	vadd.s32 $0x3A98, v14;
	v22 =	vld.idx.msk [tilespmem:v4+s3+$0x0], $0xffff;
	[tilespmem:s28+$0xA480] =	vst v10  }
0x286: {  	s2 =	sand.u32 $0x1C00, s19;
	s7 =	sor.u32 s19, s17;
	v23 =	vadd.s32 $0x1388, v16;
	v24 =	vadd.s32 $0x2710, v16;
	v25 =	vadd.s32 $0x3A98, v16;
	v26 =	vld.idx.msk [tilespmem:v5+s3+$0x0], $0xffff  }
0x287: {  	s8 =	sadd.s32 $0xA480, s2;
	s29 =	sor.u32 $0x380, s7;
	v11 =	vadd.s32 $0x4E20, v14;
	v9 =	vadd.s32 $0x61A8, v14;
	v10 =	vadd.s32 $0x4E20, v16;
	v27 =	vld [tilespmem:s20+$0xA480]  }
0x288: {  	s31 =	sor.u32 s4, s8;
	s4 =	sor.u32 s26, s8;
	s2 =	sor.u32 s21, s8;
	v4 =	vadd.s32 $0x7530, v14;
	v12 =	vadd.f32 v13, v12;
	v8 =	vadd.s32 $0x61A8, v16;
	v28 =	vld.idx.msk [tilespmem:v6+s3+$0x0], $0xffff  }
0x289: {  	s21 =	sor.u32 s22, s8;
	v13 =	vadd.s32 $0x88B8, v14;
	v5 =	vadd.s32 $0x7530, v16;
	v29 =	vld [tilespmem:s2+$0x0];
	v15 =	vadd.f32 v17, v15  }
0x28a: {  	v17 =	vadd.s32 $0x88B8, v16;
	v14 =	vld.idx.msk [tilespmem:v14+s3+$0x0], $0xffff;
	[tilespmem:s1+$0xA480] =	vst v12  }
0x28b: {  	v12 =	vld.idx.msk [tilespmem:v16+s3+$0x0], $0xffff;
	[tilespmem:s0+$0xA480] =	vst v15  }
0x28c: {  	v16 =	vadd.s32 $0x1388, v6;
	v15 =	vld [tilespmem:s31+$0x0];
	v22 =	vadd.f32 v27, v22  }
0x28d: {  	v27 =	vld [tilespmem:s4+$0x0]  }
0x28e: {  	v30 =	vld [tilespmem:s21+$0x0];
	v28 =	vadd.f32 v29, v28;
	[tilespmem:s20+$0xA480] =	vst v22  }
0x28f: {  	v22 =	vadd.s32 $0x1388, v3;
	v29 =	vld [tilespmem:s31+$0x80]  }
0x290: {  	v31 =	vld [tilespmem:s4+$0x80];
	[tilespmem:s2+$0x0] =	vst v28  }
0x291: {  	v15 =	vadd.f32 v15, v19;
	v16 =	vld.idx.msk [tilespmem:v16+s3+$0x0], $0xffff  }
0x292: {  	v14 =	vadd.f32 v27, v14;
	v19 =	vld [tilespmem:s2+$0x80]  }
0x293: {  	[tilespmem:s31+$0x0] =	vst v15;
	v12 =	vadd.f32 v30, v12;
	v15 =	vld [tilespmem:s21+$0x80]  }
0x294: {  	v22 =	vld.idx.msk [tilespmem:v22+s3+$0x0], $0xffff;
	[tilespmem:s4+$0x0] =	vst v14  }
0x295: {  	v14 =	vld.idx.msk [tilespmem:v18+s3+$0x0], $0xffff;
	[tilespmem:s21+$0x0] =	vst v12;
	v12 =	vadd.s32 $0x2710, v6  }
0x296: {  	v18 =	vld.idx.msk [tilespmem:v23+s3+$0x0], $0xffff  }
0x297: {  	v23 =	vld [tilespmem:s31+$0x100];
	v16 =	vadd.f32 v19, v16  }
0x298: {  	v19 =	vadd.s32 $0x2710, v3;
	v27 =	vld [tilespmem:s4+$0x100]  }
0x299: {  	v28 =	vld [tilespmem:s21+$0x100];
	[tilespmem:s2+$0x80] =	vst v16  }
0x29a: {  	v16 =	vadd.f32 v29, v22;
	v12 =	vld.idx.msk [tilespmem:v12+s3+$0x0], $0xffff  }
0x29b: {  	v14 =	vadd.f32 v31, v14;
	v22 =	vld [tilespmem:s2+$0x100]  }
0x29c: {  	v15 =	vadd.f32 v15, v18;
	[tilespmem:s31+$0x80] =	vst v16;
	v16 =	vld [tilespmem:s31+$0x180]  }
0x29d: {  	v18 =	vld.idx.msk [tilespmem:v19+s3+$0x0], $0xffff;
	[tilespmem:s4+$0x80] =	vst v14  }
0x29e: {  	v14 =	vld.idx.msk [tilespmem:v20+s3+$0x0], $0xffff;
	[tilespmem:s21+$0x80] =	vst v15;
	v15 =	vadd.s32 $0x3A98, v6  }
0x29f: {  	v19 =	vld.idx.msk [tilespmem:v24+s3+$0x0], $0xffff  }
0x2a0: {  	v20 =	vld [tilespmem:s4+$0x180];
	v12 =	vadd.f32 v22, v12;
	v22 =	vadd.s32 $0x7530, v0  }
0x2a1: {  	v24 =	vadd.s32 $0x3A98, v3;
	v29 =	vld [tilespmem:s21+$0x180]  }
0x2a2: {  	[tilespmem:s2+$0x100] =	vst v12;
	v12 =	vld [tilespmem:s16+$0xA480]  }
0x2a3: {  	v18 =	vadd.f32 v23, v18;
	v15 =	vld.idx.msk [tilespmem:v15+s3+$0x0], $0xffff  }
0x2a4: {  	v14 =	vadd.f32 v27, v14;
	v23 =	vld [tilespmem:s2+$0x180]  }
0x2a5: {  	[tilespmem:s31+$0x100] =	vst v18;
	v18 =	vadd.f32 v28, v19;
	v19 =	vld.idx.msk [tilespmem:v22+s3+$0x0], $0xffff  }
0x2a6: {  	v22 =	vld.idx.msk [tilespmem:v24+s3+$0x0], $0xffff;
	[tilespmem:s4+$0x100] =	vst v14  }
0x2a7: {  	p0 =	por !p0, !p0;
	s0 =	simm.s32 $0x1;
	v14 =	vld.idx.msk [tilespmem:v21+s3+$0x0], $0xffff;
	[tilespmem:s21+$0x100] =	vst v18;
	v18 =	vadd.s32 $0x4E20, v6;
	v12 =	vadd.f32 v12, v26  }
0x2a8: {  	s0 =	simm.s32 @!p0 $0x0;
	v21 =	vld.idx.msk [tilespmem:v25+s3+$0x0], $0xffff  }
0x2a9: {  	s0 =	sshll.u32 s0, $0x6;
	v15 =	vadd.f32 v23, v15;
	v23 =	vld [tilespmem:s15+$0xA480];
	[tilespmem:s16+$0xA480] =	vst v12  }
0x2aa: {  	s8 =	sadd.s32 s0, s19;
	v12 =	vadd.s32 $0x4E20, v3;
	v24 =	vld.idx.msk [tilespmem:v1+s3+$0x0], $0xffff;
	v1 =	vmov v13  }
0x2ab: {  	s22 =	sadd.s32 $0x10, s8;
	s26 =	sadd.s32 $0x20, s8;
	[tilespmem:s2+$0x180] =	vst v15;
	s2 =	sadd.s32 $0x30, s8;
	v13 =	vld.idx.msk [tilespmem:v2+s3+$0x0], $0xffff;
	v2 =	vmov v17  }
0x2ac: {  	s9 =	sor.u32 $0x200, s22;
	s7 =	sor.u32 $0x200, s26;
	v15 =	vadd.f32 v16, v22;
	v16 =	vld.idx.msk [tilespmem:v18+s3+$0x0], $0xffff;
	s5 =	sor.u32 $0x200, s2  }
0x2ad: {  	s0 =	sor.u32 $0x200, s8;
	s30 =	sor.u32 $0x280, s22;
	s28 =	sor.u32 $0x280, s26;
	v14 =	vadd.f32 v20, v14;
	v17 =	vld [tilespmem:s5+$0xA480]  }
0x2ae: {  	s1 =	sor.u32 $0x280, s8;
	s20 =	sor.u32 $0x300, s22;
	s16 =	sor.u32 $0x300, s26;
	[tilespmem:s31+$0x180] =	vst v15;
	v15 =	vadd.f32 v29, v21;
	v18 =	vadd.f32 v23, v19;
	v19 =	vld [tilespmem:s23+$0xA480]  }
0x2af: {  	s31 =	sor.u32 $0x300, s8;
	s8 =	sor.u32 $0x380, s26;
	v12 =	vld.idx.msk [tilespmem:v12+s3+$0x0], $0xffff;
	[tilespmem:s4+$0x180] =	vst v14;
	s4 =	sor.u32 $0x380, s22  }
0x2b0: {  	v14 =	vadd.s32 $0x61A8, v6;
	v11 =	vld.idx.msk [tilespmem:v11+s3+$0x0], $0xffff;
	[tilespmem:s21+$0x180] =	vst v15  }
0x2b1: {  	v10 =	vld.idx.msk [tilespmem:v10+s3+$0x0], $0xffff;
	[tilespmem:s15+$0xA480] =	vst v18;
	s15 =	smov.u32 s31  }
0x2b2: {  	v15 =	vld [tilespmem:s9+$0xA480];
	v16 =	vadd.f32 v17, v16  }
0x2b3: {  	v18 =	vadd.s32 $0x88B8, v0;
	v0 =	vmov v3;
	v17 =	vld [tilespmem:s7+$0xA480];
	v19 =	vadd.f32 v19, v24  }
0x2b4: {  	v3 =	vld [tilespmem:s0+$0xA480];
	[tilespmem:s5+$0xA480] =	vst v16  }
0x2b5: {  	s5 =	sor.u32 $0x280, s2;
	v14 =	vld.idx.msk [tilespmem:v14+s3+$0x0], $0xffff;
	[tilespmem:s23+$0xA480] =	vst v19;
	s23 =	smov.u32 s4  }
0x2b6: {  	s17 =	sadd.s32 $0x40, s17;
	v16 =	vld [tilespmem:s5+$0xA480]  }
0x2b7: {  	s10 =	sadd.s32 $0x4, s10;
	s21 =	sand.u32 $0x380, s17;
	s4 =	sand.u32 $0x40, s17;
	v11 =	vadd.f32 v15, v11;
	v15 =	vld [tilespmem:s24+$0xA480]  }
0x2b8: {  	p1 =	slt.u32 s10, $0x3C;
	s31 =	sadd.s32 $0x9C80, s21;
	s21 =	sor.u32 $0x30, s4;
	v10 =	vadd.f32 v17, v10;
	v17 =	vld.idx.msk [tilespmem:v18+s3+$0x0], $0xffff  }
0x2b9: {  	v7 =	vcvt.s32.f32 v7;
	s26 =	sor.u32 $0x10, s4;
	s22 =	sor.u32 $0x20, s4;
	s12 =	sor.u32 s21, s31;
	v3 =	vadd.f32 v3, v12;
	[tilespmem:s9+$0xA480] =	vst v11;
	v11 =	vadd.s32 $0x7530, v6;
	v12 =	vld [tilespmem:s18+$0xA480]  }
0x2ba: {  	s9 =	sor.u32 s26, s31;
	s31 =	sor.u32 s22, s31;
	v18 =	vld [tilespmem:s12+$0x0];
	[tilespmem:s7+$0xA480] =	vst v10  }
0x2bb: {  	v7 =	vadd.f32 $5.000000000e-01, v7;
	v10 =	vld [tilespmem:s9+$0x0];
	[tilespmem:s0+$0xA480] =	vst v3;
	v3 =	vadd.f32 v16, v14  }
0x2bc: {  	v14 =	vld [tilespmem:s31+$0x0];
	v13 =	vadd.f32 v15, v13  }
0x2bd: {  	v7 =	vmul.f32 $9.999999770e-03, v7;
	v9 =	vld.idx.msk [tilespmem:v9+s3+$0x0], $0xffff;
	[tilespmem:s5+$0xA480] =	vst v3  }
0x2be: {  	v16 =	vadd.s32 $0x61A8, v0;
	s31 =	sor.u32 $0x300, s2;
	v19 =	vld.idx.msk [tilespmem:v11+s3+$0x0], $0xffff;
	v11 =	vadd.f32 v12, v17;
	[tilespmem:s24+$0xA480] =	vst v13;
	s24 =	smov.u32 s8  }
0x2bf: {  	v3 =	vtrunc.f32 v7;
	v7 =	vcvt.s32.f32 v18;
	v17 =	vld [tilespmem:s31+$0xA480]  }
.Ltmp2:
0x2c0: {  	v3 =	vcvt.f32.s32 v3;
	v12 =	vcvt.s32.f32 v10;
	v10 =	vld.idx.msk [tilespmem:v8+s3+$0x0], $0xffff;
	[tilespmem:s18+$0xA480] =	vst v11;
	s18 =	smov.u32 s29;
	(pc) =	sbr.rel @p1 .LBB2_7-.Ltmp2, $4  }
0x2c1: {  	v8 =	vcvt.s32.f32 v14;
	v7 =	vadd.f32 $5.000000000e-01, v7;
	v14 =	vld [tilespmem:s30+$0xA480]  }
0x2c2: {  	v15 =	vadd.s32 $0x88B8, v6;
	v13 =	vadd.f32 $5.000000000e-01, v12;
	v11 =	vld [tilespmem:s28+$0xA480]  }
0x2c3: {  	v6 =	vadd.f32 $5.000000000e-01, v8;
	v8 =	vmul.f32 $9.999999770e-03, v7;
	v12 =	vld.idx.msk [tilespmem:v16+s3+$0x0], $0xffff  }
0x2c4: {  	s25 =	sadd.s32 $0x40, s25;
	v16 =	vmul.f32 $9.999999770e-03, v13;
	v13 =	vld [tilespmem:s1+$0xA480];
	v17 =	vadd.f32 v17, v19  }
0x2c5: {  	_ =	sdelay $0x3  }
0x2c6: {  	v18 =	vld.idx.msk [tilespmem:v3+s3+$0x0], $0xffff;
	s10 =	sadd.s32 $0x200, s19;
	v14 =	vadd.f32 v14, v9;
	[tilespmem:s31+$0xA480] =	vst v17  }
0x2c7: {  	v7 =	vtrunc.f32 v8;
	v58 =	vmul.f32 $9.999999770e-03, v6;
	s2 =	sor.u32 $0x380, s2;
	s0 =	sand.u32 $0x1C00, s10;
	v6 =	vld.idx.msk [tilespmem:v15+s3+$0x0], $0xffff  }
0x2c8: {  	v8 =	vcvt.f32.s32 v7;
	v7 =	vld [tilespmem:s2+$0xA480];
	s0 =	sadd.s32 $0xA480, s0;
	[tilespmem:s30+$0xA480] =	vst v14  }
0x2c9: {  	s29 =	sor.u32 s21, s0;
	v4 =	vld.idx.msk [tilespmem:v4+s3+$0x0], $0xffff  }
0x2ca: {  	v59 =	vtrunc.f32 v16;
	v62 =	vld [tilespmem:s29+$0x0]  }
0x2cb: {  	v9 =	vcvt.f32.s32 v59;
	s25 =	sor.u32 s26, s0;
	v15 =	vld [tilespmem:s20+$0xA480]  }
0x2cc: {  	v60 =	vtrunc.f32 v58;
	s4 =	sor.u32 s4, s0;
	v20 =	vld [tilespmem:s25+$0x0]  }
0x2cd: {  	v11 =	vadd.f32 v11, v10;
	v10 =	vcvt.f32.s32 v60;
	v21 =	vld [tilespmem:s4+$0x0]  }
0x2ce: {  	s30 =	sor.u32 s22, s0;
	v61 =	vld.idx.msk [tilespmem:v8+s3+$0x0], $0xffff  }
0x2cf: {  	v28 =	vld [tilespmem:s30+$0x0]  }
0x2d0: {  	v24 =	vadd.s32 $0x1388, v3;
	v23 =	vld [tilespmem:s29+$0x80]  }
0x2d1: {  	v27 =	vadd.s32 $0x1388, v8;
	v63 =	vld.idx.msk [tilespmem:v9+s3+$0x0], $0xffff  }
0x2d2: {  	v25 =	vld [tilespmem:s4+$0x80];
	v18 =	vadd.f32 v21, v18  }
0x2d3: {  	[tilespmem:s28+$0xA480] =	vst v11;
	v19 =	vld.idx.msk [tilespmem:v10+s3+$0x0], $0xffff;
	v11 =	vadd.f32 v62, v61  }
0x2d4: {  	v29 =	vadd.s32 $0x1388, v9;
	v30 =	vld [tilespmem:s25+$0x80];
	[tilespmem:s4+$0x0] =	vst v18  }
0x2d5: {  	v18 =	vld.idx.msk [tilespmem:v24+s3+$0x0], $0xffff;
	[tilespmem:s29+$0x0] =	vst v11  }
0x2d6: {  	v22 =	vadd.s32 $0x1388, v10;
	v16 =	vadd.f32 v20, v63;
	v17 =	vld.idx.msk [tilespmem:v27+s3+$0x0], $0xffff  }
0x2d7: {  	v31 =	vld [tilespmem:s30+$0x80]  }
0x2d8: {  	v37 =	vadd.s32 $0x2710, v3;
	v34 =	vld [tilespmem:s4+$0x100];
	v14 =	vadd.f32 v28, v19;
	[tilespmem:s25+$0x0] =	vst v16  }
0x2d9: {  	v32 =	vadd.s32 $0x2710, v8;
	v11 =	vld.idx.msk [tilespmem:v29+s3+$0x0], $0xffff  }
0x2da: {  	v36 =	vld [tilespmem:s29+$0x100];
	[tilespmem:s30+$0x0] =	vst v14;
	v40 =	vadd.f32 v25, v18  }
0x2db: {  	v14 =	vld.idx.msk [tilespmem:v22+s3+$0x0], $0xffff;
	v17 =	vadd.f32 v23, v17  }
0x2dc: {  	v33 =	vadd.s32 $0x2710, v9;
	v38 =	vld [tilespmem:s25+$0x100];
	[tilespmem:s4+$0x80] =	vst v40  }
0x2dd: {  	v45 =	vld.idx.msk [tilespmem:v37+s3+$0x0], $0xffff;
	[tilespmem:s29+$0x80] =	vst v17  }
0x2de: {  	v35 =	vadd.s32 $0x2710, v10;
	v11 =	vadd.f32 v30, v11;
	v16 =	vld.idx.msk [tilespmem:v32+s3+$0x0], $0xffff  }
0x2df: {  	v39 =	vld [tilespmem:s30+$0x100]  }
0x2e0: {  	v51 =	vadd.s32 $0x3A98, v3;
	v43 =	vld [tilespmem:s4+$0x180];
	v14 =	vadd.f32 v31, v14;
	[tilespmem:s25+$0x80] =	vst v11  }
0x2e1: {  	v42 =	vadd.s32 $0x3A98, v8;
	v41 =	vld.idx.msk [tilespmem:v33+s3+$0x0], $0xffff  }
0x2e2: {  	v47 =	vld [tilespmem:s25+$0x180];
	[tilespmem:s30+$0x80] =	vst v14;
	v53 =	vadd.f32 v34, v45  }
0x2e3: {  	v17 =	vld.idx.msk [tilespmem:v35+s3+$0x0], $0xffff;
	v16 =	vadd.f32 v36, v16  }
0x2e4: {  	v44 =	vadd.s32 $0x3A98, v9;
	v50 =	vld [tilespmem:s29+$0x180];
	[tilespmem:s4+$0x100] =	vst v53  }
0x2e5: {  	v19 =	vld.idx.msk [tilespmem:v51+s3+$0x0], $0xffff;
	[tilespmem:s29+$0x100] =	vst v16  }
0x2e6: {  	v46 =	vadd.s32 $0x3A98, v10;
	v48 =	vadd.f32 v38, v41;
	v14 =	vld.idx.msk [tilespmem:v42+s3+$0x0], $0xffff  }
0x2e7: {  	v49 =	vadd.s32 $0x7530, v0;
	v26 =	vld [tilespmem:s30+$0x180]  }
0x2e8: {  	v5 =	vld.idx.msk [tilespmem:v5+s3+$0x0], $0xffff;
	v63 =	vadd.s32 $0x4E20, v3;
	v17 =	vadd.f32 v39, v17;
	[tilespmem:s25+$0x100] =	vst v48  }
0x2e9: {  	p0 =	por !p0, !p0;
	v54 =	vadd.s32 $0x4E20, v8;
	s0 =	simm.s32 $0x1;
	v12 =	vadd.f32 v13, v12;
	v52 =	vld.idx.msk [tilespmem:v44+s3+$0x0], $0xffff  }
0x2ea: {  	s0 =	simm.s32 @!p0 $0x0;
	v56 =	vld [tilespmem:s16+$0xA480];
	[tilespmem:s30+$0x100] =	vst v17;
	v23 =	vadd.f32 v43, v19  }
0x2eb: {  	s0 =	sshll.u32 s0, $0x6;
	[tilespmem:s1+$0xA480] =	vst v12;
	v55 =	vld.idx.msk [tilespmem:v46+s3+$0x0], $0xffff;
	v14 =	vadd.f32 v50, v14  }
0x2ec: {  	v57 =	vadd.s32 $0x4E20, v9;
	s22 =	sadd.s32 s0, s10;
	v58 =	vld.idx.msk [tilespmem:v49+s3+$0x0], $0xffff;
	[tilespmem:s4+$0x180] =	vst v23  }
0x2ed: {  	s1 =	sadd.s32 $0x30, s22;
	v4 =	vadd.f32 v15, v4;
	v15 =	vld.idx.msk [tilespmem:v63+s3+$0x0], $0xffff;
	[tilespmem:s29+$0x180] =	vst v14  }
0x2ee: {  	v59 =	vadd.s32 $0x4E20, v10;
	s12 =	sor.u32 $0x200, s1;
	v13 =	vadd.f32 v47, v52;
	v14 =	vld.idx.msk [tilespmem:v54+s3+$0x0], $0xffff  }
0x2ef: {  	s29 =	sor.u32 $0x200, s22;
	v62 =	vld [tilespmem:s12+$0xA480]  }
0x2f0: {  	s26 =	sadd.s32 $0x10, s22;
	v61 =	vadd.f32 v26, v55;
	[tilespmem:s25+$0x180] =	vst v13;
	v29 =	vld [tilespmem:s29+$0xA480]  }
0x2f1: {  	s5 =	sor.u32 $0x200, s26;
	v13 =	vld.idx.msk [tilespmem:v57+s3+$0x0], $0xffff  }
0x2f2: {  	s28 =	sadd.s32 $0x20, s22;
	v24 =	vadd.s32 $0x61A8, v8;
	[tilespmem:s30+$0x180] =	vst v61;
	v21 =	vld [tilespmem:s5+$0xA480]  }
0x2f3: {  	s7 =	sor.u32 $0x200, s28;
	v17 =	vld.idx.msk [tilespmem:v59+s3+$0x0], $0xffff  }
0x2f4: {  	v33 =	vadd.s32 $0x61A8, v3;
	v25 =	vld [tilespmem:s7+$0xA480];
	v27 =	vadd.f32 v62, v14  }
0x2f5: {  	v60 =	vld [tilespmem:s15+$0xA480];
	[tilespmem:s20+$0xA480] =	vst v4  }
0x2f6: {  	v1 =	vld.idx.msk [tilespmem:v1+s3+$0x0], $0xffff;
	v26 =	vadd.s32 $0x61A8, v9;
	v15 =	vadd.f32 v29, v15;
	[tilespmem:s12+$0xA480] =	vst v27  }
0x2f7: {  	v5 =	vadd.f32 v56, v5;
	v28 =	vadd.s32 $0x61A8, v10;
	s30 =	sor.u32 $0x280, s1;
	v11 =	vld.idx.msk [tilespmem:v24+s3+$0x0], $0xffff  }
0x2f8: {  	v30 =	vadd.f32 v21, v13;
	[tilespmem:s29+$0xA480] =	vst v15;
	v32 =	vld [tilespmem:s30+$0xA480]  }
0x2f9: {  	s9 =	sor.u32 $0x280, s22;
	[tilespmem:s16+$0xA480] =	vst v5;
	v31 =	vadd.f32 v25, v17;
	v5 =	vld.idx.msk [tilespmem:v33+s3+$0x0], $0xffff  }
0x2fa: {  	[tilespmem:s5+$0xA480] =	vst v30;
	v41 =	vld [tilespmem:s9+$0xA480]  }
0x2fb: {  	[tilespmem:s7+$0xA480] =	vst v31;
	v4 =	vld.idx.msk [tilespmem:v26+s3+$0x0], $0xffff  }
0x2fc: {  	s7 =	sor.u32 $0x280, s26;
	v12 =	vld.idx.msk [tilespmem:v28+s3+$0x0], $0xffff  }
0x2fd: {  	s8 =	sor.u32 $0x280, s28;
	v35 =	vadd.s32 $0x7530, v8;
	v34 =	vld [tilespmem:s7+$0xA480]  }
0x2fe: {  	v36 =	vld [tilespmem:s8+$0xA480]  }
0x2ff: {  	v2 =	vld.idx.msk [tilespmem:v2+s3+$0x0], $0xffff;
	v11 =	vadd.f32 v32, v11  }
0x300: {  	v37 =	vld [tilespmem:s23+$0xA480];
	v45 =	vadd.s32 $0x7530, v3  }
0x301: {  	v38 =	vadd.s32 $0x7530, v9;
	v39 =	vld [tilespmem:s24+$0xA480];
	v5 =	vadd.f32 v41, v5;
	[tilespmem:s30+$0xA480] =	vst v11  }
0x302: {  	v40 =	vadd.s32 $0x7530, v10;
	s12 =	sor.u32 $0x300, s1;
	v4 =	vadd.f32 v34, v4;
	v42 =	vld.idx.msk [tilespmem:v35+s3+$0x0], $0xffff  }
0x303: {  	s22 =	sor.u32 $0x300, s22;
	v12 =	vadd.f32 v36, v12;
	[tilespmem:s9+$0xA480] =	vst v5;
	v44 =	vld [tilespmem:s12+$0xA480]  }
0x304: {  	v50 =	vld [tilespmem:s22+$0xA480];
	[tilespmem:s7+$0xA480] =	vst v4  }
0x305: {  	[tilespmem:s8+$0xA480] =	vst v12;
	v12 =	vld.idx.msk [tilespmem:v45+s3+$0x0], $0xffff  }
0x306: {  	v43 =	vadd.s32 $0x88B8, v0;
	v4 =	vld.idx.msk [tilespmem:v38+s3+$0x0], $0xffff  }
0x307: {  	s16 =	sor.u32 $0x300, s26;
	v8 =	vadd.s32 $0x88B8, v8;
	v16 =	vadd.f32 v60, v58;
	v13 =	vld.idx.msk [tilespmem:v40+s3+$0x0], $0xffff  }
0x308: {  	s20 =	sor.u32 $0x300, s28;
	v46 =	vld [tilespmem:s16+$0xA480]  }
0x309: {  	[tilespmem:s15+$0xA480] =	vst v16;
	v54 =	vadd.s32 $0x88B8, v3;
	v47 =	vld [tilespmem:s20+$0xA480];
	v49 =	vadd.f32 v44, v42  }
0x30a: {  	v51 =	vld [tilespmem:s18+$0xA480]  }
0x30b: {  	v48 =	vadd.s32 $0x88B8, v9;
	v0 =	vld.idx.msk [tilespmem:v43+s3+$0x0], $0xffff;
	v56 =	vadd.f32 v50, v12;
	[tilespmem:s12+$0xA480] =	vst v49  }
0x30c: {  	v10 =	vadd.s32 $0x88B8, v10;
	s25 =	sor.u32 $0x380, s1;
	v8 =	vld.idx.msk [tilespmem:v8+s3+$0x0], $0xffff  }
0x30d: {  	s1 =	sor.u32 $0x380, s26;
	s26 =	sor.u32 $0x380, s28;
	s28 =	sor.u32 s10, s17;
	v4 =	vadd.f32 v46, v4;
	v53 =	vld [tilespmem:s25+$0xA480];
	[tilespmem:s22+$0xA480] =	vst v56  }
0x30e: {  	s29 =	sor.u32 $0x380, s28;
	v52 =	vadd.f32 v47, v13;
	v3 =	vld.idx.msk [tilespmem:v54+s3+$0x0], $0xffff  }
0x30f: {  	[tilespmem:s16+$0xA480] =	vst v4;
	v59 =	vld [tilespmem:s29+$0xA480]  }
0x310: {  	[tilespmem:s20+$0xA480] =	vst v52;
	v4 =	vld.idx.msk [tilespmem:v48+s3+$0x0], $0xffff  }
0x311: {  	v6 =	vadd.f32 v7, v6;
	v55 =	vld.idx.msk [tilespmem:v10+s3+$0x0], $0xffff  }
0x312: {  	v1 =	vadd.f32 v37, v1;
	v57 =	vld [tilespmem:s1+$0xA480]  }
0x313: {  	[tilespmem:s2+$0xA480] =	vst v6;
	v2 =	vadd.f32 v39, v2;
	v58 =	vld [tilespmem:s26+$0xA480]  }
0x314: {  	[tilespmem:s23+$0xA480] =	vst v1;
	v0 =	vadd.f32 v51, v0  }
0x315: {  	[tilespmem:s24+$0xA480] =	vst v2;
	v60 =	vadd.f32 v53, v8  }
0x316: {  	[tilespmem:s18+$0xA480] =	vst v0;
	v63 =	vadd.f32 v59, v3  }
0x317: {  	s13 =	sadd.s32 $0x1, s13;
	v61 =	vadd.f32 v57, v4;
	[tilespmem:s25+$0xA480] =	vst v60  }
0x318: {  	p0 =	sne.s32 s13, $0x63;
	v62 =	vadd.f32 v58, v55;
	[tilespmem:s29+$0xA480] =	vst v63  }
.Ltmp3:
0x319: {  	[tilespmem:s1+$0xA480] =	vst v61;
	(pc) =	sbr.rel @p0 .LBB2_4-.Ltmp3, $4  }
0x31a: {  	s30 =	rddreg [dreg:$0x2];
	[tilespmem:s26+$0xA480] =	vst v62  }
0x31b: {  	s31 =	smov.u32 s14;
	s5 =	simm.s32 $0xA480;
	s1 =	rddreg [dreg:$0x16]  }
0x31c: {  	s12 =	smov.u32 s6;
	s6 =	smov.u32 s11;
	s0 =	sadd.s32 s30, s1  }
0x31d: {  	[hbm4b:s0+s3] =	stream.linear.scatter [tilespmem:s5], [sflag:$0x5], $0x2000, $0x38;
	[tilespmem:$0xE480] =	vst v63  }
0x31e: {  	s0 =	simm.s32 $0x5  }
0x31f: {  	_ =	swait.ge [sflag:s0], $0x2000  }
0x320: {  	[sflag:s0] =	ssyncset.done $0x0  }
0x321: {  	s2 =	simm.s32 $0x4;
	[sflag:s0] =	ssyncadd.s32 $0xFFFFE000  }
0x322: {  	_ =	swait.ge [sflag:s2], $0x400  }
0x323: {  	[sflag:s2] =	ssyncset.done $0x0  }
0x324: {  	s4 =	simm.s32 $0x2;
	[sflag:s2] =	ssyncadd.s32 $0xFFFFFC00  }
0x325: {  	_ =	swait.ge [sflag:s4], $0x2000  }
0x326: {  	s2 =	simm.s32 $0x0;
	[sflag:s4] =	ssyncset.done $0x0  }
0x327: {  	s5 =	sand.u32 $0x3C0, s2;
	[sflag:s4] =	ssyncadd.s32 $0xFFFFE000  }
0x328: {  	v0 =	vld [tilespmem:s5+$0xA080];
	_ =	sdelay $0x4  }
0x329: {  	v0 =	vcvt.s32.f32 v0;
	_ =	sdelay $0x1  }
0x32a: {  	v0 =	vadd.f32 $5.000000000e-01, v0;
	_ =	sdelay $0x1  }
0x32b: {  	v0 =	vmul.f32 $9.999999770e-03, v0;
	_ =	sdelay $0x1  }
0x32c: {  	v0 =	vtrunc.f32 v0  }
0x32d: {  	v3 =	vcvt.f32.s32 v0;
	_ =	sdelay $0x2  }
0x32e: {  	s7 =	sand.u32 $0x40, s2;
	s1 =	sand.u32 $0x1C00, s2  }
0x32f: {  	s4 =	sor.u32 s7, s1  }
0x330: {  	v0 =	vld [tilespmem:s4+$0xC480]  }
0x331: {  	v1 =	vld.idx.msk [tilespmem:v3+s3+$0x0], $0xffff;
	_ =	sdelay $0x2  }
0x332: {  	v2 =	vadd.s32 $0x1388, v3;
	_ =	sdelay $0x1  }
0x333: {  	v0 =	vadd.f32 v0, v1;
	_ =	sdelay $0x1  }
0x334: {  	v1 =	vld [tilespmem:s4+$0xC500];
	[tilespmem:s4+$0xC480] =	vst v0  }
0x335: {  	v0 =	vld.idx.msk [tilespmem:v2+s3+$0x0], $0xffff;
	_ =	sdelay $0x2  }
0x336: {  	v2 =	vadd.s32 $0x2710, v3  }
0x337: {  	s8 =	simm.s32 $0xA0B0  }
0x338: {  	v0 =	vadd.f32 v1, v0;
	v1 =	vld [tilespmem:s8+$0x0]  }
0x339: {  	v4 =	vld [tilespmem:s4+$0xC580]  }
0x33a: {  	v5 =	vld [tilespmem:s8+$0xFFFFFFE0];
	[tilespmem:s4+$0xC500] =	vst v0  }
0x33b: {  	v0 =	vld.idx.msk [tilespmem:v2+s3+$0x0], $0xffff  }
0x33c: {  	v2 =	vld [tilespmem:s8+$0xFFFFFFF0]  }
0x33d: {  	v1 =	vcvt.s32.f32 v1  }
0x33e: {  	v6 =	vadd.s32 $0x3A98, v3  }
0x33f: {  	v1 =	vadd.f32 $5.000000000e-01, v1  }
0x340: {  	v0 =	vadd.f32 v4, v0;
	v4 =	vcvt.s32.f32 v5  }
0x341: {  	v2 =	vcvt.s32.f32 v2;
	v1 =	vmul.f32 $9.999999770e-03, v1  }
0x342: {  	v5 =	vld [tilespmem:s4+$0xC600];
	[tilespmem:s4+$0xC580] =	vst v0;
	v0 =	vadd.f32 $5.000000000e-01, v4  }
0x343: {  	v4 =	vld.idx.msk [tilespmem:v6+s3+$0x0], $0xffff;
	v6 =	vadd.f32 $5.000000000e-01, v2;
	v1 =	vtrunc.f32 v1  }
0x344: {  	v0 =	vmul.f32 $9.999999770e-03, v0;
	v2 =	vcvt.f32.s32 v1  }
0x345: {  	v1 =	vmul.f32 $9.999999770e-03, v6  }
0x346: {  	v0 =	vtrunc.f32 v0  }
0x347: {  	v8 =	vld [tilespmem:s4+$0xC490];
	v7 =	vtrunc.f32 v1;
	v1 =	vcvt.f32.s32 v0  }
0x348: {  	v14 =	vld [tilespmem:s4+$0xC620];
	v5 =	vadd.f32 v5, v4  }
0x349: {  	s9 =	simm.s32 $0x40;
	v6 =	vadd.s32 $0x4E20, v3;
	v4 =	vcvt.f32.s32 v7;
	v7 =	vld [tilespmem:s4+$0xC4B0]  }
0x34a: {  	s5 =	sand.u32 $0x3C0, s9;
	[tilespmem:s4+$0xC600] =	vst v5;
	v5 =	vld.idx.msk [tilespmem:v2+s3+$0x0], $0xffff  }
0x34b: {  	p0 =	por $0x0, $0x0;
	s0 =	simm.s32 $0x1;
	v12 =	vld [tilespmem:s5+$0xA080]  }
0x34c: {  	s0 =	simm.s32 @!p0 $0x0;
	v0 =	vld [tilespmem:s4+$0xC4A0]  }
0x34d: {  	s0 =	sshll.u32 s0, $0x6;
	v9 =	vadd.s32 $0x1388, v2;
	v10 =	vld.idx.msk [tilespmem:v1+s3+$0x0], $0xffff  }
0x34e: {  	s10 =	sadd.s32 $0x0, s0;
	v6 =	vld.idx.msk [tilespmem:v6+s3+$0x0], $0xffff  }
0x34f: {  	s0 =	sor.u32 $0x200, s10;
	v11 =	vld.idx.msk [tilespmem:v4+s3+$0x0], $0xffff;
	v5 =	vadd.f32 v7, v5  }
0x350: {  	v13 =	vadd.s32 $0x1388, v1;
	v7 =	vld [tilespmem:s0+$0xC480]  }
0x351: {  	v16 =	vld [tilespmem:s4+$0xC630];
	[tilespmem:s4+$0xC4B0] =	vst v5  }
0x352: {  	v5 =	vld.idx.msk [tilespmem:v9+s3+$0x0], $0xffff;
	v8 =	vadd.f32 v8, v10;
	v9 =	vadd.s32 $0x1388, v4  }
0x353: {  	v15 =	vadd.s32 $0x61A8, v3;
	v10 =	vld [tilespmem:s4+$0xC530]  }
0x354: {  	v0 =	vadd.f32 v0, v11;
	[tilespmem:s4+$0xC490] =	vst v8;
	v8 =	vld [tilespmem:s4+$0xC520]  }
0x355: {  	v12 =	vcvt.s32.f32 v12;
	v6 =	vadd.f32 v7, v6;
	v7 =	vld.idx.msk [tilespmem:v13+s3+$0x0], $0xffff  }
0x356: {  	v11 =	vadd.s32 $0x2710, v2;
	v13 =	vld [tilespmem:s4+$0xC510];
	[tilespmem:s4+$0xC4A0] =	vst v0  }
0x357: {  	v12 =	vadd.f32 $5.000000000e-01, v12;
	[tilespmem:s0+$0xC480] =	vst v6;
	v6 =	vld.idx.msk [tilespmem:v9+s3+$0x0], $0xffff  }
0x358: {  	s17 =	sor.u32 $0x280, s10;
	v0 =	vadd.f32 v10, v5;
	v9 =	vld.idx.msk [tilespmem:v15+s3+$0x0], $0xffff  }
0x359: {  	s16 =	simm.s32 $0xA0F0;
	v5 =	vmul.f32 $9.999999770e-03, v12;
	v10 =	vld [tilespmem:s17+$0xC480]  }
0x35a: {  	s13 =	simm.s32 $0x200;
	v59 =	vld [tilespmem:s16+$0x0];
	v12 =	vadd.s32 $0x2710, v1;
	[tilespmem:s4+$0xC530] =	vst v0  }
0x35b: {  	s18 =	sand.u32 $0x40, s9;
	s7 =	sand.u32 $0x1C00, s13;
	v0 =	vtrunc.f32 v5;
	v5 =	vld.idx.msk [tilespmem:v11+s3+$0x0], $0xffff  }
0x35c: {  	s11 =	sor.u32 s18, s7;
	v7 =	vadd.f32 v13, v7;
	v11 =	vadd.s32 $0x2710, v4;
	v13 =	vld [tilespmem:s4+$0xC5B0]  }
0x35d: {  	v17 =	vld [tilespmem:s11+$0xC480];
	v0 =	vcvt.f32.s32 v0  }
0x35e: {  	[tilespmem:s4+$0xC510] =	vst v7;
	v6 =	vadd.f32 v8, v6;
	v9 =	vadd.f32 v10, v9;
	v10 =	vld [tilespmem:s4+$0xC590]  }
0x35f: {  	v8 =	vadd.s32 $0x3A98, v2;
	v7 =	vld.idx.msk [tilespmem:v12+s3+$0x0], $0xffff  }
0x360: {  	v18 =	vadd.s32 $0x7530, v3;
	v15 =	vld [tilespmem:s4+$0xC5A0];
	[tilespmem:s4+$0xC520] =	vst v6  }
0x361: {  	v6 =	vld.idx.msk [tilespmem:v11+s3+$0x0], $0xffff;
	v5 =	vadd.f32 v13, v5  }
0x362: {  	v57 =	vld [tilespmem:s11+$0xC600];
	[tilespmem:s17+$0xC480] =	vst v9  }
0x363: {  	v12 =	vadd.s32 $0x3A98, v1;
	v9 =	vld.idx.msk [tilespmem:v0+s3+$0x0], $0xffff;
	[tilespmem:s4+$0xC5B0] =	vst v5  }
0x364: {  	v5 =	vld.idx.msk [tilespmem:v8+s3+$0x0], $0xffff;
	v7 =	vadd.f32 v10, v7;
	v10 =	vadd.s32 $0x3A98, v4  }
0x365: {  	s19 =	sor.u32 $0x300, s10;
	v11 =	vld.idx.msk [tilespmem:v18+s3+$0x0], $0xffff  }
0x366: {  	v13 =	vadd.s32 $0x1388, v0;
	v8 =	vld [tilespmem:s19+$0xC480];
	v6 =	vadd.f32 v15, v6  }
0x367: {  	[tilespmem:s4+$0xC590] =	vst v7;
	v7 =	vld [tilespmem:s4+$0xC610];
	v15 =	vadd.s32 $0x4E20, v2  }
0x368: {  	v9 =	vadd.f32 v17, v9;
	v12 =	vld.idx.msk [tilespmem:v12+s3+$0x0], $0xffff;
	[tilespmem:s4+$0xC5A0] =	vst v6  }
0x369: {  	v6 =	vld.idx.msk [tilespmem:v10+s3+$0x0], $0xffff;
	v5 =	vadd.f32 v16, v5  }
0x36a: {  	v3 =	vadd.s32 $0x88B8, v3;
	[tilespmem:s11+$0xC480] =	vst v9;
	v10 =	vld [tilespmem:s11+$0xC500]  }
0x36b: {  	s14 =	sadd.s32 $0x30, s10;
	v8 =	vadd.f32 v8, v11;
	v11 =	vadd.s32 $0x4E20, v1;
	v9 =	vld.idx.msk [tilespmem:v13+s3+$0x0], $0xffff;
	[tilespmem:s4+$0xC630] =	vst v5  }
0x36c: {  	s20 =	sor.u32 $0x200, s14;
	v5 =	vld.idx.msk [tilespmem:v15+s3+$0x0], $0xffff  }
0x36d: {  	[tilespmem:s19+$0xC480] =	vst v8;
	v8 =	vadd.s32 $0x4E20, v4;
	v7 =	vadd.f32 v7, v12;
	v12 =	vld [tilespmem:s20+$0xC480]  }
0x36e: {  	v58 =	vld [tilespmem:s11+$0xC580]  }
0x36f: {  	s17 =	sadd.s32 $0x10, s10;
	v13 =	vld.idx.msk [tilespmem:v3+s3+$0x0], $0xffff;
	v3 =	vadd.s32 $0x2710, v0;
	[tilespmem:s4+$0xC610] =	vst v7;
	v6 =	vadd.f32 v14, v6  }
0x370: {  	s21 =	sor.u32 $0x200, s17;
	v7 =	vld.idx.msk [tilespmem:v11+s3+$0x0], $0xffff;
	v11 =	vadd.s32 $0x61A8, v2  }
0x371: {  	s15 =	sadd.s32 $0x20, s10;
	v9 =	vadd.f32 v10, v9;
	v10 =	vld [tilespmem:s21+$0xC480];
	[tilespmem:s4+$0xC620] =	vst v6  }
0x372: {  	s22 =	sor.u32 $0x200, s15;
	v6 =	vld.idx.msk [tilespmem:v8+s3+$0x0], $0xffff;
	v5 =	vadd.f32 v12, v5  }
0x373: {  	[tilespmem:s11+$0xC500] =	vst v9;
	v8 =	vld [tilespmem:s22+$0xC480]  }
0x374: {  	v9 =	vadd.s32 $0x61A8, v1;
	v3 =	vld.idx.msk [tilespmem:v3+s3+$0x0], $0xffff;
	[tilespmem:s20+$0xC480] =	vst v5  }
0x375: {  	s23 =	sor.u32 $0x280, s14;
	v5 =	vld.idx.msk [tilespmem:v11+s3+$0x0], $0xffff  }
0x376: {  	v7 =	vadd.f32 v10, v7;
	v10 =	vadd.s32 $0x61A8, v4;
	v11 =	vld [tilespmem:s23+$0xC480]  }
0x377: {  	v15 =	vld [tilespmem:s16+$0xFFFFFFE0]  }
0x378: {  	v14 =	vadd.s32 $0x3A98, v0;
	v12 =	vld [tilespmem:s16+$0xFFFFFFF0];
	[tilespmem:s21+$0xC480] =	vst v7;
	v6 =	vadd.f32 v8, v6  }
0x379: {  	s24 =	sor.u32 $0x280, s17;
	v8 =	vadd.s32 $0x7530, v2;
	v7 =	vld.idx.msk [tilespmem:v9+s3+$0x0], $0xffff  }
0x37a: {  	v3 =	vadd.f32 v58, v3;
	v9 =	vld [tilespmem:s24+$0xC480];
	[tilespmem:s22+$0xC480] =	vst v6  }
0x37b: {  	s25 =	sor.u32 $0x280, s15;
	v6 =	vld.idx.msk [tilespmem:v10+s3+$0x0], $0xffff;
	v5 =	vadd.f32 v11, v5  }
0x37c: {  	[tilespmem:s11+$0xC580] =	vst v3;
	v3 =	vld [tilespmem:s25+$0xC480]  }
0x37d: {  	v11 =	vadd.s32 $0x7530, v1;
	v10 =	vld.idx.msk [tilespmem:v14+s3+$0x0], $0xffff;
	[tilespmem:s23+$0xC480] =	vst v5  }
0x37e: {  	s2 =	sor.u32 s2, s2;
	s26 =	sor.u32 $0x300, s14;
	v5 =	vld.idx.msk [tilespmem:v8+s3+$0x0], $0xffff  }
0x37f: {  	s2 =	sor.u32 $0x380, s2;
	v8 =	vcvt.s32.f32 v59;
	v7 =	vadd.f32 v9, v7;
	v9 =	vadd.s32 $0x7530, v4;
	v14 =	vld [tilespmem:s26+$0xC480]  }
0x380: {  	v19 =	vadd.s32 $0x4E20, v0;
	v60 =	vld [tilespmem:s2+$0xC480];
	v12 =	vcvt.s32.f32 v12  }
0x381: {  	v15 =	vcvt.s32.f32 v15;
	v61 =	vadd.f32 $5.000000000e-01, v8;
	v8 =	vld [tilespmem:s11+$0xC4A0];
	[tilespmem:s24+$0xC480] =	vst v7;
	v3 =	vadd.f32 v3, v6  }
0x382: {  	s28 =	sor.u32 $0x300, s17;
	v2 =	vadd.s32 $0x88B8, v2;
	v6 =	vadd.f32 $5.000000000e-01, v12;
	v11 =	vld.idx.msk [tilespmem:v11+s3+$0x0], $0xffff  }
0x383: {  	v7 =	vadd.f32 $5.000000000e-01, v15;
	v10 =	vadd.f32 v57, v10;
	v15 =	vld [tilespmem:s28+$0xC480];
	v12 =	vmul.f32 $9.999999770e-03, v61;
	[tilespmem:s25+$0xC480] =	vst v3  }
0x384: {  	s29 =	sor.u32 $0x300, s15;
	v6 =	vmul.f32 $9.999999770e-03, v6;
	v62 =	vld.idx.msk [tilespmem:v9+s3+$0x0], $0xffff;
	v5 =	vadd.f32 v14, v5  }
0x385: {  	v9 =	vmul.f32 $9.999999770e-03, v7;
	[tilespmem:s11+$0xC600] =	vst v10;
	v10 =	vld [tilespmem:s29+$0xC480];
	v3 =	vtrunc.f32 v12  }
0x386: {  	v7 =	vld.idx.msk [tilespmem:v19+s3+$0x0], $0xffff;
	v3 =	vcvt.f32.s32 v3;
	[tilespmem:s26+$0xC480] =	vst v5  }
0x387: {  	s30 =	sor.u32 $0x380, s14;
	v5 =	vtrunc.f32 v6;
	v6 =	vtrunc.f32 v9;
	v12 =	vld.idx.msk [tilespmem:v2+s3+$0x0], $0xffff  }
0x388: {  	v2 =	vcvt.f32.s32 v6;
	v6 =	vadd.f32 v15, v11;
	v15 =	vadd.s32 $0x88B8, v1;
	v63 =	vld [tilespmem:s30+$0xC480]  }
0x389: {  	v9 =	vld [tilespmem:s11+$0xC490];
	v1 =	vcvt.f32.s32 v5  }
0x38a: {  	s4 =	sor.u32 $0x380, s17;
	v11 =	vld [tilespmem:s11+$0xC4B0];
	[tilespmem:s28+$0xC480] =	vst v6  }
0x38b: {  	v4 =	vadd.s32 $0x88B8, v4;
	v6 =	vadd.f32 v60, v13;
	v5 =	vld [tilespmem:s4+$0xC480]  }
0x38c: {  	v10 =	vadd.f32 v10, v62;
	v14 =	vld.idx.msk [tilespmem:v3+s3+$0x0], $0xffff  }
0x38d: {  	p0 =	por !p0, !p0;
	[tilespmem:s2+$0xC480] =	vst v6;
	v6 =	vld.idx.msk [tilespmem:v15+s3+$0x0], $0xffff;
	v15 =	vadd.f32 v63, v12  }
0x38e: {  	s14 =	sor.u32 $0x380, s15;
	s15 =	sor.u32 s13, s9;
	s0 =	simm.s32 $0x1;
	[tilespmem:s29+$0xC480] =	vst v10;
	v13 =	vld.idx.msk [tilespmem:v2+s3+$0x0], $0xffff  }
0x38f: {  	s0 =	simm.s32 @!p0 $0x0;
	s10 =	simm.s32 $0x4;
	s17 =	simm.s32 $0x80;
	v10 =	vadd.s32 $0x1388, v3;
	v12 =	vld.idx.msk [tilespmem:v1+s3+$0x0], $0xffff;
	[tilespmem:s30+$0xC480] =	vst v15  }
.LBB2_10:
0x390: {  	s1 =	sand.u32 $0x3C0, s17;
	s10 =	sadd.s32 $0x4, s10;
	s0 =	sshll.u32 s0, $0x6;
	v4 =	vld.idx.msk [tilespmem:v4+s3+$0x0], $0xffff  }
0x391: {  	p1 =	slt.u32 s10, $0x3C;
	s18 =	sadd.s32 s0, s13;
	v15 =	vld [tilespmem:s14+$0xC480]  }
0x392: {  	v11 =	vadd.f32 v11, v14;
	v16 =	vld [tilespmem:s1+$0xA080];
	s0 =	sor.u32 $0x200, s18;
	s2 =	sadd.s32 $0x20, s18;
	s1 =	sadd.s32 $0x30, s18  }
0x393: {  	v5 =	vadd.f32 v5, v6;
	v14 =	vld [tilespmem:s0+$0xC480];
	s5 =	sor.u32 $0x380, s2  }
0x394: {  	v6 =	vadd.s32 $0x1388, v2;
	v17 =	vld [tilespmem:s11+$0xC620];
	[tilespmem:s11+$0xC4B0] =	vst v11  }
0x395: {  	v10 =	vld.idx.msk [tilespmem:v10+s3+$0x0], $0xffff;
	[tilespmem:s4+$0xC480] =	vst v5  }
0x396: {  	v5 =	vadd.f32 v9, v13;
	v9 =	vadd.s32 $0x1388, v1;
	v11 =	vld [tilespmem:s11+$0xC530];
	v4 =	vadd.f32 v15, v4  }
0x397: {  	v15 =	vadd.s32 $0x61A8, v0;
	v13 =	vcvt.s32.f32 v16;
	v16 =	vld [tilespmem:s11+$0xC630]  }
0x398: {  	v7 =	vadd.f32 v14, v7;
	[tilespmem:s11+$0xC490] =	vst v5;
	v5 =	vadd.f32 v8, v12;
	v8 =	vld [tilespmem:s11+$0xC520]  }
0x399: {  	v12 =	vadd.f32 $5.000000000e-01, v13;
	v6 =	vld.idx.msk [tilespmem:v6+s3+$0x0], $0xffff;
	v13 =	vadd.s32 $0x2710, v3;
	[tilespmem:s14+$0xC480] =	vst v4;
	s14 =	smov.u32 s5  }
0x39a: {  	v4 =	vld [tilespmem:s11+$0xC510];
	[tilespmem:s11+$0xC4A0] =	vst v5  }
0x39b: {  	v5 =	vmul.f32 $9.999999770e-03, v12;
	[tilespmem:s0+$0xC480] =	vst v7;
	v7 =	vld.idx.msk [tilespmem:v9+s3+$0x0], $0xffff;
	v9 =	vadd.f32 v11, v10  }
0x39c: {  	s0 =	sor.u32 $0x280, s18;
	v10 =	vld.idx.msk [tilespmem:v15+s3+$0x0], $0xffff  }
0x39d: {  	v12 =	vadd.s32 $0x2710, v2;
	v5 =	vtrunc.f32 v5;
	v11 =	vld [tilespmem:s0+$0xC480];
	[tilespmem:s11+$0xC530] =	vst v9  }
0x39e: {  	s13 =	sadd.s32 $0x200, s13;
	v5 =	vcvt.f32.s32 v5;
	v9 =	vld.idx.msk [tilespmem:v13+s3+$0x0], $0xffff  }
0x39f: {  	s7 =	sand.u32 $0x1C00, s13;
	s4 =	sor.u32 s13, s17;
	s5 =	sand.u32 $0x40, s17;
	v4 =	vadd.f32 v4, v6;
	v6 =	vadd.s32 $0x2710, v1;
	v13 =	vld [tilespmem:s11+$0xC5B0]  }
0x3a0: {  	s19 =	sor.u32 s5, s7;
	v14 =	vld [tilespmem:s11+$0xC5A0]  }
0x3a1: {  	v18 =	vadd.s32 $0x7530, v0;
	v15 =	vld [tilespmem:s19+$0xC480];
	[tilespmem:s11+$0xC510] =	vst v4;
	v4 =	vadd.f32 v8, v7  }
0x3a2: {  	v7 =	vadd.f32 v11, v10;
	v8 =	vld.idx.msk [tilespmem:v12+s3+$0x0], $0xffff;
	v10 =	vadd.s32 $0x3A98, v3  }
0x3a3: {  	v11 =	vld [tilespmem:s11+$0xC590];
	[tilespmem:s11+$0xC520] =	vst v4  }
0x3a4: {  	[tilespmem:s0+$0xC480] =	vst v7;
	v4 =	vld.idx.msk [tilespmem:v6+s3+$0x0], $0xffff;
	v6 =	vadd.f32 v13, v9  }
0x3a5: {  	v7 =	vld.idx.msk [tilespmem:v5+s3+$0x0], $0xffff  }
0x3a6: {  	v12 =	vadd.s32 $0x3A98, v2;
	v9 =	vld.idx.msk [tilespmem:v18+s3+$0x0], $0xffff;
	[tilespmem:s11+$0xC5B0] =	vst v6  }
0x3a7: {  	s0 =	sor.u32 $0x300, s18;
	v6 =	vld.idx.msk [tilespmem:v10+s3+$0x0], $0xffff  }
0x3a8: {  	v10 =	vld [tilespmem:s0+$0xC480];
	v8 =	vadd.f32 v11, v8;
	v11 =	vadd.s32 $0x3A98, v1  }
0x3a9: {  	v13 =	vadd.s32 $0x1388, v5;
	v18 =	vld [tilespmem:s19+$0xC600]  }
0x3aa: {  	v4 =	vadd.f32 v14, v4;
	[tilespmem:s11+$0xC590] =	vst v8;
	v8 =	vld [tilespmem:s11+$0xC610]  }
0x3ab: {  	v14 =	vadd.s32 $0x4E20, v3;
	v7 =	vadd.f32 v15, v7;
	v12 =	vld.idx.msk [tilespmem:v12+s3+$0x0], $0xffff  }
0x3ac: {  	v15 =	vld [tilespmem:s19+$0xC580];
	[tilespmem:s11+$0xC5A0] =	vst v4  }
0x3ad: {  	v6 =	vadd.f32 v16, v6;
	[tilespmem:s19+$0xC480] =	vst v7;
	v4 =	vadd.f32 v10, v9;
	v7 =	vadd.s32 $0x88B8, v0;
	v9 =	vld.idx.msk [tilespmem:v11+s3+$0x0], $0xffff  }
0x3ae: {  	v0 =	vmov v5;
	v10 =	vld.idx.msk [tilespmem:v13+s3+$0x0], $0xffff  }
0x3af: {  	v11 =	vadd.s32 $0x4E20, v2;
	v5 =	vld [tilespmem:s19+$0xC500];
	[tilespmem:s11+$0xC630] =	vst v6  }
0x3b0: {  	[tilespmem:s0+$0xC480] =	vst v4;
	v4 =	vld.idx.msk [tilespmem:v14+s3+$0x0], $0xffff;
	s0 =	sor.u32 $0x200, s1  }
0x3b1: {  	v6 =	vadd.f32 v8, v12;
	v8 =	vadd.s32 $0x4E20, v1;
	v12 =	vld [tilespmem:s0+$0xC480]  }
0x3b2: {  	s16 =	sadd.s32 $0x40, s16;
	v7 =	vld.idx.msk [tilespmem:v7+s3+$0x0], $0xffff  }
0x3b3: {  	s18 =	sadd.s32 $0x10, s18;
	v13 =	vadd.s32 $0x2710, v0;
	v14 =	vld [tilespmem:s16+$0xFFFFFFE0];
	[tilespmem:s11+$0xC610] =	vst v6;
	v6 =	vadd.f32 v17, v9  }
0x3b4: {  	s5 =	sor.u32 $0x200, s18;
	v5 =	vadd.f32 v5, v10;
	v9 =	vld.idx.msk [tilespmem:v11+s3+$0x0], $0xffff;
	v10 =	vadd.s32 $0x61A8, v3  }
0x3b5: {  	v11 =	vld [tilespmem:s5+$0xC480];
	[tilespmem:s11+$0xC620] =	vst v6;
	s11 =	smov.u32 s19  }
0x3b6: {  	s7 =	sor.u32 $0x200, s2;
	[tilespmem:s11+$0xC500] =	vst v5;
	v5 =	vld.idx.msk [tilespmem:v8+s3+$0x0], $0xffff;
	v4 =	vadd.f32 v12, v4  }
0x3b7: {  	v6 =	vld [tilespmem:s7+$0xC480]  }
0x3b8: {  	v12 =	vadd.s32 $0x61A8, v2;
	v8 =	vld.idx.msk [tilespmem:v13+s3+$0x0], $0xffff;
	[tilespmem:s0+$0xC480] =	vst v4  }
0x3b9: {  	s0 =	sor.u32 $0x280, s1;
	v4 =	vld.idx.msk [tilespmem:v10+s3+$0x0], $0xffff  }
0x3ba: {  	v10 =	vadd.s32 $0x61A8, v1;
	v9 =	vadd.f32 v11, v9;
	v11 =	vld [tilespmem:s0+$0xC480]  }
0x3bb: {  	v13 =	vld [tilespmem:s16+$0xFFFFFFF0]  }
0x3bc: {  	v16 =	vadd.s32 $0x3A98, v0;
	v17 =	vld [tilespmem:s16+$0x0];
	[tilespmem:s5+$0xC480] =	vst v9;
	v5 =	vadd.f32 v6, v5  }
0x3bd: {  	s5 =	sor.u32 $0x280, s18;
	v9 =	vadd.s32 $0x7530, v3;
	v6 =	vld.idx.msk [tilespmem:v12+s3+$0x0], $0xffff  }
0x3be: {  	v8 =	vadd.f32 v15, v8;
	v12 =	vld [tilespmem:s5+$0xC480];
	[tilespmem:s7+$0xC480] =	vst v5  }
0x3bf: {  	s7 =	sor.u32 $0x280, s2;
	v5 =	vld.idx.msk [tilespmem:v10+s3+$0x0], $0xffff;
	v4 =	vadd.f32 v11, v4  }
0x3c0: {  	[tilespmem:s11+$0xC580] =	vst v8;
	v10 =	vld [tilespmem:s7+$0xC480]  }
0x3c1: {  	v15 =	vadd.s32 $0x7530, v2;
	v11 =	vld.idx.msk [tilespmem:v16+s3+$0x0], $0xffff;
	[tilespmem:s0+$0xC480] =	vst v4  }
0x3c2: {  	v4 =	vcvt.s32.f32 v17;
	s0 =	sor.u32 $0x300, s1;
	v9 =	vld.idx.msk [tilespmem:v9+s3+$0x0], $0xffff  }
0x3c3: {  	s8 =	sor.u32 $0x380, s15;
	s15 =	smov.u32 s4;
	v8 =	vcvt.s32.f32 v13;
	v6 =	vadd.f32 v12, v6;
	v12 =	vadd.s32 $0x7530, v1;
	v13 =	vld [tilespmem:s0+$0xC480]  }
0x3c4: {  	p0 =	por !p0, !p0;
	v14 =	vcvt.s32.f32 v14;
	v4 =	vadd.f32 $5.000000000e-01, v4;
	v16 =	vld [tilespmem:s8+$0xC480]  }
0x3c5: {  	v17 =	vadd.s32 $0x4E20, v0;
	v19 =	vadd.f32 $5.000000000e-01, v8;
	v8 =	vld [tilespmem:s11+$0xC4A0];
	[tilespmem:s5+$0xC480] =	vst v6;
	v5 =	vadd.f32 v10, v5  }
0x3c6: {  	s4 =	sor.u32 $0x300, s18;
	v6 =	vadd.f32 $5.000000000e-01, v14;
	v4 =	vmul.f32 $9.999999770e-03, v4;
	v14 =	vld.idx.msk [tilespmem:v15+s3+$0x0], $0xffff;
	v15 =	vadd.s32 $0x88B8, v3  }
0x3c7: {  	v10 =	vmul.f32 $9.999999770e-03, v19;
	v3 =	vadd.f32 v18, v11;
	v11 =	vld [tilespmem:s4+$0xC480];
	[tilespmem:s7+$0xC480] =	vst v5  }
0x3c8: {  	s2 =	sor.u32 $0x300, s2;
	v5 =	vmul.f32 $9.999999770e-03, v6;
	v4 =	vtrunc.f32 v4;
	v6 =	vld.idx.msk [tilespmem:v12+s3+$0x0], $0xffff;
	v9 =	vadd.f32 v13, v9  }
0x3c9: {  	v10 =	vtrunc.f32 v10;
	[tilespmem:s11+$0xC600] =	vst v3;
	v3 =	vcvt.f32.s32 v4;
	v4 =	vadd.f32 v16, v7;
	v12 =	vld [tilespmem:s2+$0xC480]  }
0x3ca: {  	v5 =	vtrunc.f32 v5;
	v16 =	vcvt.f32.s32 v10;
	v7 =	vld.idx.msk [tilespmem:v17+s3+$0x0], $0xffff;
	[tilespmem:s0+$0xC480] =	vst v9  }
0x3cb: {  	s1 =	sor.u32 $0x380, s1;
	v5 =	vcvt.f32.s32 v5;
	v10 =	vadd.s32 $0x1388, v3;
	[tilespmem:s8+$0xC480] =	vst v4;
	v13 =	vld.idx.msk [tilespmem:v15+s3+$0x0], $0xffff  }
0x3cc: {  	v15 =	vadd.s32 $0x88B8, v2;
	v4 =	vadd.f32 v11, v14;
	v17 =	vld [tilespmem:s1+$0xC480]  }
0x3cd: {  	v2 =	vmov v5;
	v9 =	vld [tilespmem:s11+$0xC490]  }
0x3ce: {  	v11 =	vld [tilespmem:s11+$0xC4B0];
	[tilespmem:s4+$0xC480] =	vst v4;
	s4 =	sor.u32 $0x380, s18;
	v6 =	vadd.f32 v12, v6  }
.Ltmp4:
0x3cf: {  	v4 =	vadd.s32 $0x88B8, v1;
	v1 =	vmov v16;
	v5 =	vld [tilespmem:s4+$0xC480];
	(pc) =	sbr.rel @p1 .LBB2_10-.Ltmp4, $4  }
0x3d0: {  	v14 =	vld.idx.msk [tilespmem:v3+s3+$0x0], $0xffff;
	[tilespmem:s2+$0xC480] =	vst v6  }
0x3d1: {  	v6 =	vld.idx.msk [tilespmem:v15+s3+$0x0], $0xffff;
	v15 =	vadd.f32 v17, v13  }
0x3d2: {  	s0 =	simm.s32 $0x1;
	v13 =	vld.idx.msk [tilespmem:v2+s3+$0x0], $0xffff  }
0x3d3: {  	s17 =	sadd.s32 $0x40, s17;
	s0 =	simm.s32 @!p0 $0x0;
	v12 =	vld.idx.msk [tilespmem:v16+s3+$0x0], $0xffff;
	[tilespmem:s1+$0xC480] =	vst v15  }
0x3d4: {  	_ = 	snop  }
0x3d5: {  	v46 =	vadd.s32 $0x1388, v2;
	v11 =	vadd.f32 v11, v14;
	_ =	sdelay $0x1  }
0x3d6: {  	v47 =	vld [tilespmem:s11+$0xC530];
	v48 =	vadd.s32 $0x1388, v1;
	[tilespmem:s11+$0xC4B0] =	vst v11;
	v9 =	vadd.f32 v9, v13  }
0x3d7: {  	v10 =	vld.idx.msk [tilespmem:v10+s3+$0x0], $0xffff  }
0x3d8: {  	v50 =	vld [tilespmem:s11+$0xC510];
	v8 =	vadd.f32 v8, v12;
	[tilespmem:s11+$0xC490] =	vst v9  }
0x3d9: {  	v49 =	vld.idx.msk [tilespmem:v46+s3+$0x0], $0xffff  }
0x3da: {  	v51 =	vadd.s32 $0x2710, v3;
	v16 =	vld [tilespmem:s11+$0xC520];
	[tilespmem:s11+$0xC4A0] =	vst v8  }
0x3db: {  	v9 =	vld.idx.msk [tilespmem:v48+s3+$0x0], $0xffff  }
0x3dc: {  	v53 =	vadd.s32 $0x2710, v2;
	v10 =	vadd.f32 v47, v10;
	_ =	sdelay $0x1  }
0x3dd: {  	v55 =	vadd.s32 $0x2710, v1;
	v56 =	vld [tilespmem:s11+$0xC5B0];
	[tilespmem:s11+$0xC530] =	vst v10;
	v54 =	vadd.f32 v50, v49  }
0x3de: {  	v12 =	vld.idx.msk [tilespmem:v51+s3+$0x0], $0xffff  }
0x3df: {  	v57 =	vld [tilespmem:s11+$0xC590];
	v9 =	vadd.f32 v16, v9;
	[tilespmem:s11+$0xC510] =	vst v54  }
0x3e0: {  	v10 =	vld.idx.msk [tilespmem:v53+s3+$0x0], $0xffff  }
0x3e1: {  	v58 =	vld [tilespmem:s11+$0xC5A0];
	v59 =	vadd.s32 $0x3A98, v3;
	[tilespmem:s11+$0xC520] =	vst v9  }
0x3e2: {  	v13 =	vld.idx.msk [tilespmem:v55+s3+$0x0], $0xffff  }
0x3e3: {  	v60 =	vadd.s32 $0x3A98, v2;
	v12 =	vadd.f32 v56, v12;
	_ =	sdelay $0x1  }
0x3e4: {  	v52 =	vld [tilespmem:s11+$0xC630];
	v61 =	vadd.s32 $0x3A98, v1;
	v10 =	vadd.f32 v57, v10;
	[tilespmem:s11+$0xC5B0] =	vst v12  }
0x3e5: {  	v9 =	vld.idx.msk [tilespmem:v59+s3+$0x0], $0xffff  }
0x3e6: {  	v62 =	vld [tilespmem:s11+$0xC610];
	v63 =	vadd.f32 v58, v13;
	[tilespmem:s11+$0xC590] =	vst v10  }
0x3e7: {  	v16 =	vld.idx.msk [tilespmem:v60+s3+$0x0], $0xffff  }
0x3e8: {  	v15 =	vld [tilespmem:s11+$0xC620];
	v17 =	vadd.s32 $0x4E20, v3;
	[tilespmem:s11+$0xC5A0] =	vst v63  }
0x3e9: {  	s0 =	sshll.u32 s0, $0x6;
	v11 =	vld.idx.msk [tilespmem:v61+s3+$0x0], $0xffff  }
0x3ea: {  	v18 =	vadd.s32 $0x4E20, v2;
	s0 =	sadd.s32 s0, s13;
	v8 =	vadd.f32 v52, v9  }
0x3eb: {  	s5 =	sor.u32 $0x200, s0  }
0x3ec: {  	v21 =	vadd.s32 $0x4E20, v1;
	s1 =	sadd.s32 $0x30, s0;
	v19 =	vld [tilespmem:s5+$0xC480];
	[tilespmem:s11+$0xC630] =	vst v8;
	v20 =	vadd.f32 v62, v16  }
0x3ed: {  	s7 =	sor.u32 $0x200, s1;
	v22 =	vld.idx.msk [tilespmem:v17+s3+$0x0], $0xffff  }
0x3ee: {  	s10 =	sadd.s32 $0x10, s0;
	v23 =	vld [tilespmem:s7+$0xC480];
	v24 =	vadd.f32 v15, v11;
	[tilespmem:s11+$0xC610] =	vst v20  }
0x3ef: {  	s8 =	sor.u32 $0x200, s10;
	v9 =	vld.idx.msk [tilespmem:v18+s3+$0x0], $0xffff  }
0x3f0: {  	v25 =	vadd.s32 $0x61A8, v0;
	s2 =	sadd.s32 $0x20, s0;
	v26 =	vld [tilespmem:s8+$0xC480];
	[tilespmem:s11+$0xC620] =	vst v24  }
0x3f1: {  	v27 =	vadd.s32 $0x61A8, v3;
	s9 =	sor.u32 $0x200, s2;
	v7 =	vadd.f32 v19, v7;
	v10 =	vld.idx.msk [tilespmem:v21+s3+$0x0], $0xffff  }
0x3f2: {  	v28 =	vld [tilespmem:s9+$0xC480]  }
0x3f3: {  	v30 =	vadd.s32 $0x61A8, v2;
	s18 =	sor.u32 $0x280, s0;
	[tilespmem:s5+$0xC480] =	vst v7;
	v29 =	vadd.f32 v23, v22  }
0x3f4: {  	v31 =	vld [tilespmem:s18+$0xC480]  }
0x3f5: {  	v33 =	vadd.s32 $0x61A8, v1;
	v11 =	vld.idx.msk [tilespmem:v25+s3+$0x0], $0xffff;
	[tilespmem:s7+$0xC480] =	vst v29;
	v32 =	vadd.f32 v26, v9  }
0x3f6: {  	s19 =	sor.u32 $0x280, s1;
	v8 =	vld.idx.msk [tilespmem:v27+s3+$0x0], $0xffff  }
0x3f7: {  	v34 =	vld [tilespmem:s19+$0xC480];
	v35 =	vadd.f32 v28, v10;
	[tilespmem:s8+$0xC480] =	vst v32  }
0x3f8: {  	v36 =	vadd.s32 $0x7530, v0;
	s20 =	sor.u32 $0x280, s10;
	v37 =	vld.idx.msk [tilespmem:v30+s3+$0x0], $0xffff  }
0x3f9: {  	v38 =	vld [tilespmem:s20+$0xC480];
	[tilespmem:s9+$0xC480] =	vst v35  }
0x3fa: {  	v40 =	vadd.s32 $0x7530, v3;
	s21 =	sor.u32 $0x280, s2;
	v39 =	vadd.f32 v31, v11;
	v9 =	vld.idx.msk [tilespmem:v33+s3+$0x0], $0xffff  }
0x3fb: {  	v41 =	vld [tilespmem:s21+$0xC480]  }
0x3fc: {  	v4 =	vld.idx.msk [tilespmem:v4+s3+$0x0], $0xffff;
	v43 =	vadd.s32 $0x7530, v2;
	[tilespmem:s18+$0xC480] =	vst v39;
	v42 =	vadd.f32 v34, v8  }
0x3fd: {  	s0 =	sor.u32 $0x300, s0;
	v10 =	vld.idx.msk [tilespmem:v36+s3+$0x0], $0xffff  }
0x3fe: {  	v46 =	vadd.s32 $0x7530, v1;
	v44 =	vld [tilespmem:s0+$0xC480];
	[tilespmem:s19+$0xC480] =	vst v42;
	v45 =	vadd.f32 v38, v37  }
0x3ff: {  	s22 =	sor.u32 $0x300, s1;
	v11 =	vld.idx.msk [tilespmem:v40+s3+$0x0], $0xffff  }
0x400: {  	v47 =	vld [tilespmem:s22+$0xC480];
	v48 =	vadd.f32 v41, v9;
	[tilespmem:s20+$0xC480] =	vst v45  }
0x401: {  	s23 =	sor.u32 $0x300, s10;
	v49 =	vadd.s32 $0x88B8, v0;
	v8 =	vld.idx.msk [tilespmem:v43+s3+$0x0], $0xffff  }
0x402: {  	v50 =	vld [tilespmem:s23+$0xC480];
	[tilespmem:s21+$0xC480] =	vst v48  }
0x403: {  	s24 =	sor.u32 $0x300, s2;
	v52 =	vadd.s32 $0x88B8, v3;
	v51 =	vadd.f32 v44, v10;
	v53 =	vld.idx.msk [tilespmem:v46+s3+$0x0], $0xffff  }
0x404: {  	v54 =	vld [tilespmem:s24+$0xC480]  }
0x405: {  	v55 =	vld [tilespmem:s14+$0xC480];
	[tilespmem:s0+$0xC480] =	vst v51;
	v11 =	vadd.f32 v47, v11  }
0x406: {  	s25 =	sor.u32 $0x380, s15;
	v56 =	vadd.s32 $0x88B8, v2;
	v0 =	vld.idx.msk [tilespmem:v49+s3+$0x0], $0xffff  }
0x407: {  	v58 =	vadd.s32 $0x88B8, v1;
	v57 =	vld [tilespmem:s25+$0xC480];
	[tilespmem:s22+$0xC480] =	vst v11;
	v8 =	vadd.f32 v50, v8  }
0x408: {  	s1 =	sor.u32 $0x380, s1;
	v3 =	vld.idx.msk [tilespmem:v52+s3+$0x0], $0xffff  }
0x409: {  	s26 =	sor.u32 $0x380, s10;
	v59 =	vld [tilespmem:s1+$0xC480];
	v60 =	vadd.f32 v54, v53;
	[tilespmem:s23+$0xC480] =	vst v8  }
0x40a: {  	v61 =	vld [tilespmem:s26+$0xC480]  }
0x40b: {  	[tilespmem:s24+$0xC480] =	vst v60;
	v2 =	vld.idx.msk [tilespmem:v56+s3+$0x0], $0xffff  }
0x40c: {  	s2 =	sor.u32 $0x380, s2;
	v1 =	vld.idx.msk [tilespmem:v58+s3+$0x0], $0xffff  }
0x40d: {  	v5 =	vadd.f32 v5, v6;
	v62 =	vld [tilespmem:s2+$0xC480]  }
0x40e: {  	v4 =	vadd.f32 v55, v4  }
0x40f: {  	[tilespmem:s4+$0xC480] =	vst v5;
	v0 =	vadd.f32 v57, v0  }
0x410: {  	[tilespmem:s14+$0xC480] =	vst v4;
	v3 =	vadd.f32 v59, v3  }
0x411: {  	[tilespmem:s25+$0xC480] =	vst v0;
	v63 =	vadd.f32 v61, v2  }
0x412: {  	[tilespmem:s1+$0xC480] =	vst v3;
	v1 =	vadd.f32 v62, v1  }
0x413: {  	[tilespmem:s26+$0xC480] =	vst v63  }
0x414: {  	[tilespmem:s2+$0xC480] =	vst v1  }
0x415: {  	s28 =	simm.s32 $0x6;
	s4 =	simm.s32 $0xC480;
	s0 =	rddreg [dreg:$0x13]  }
0x416: {  	[hbm4b:s0+s3] =	stream.linear.scatter [tilespmem:s4], [sflag:$0x6], $0x2000, $0x38;
	[tilespmem:$0xE480] =	vst v63  }
0x417: {  	_ =	swait.ge [sflag:s28], $0x2000  }
0x418: {  	s29 =	rddreg [dreg:$0x15]  }
0x419: {  	s30 =	rddreg [dreg:$0x14];
	s2 =	sadd.s32 $0x1, s29  }
0x41a: {  	p0 =	sne.s32 s2, s30  }
.Ltmp5:
0x41b: {  	_ = 	snop;
	(pc) =	sbr.rel @p0 .LBB2_1-.Ltmp5, $3  }
0x41c: {  	_ =	sdelay $0x1  }
0x41d: {  	[sflag:s28] =	ssyncset.done $0x0  }
0x41e: {  	s5 =	simm.s32 $0xA480;
	[sflag:s28] =	ssyncadd.s32 $0xFFFFE000  }
0x41f: {  	_ =	sfence.sel $0x180000  }
0x420: {  	[bflag:$0x0] =	sbarrier.arrive $0xFFFF  }
0x421: {  	_ =	strace $0x90000047  }
0x422: {  	s0 =	stileid.u32;
	[bflag:$0x2] =	sbarrier.arrive $0xFFFF  }
0x423: {  	p0 =	sne.s32 s0, $0x0;
	s0 =	rddreg [dreg:$0x3]  }
0x424: {  	s0 =	sadd.s32 @!p0 $0x100000, s0  }
0x425: {  	[sflag:s0] =	ssyncadd.tile.s32 @!p0 $0x1;
	_ =	shalt  }
.Lfunc_end2:
_tile_overlayer_lowered:
.L_overlay_start_2:
0x426: {  	(tag) =	ssettag $0x2  }
0x427: {  	s0 =	rddreg [dreg:$0x0];
	s2 =	stileid.u32  }
0x428: {  	s1 =	rddreg [dreg:$0x1];
	p0 =	sne.s32 s2, $0x0  }
0x429: {  	s3 =	rddreg [dreg:$0x2];
	[bflag:$0x3] =	sbarrier.arrive $0xFFFF;
	s2 =	simm.s32 @!p0 $0x1C08  }
0x42a: {  	[timem:s3], [sflag:s2] =	dma.local @!p0 [hbm:s0], s1  }
0x42b: {  	s0 =	simm.s32 @!p0 $0x8  }
0x42c: {  	_ =	swait.ge @!p0 [sflag:s0], s1  }
0x42d: {  	s1 =	ssub.s32 @!p0 $0x0, s1;
	[sflag:s0] =	ssyncset.done @!p0 $0x0  }
0x42e: {  	[sflag:s0] =	ssyncadd.s32 @!p0 s1  }
0x42f: {  	[bflag:$0x3] =	sbarrier.arrive $0xFFFF  }
0x430: {  	_ =	shalt  }

</sc_bundles>
